<compile_context>
chip_gen: v7x
topology: tpu7x:2x2x1
jax: 0.10.2.dev20260603
libtpu: 0.0.44.dev20260713+nightly
codegen_flags: <defaults>
</compile_context>

<pallas_src>
import functools

import jax
import jax.numpy as jnp
from jax import lax
from jax.experimental import pallas as pl
from jax.experimental.pallas import tpu as pltpu
from jax.experimental.pallas import tpu_sc as plsc

NUM_FIELDS = 26
VOCAB = 100000
EMBED = 32
BATCH = 16384

NC = 2
NS = 16
NW = NC * NS
L = 16

NPAIR = NUM_FIELDS * EMBED
PPW = NPAIR // NW
BCHUNK = 2048
NCB = BATCH // BCHUNK
GU = 16


@functools.partial(
    pl.kernel,
    mesh=plsc.VectorSubcoreMesh(core_axis_name="c", subcore_axis_name="s"),
    out_type=jax.ShapeDtypeStruct((NPAIR, BATCH), jnp.float32),
    scratch_types=[
        pltpu.VMEM((VOCAB,), jnp.float32),
        pltpu.VMEM((BATCH,), jnp.int32),
        pltpu.VMEM((BCHUNK,), jnp.float32),
        pltpu.VMEM((BCHUNK,), jnp.float32),
        pltpu.SemaphoreType.DMA,
        pltpu.SemaphoreType.DMA,
        pltpu.SemaphoreType.DMA,
        pltpu.SemaphoreType.DMA,
    ],
    compiler_params=pltpu.CompilerParams(
        use_tc_tiling_on_sc=True, needs_layout_passes=False
    ),
)
def _embed_gather(x_hbm, tab_hbm, out_hbm, slice_v, idx_v, row0, row1,
                  ssem, isem, osem0, osem1):
    rows = (row0, row1)
    osems = (osem0, osem1)

    wid = lax.axis_index("c") * NS + lax.axis_index("s")
    p0 = wid * PPW

    def out_start(p, cb, k):
        pltpu.async_copy(
            rows[k], out_hbm.at[p, pl.ds(cb * BCHUNK, BCHUNK)], osems[k]
        )

    def out_wait(k):
        pltpu.make_async_copy(
            rows[k], out_hbm.at[0, pl.ds(0, BCHUNK)], osems[k]
        ).wait()

    def gather_chunk(cb, k):
        def body(u, c):
            base = u * (L * GU)
            for g in range(GU):
                s = base + g * L
                vi = idx_v[pl.ds(cb * BCHUNK + s, L)]
                rows[k][pl.ds(s, L)] = plsc.load_gather(slice_v, [vi])
            return c

        lax.fori_loop(0, BCHUNK // (L * GU), body, 0)

    def pair_body(i, carry):
        p = p0 + i
        f = p // EMBED
        e = p % EMBED
        pltpu.async_copy(tab_hbm.at[f, e], slice_v, ssem)

        @pl.when(jnp.logical_or(i == 0, e == 0))
        def _():
            pltpu.async_copy(x_hbm.at[f], idx_v, isem)
            pltpu.make_async_copy(x_hbm.at[0], idx_v, isem).wait()

        pltpu.make_async_copy(tab_hbm.at[0, 0], slice_v, ssem).wait()
        for cb in range(NCB):
            k = cb % 2
            if cb >= 2:
                out_wait(k)
            else:
                @pl.when(i > 0)
                def _():
                    out_wait(k)
            gather_chunk(cb, k)
            out_start(p, cb, k)
        return carry

    lax.fori_loop(0, PPW, pair_body, 0)
    out_wait(0)
    out_wait(1)


def kernel(input_x, tables):
    x_t = jnp.transpose(input_x, (1, 0)).astype(jnp.int32)
    tab_t = jnp.transpose(tables, (0, 2, 1))
    out_t = _embed_gather(x_t, tab_t)
    return jnp.transpose(out_t, (1, 0))

# --- scband reference (transcript-rebuilt; emitter-appended) ---
"""Pipeline reference for scband-token-embedding-24240795418644 (READ-ONLY COPY).

The authoritative reference and input builder live on the scoring server;
editing this copy changes nothing except your own understanding.
"""

import jax, jax.numpy as jnp
import numpy as np

NUM_FIELDS = 26
VOCAB = 100000
EMBED = 32
BATCH = 16384


def setup_inputs(seed: int = 0) -> dict:
    key = jax.random.key(seed)
    k1, k2 = jax.random.split(key)
    input_x = jax.random.randint(k1, (BATCH, NUM_FIELDS), 0, VOCAB)
    # one embedding table per field, xavier-uniform style init
    bound = float(np.sqrt(6.0 / (VOCAB + EMBED)))
    tables = jax.random.uniform(k2, (NUM_FIELDS, VOCAB, EMBED), minval=-bound, maxval=bound, dtype=jnp.float32)
    return {"input_x": input_x, "tables": tables}


def reference(input_x, tables):
    # 2D input path of TokenEmbedding.forward: per-field gather then concat
    num_fields = input_x.shape[1]
    embeddings = []
    for i in range(num_fields):
        emb = jnp.take(tables[i], input_x[:, i], axis=0)  # [B, EMBED]
        embeddings.append(emb)
    return jnp.concatenate(embeddings, axis=1)  # [B, num_fields*EMBED]

if __name__ == "__main__":
    import jax
    _d = setup_inputs()
    print(jax.jit(kernel)(*tuple(_d.values())))

</pallas_src>

<mosaic_0001>
#map = affine_map<(d0, d1) -> (0, 0)>
#map1 = affine_map<(d0, d1) -> (0, 0, 0)>
module attributes {stable_mosaic.version = 14 : i64} {
  func.func @_embed_gather(%arg0: i32, %arg1: i32, %arg2: memref<26x16384xi32, #tpu.memory_space<hbm>>, %arg3: memref<26x32x100000xf32, #tpu.memory_space<hbm>>, %arg4: memref<832x16384xf32, #tpu.memory_space<hbm>>, %arg5: memref<100000xf32, #tpu.memory_space<vmem>>, %arg6: memref<16384xi32, #tpu.memory_space<vmem>>, %arg7: memref<2048xf32, #tpu.memory_space<vmem>>, %arg8: memref<2048xf32, #tpu.memory_space<vmem>>, %arg9: memref<!tpu.dma_semaphore, #tpu.memory_space<semaphore_mem>>, %arg10: memref<!tpu.dma_semaphore, #tpu.memory_space<semaphore_mem>>, %arg11: memref<!tpu.dma_semaphore, #tpu.memory_space<semaphore_mem>>, %arg12: memref<!tpu.dma_semaphore, #tpu.memory_space<semaphore_mem>>) attributes {dimension_semantics = [#tpu.dimension_semantics<core_parallel>, #tpu.dimension_semantics<subcore_parallel>], iteration_bounds = array<i64: 2, 16>, scalar_prefetch = 0 : i64, scratch_operands = 8 : i64, tpu.core_type = #tpu.core_type<sc_vector_subcore>, window_params = [{transform_indices = #map}, {transform_indices = #map1}, {transform_indices = #map}]} {
    %mul3A = arith.constant 16 : i32
    %mul3A_0 = arith.muli %arg0, %mul3A : i32
    %add3A = arith.addi %mul3A_0, %arg1 : i32
    %mul3A_1 = arith.constant 26 : i32
    %mul3A_2 = arith.muli %add3A, %mul3A_1 : i32
    %scan3A = arith.constant 0 : i32
    %scan3A_3 = arith.constant 0 : i32
    %scan3A_4 = arith.constant 26 : i32
    %scan3A_5 = arith.addi %scan3A_3, %scan3A_4 : i32
    %scan3A_6 = arith.constant 1 : i32
    scf.for %scan3A_21 = %scan3A_3 to %scan3A_5 step %scan3A_6  : i32 {
      %add3A_22 = arith.addi %mul3A_2, %scan3A_21 : i32
      %jit3A = arith.constant 32 : i32
      %div3A = arith.divsi %add3A_22, %jit3A : i32
      %sign3A = arith.constant 0 : i32
      %sign3A_23 = arith.cmpi sgt, %add3A_22, %sign3A : i32
      %sign3A_24 = arith.extui %sign3A_23 : i1 to i32
      %sign3A_25 = arith.constant 0 : i32
      %sign3A_26 = arith.cmpi slt, %add3A_22, %sign3A_25 : i32
      %sign3A_27 = arith.extui %sign3A_26 : i1 to i32
      %sign3A_28 = arith.subi %sign3A_24, %sign3A_27 : i32
      %sign3A_29 = arith.constant 0 : i32
      %sign3A_30 = arith.cmpi sgt, %jit3A, %sign3A_29 : i32
      %sign3A_31 = arith.extui %sign3A_30 : i1 to i32
      %sign3A_32 = arith.constant 0 : i32
      %sign3A_33 = arith.cmpi slt, %jit3A, %sign3A_32 : i32
      %sign3A_34 = arith.extui %sign3A_33 : i1 to i32
      %sign3A_35 = arith.subi %sign3A_31, %sign3A_34 : i32
      %ne3A = arith.cmpi ne, %sign3A_28, %sign3A_35 : i32
      %rem3A = arith.remsi %add3A_22, %jit3A : i32
      %ne3A_36 = arith.constant 0 : i32
      %ne3A_37 = arith.cmpi ne, %rem3A, %ne3A_36 : i32
      %and3A = arith.andi %ne3A, %ne3A_37 : i1
      %sub3A = arith.constant 1 : i32
      %sub3A_38 = arith.subi %div3A, %sub3A : i32
      %select_n3A = arith.select %and3A, %sub3A_38, %div3A : i32
      %jit3A_39 = arith.constant 32 : i32
      %eq3A = arith.constant 0 : i32
      %eq3A_40 = arith.cmpi eq, %jit3A_39, %eq3A : i32
      %jit3A_41 = arith.constant 1 : i32
      %select_n3A_42 = arith.select %eq3A_40, %jit3A_41, %jit3A_39 : i32
      %rem3A_43 = arith.remsi %add3A_22, %select_n3A_42 : i32
      %ne3A_44 = arith.constant 0 : i32
      %ne3A_45 = arith.cmpi ne, %rem3A_43, %ne3A_44 : i32
      %lt3A = arith.constant 0 : i32
      %lt3A_46 = arith.cmpi slt, %rem3A_43, %lt3A : i32
      %lt3A_47 = arith.constant 0 : i32
      %lt3A_48 = arith.cmpi slt, %select_n3A_42, %lt3A_47 : i32
      %ne3A_49 = arith.xori %lt3A_46, %lt3A_48 : i1
      %and3A_50 = arith.andi %ne3A_49, %ne3A_45 : i1
      %add3A_51 = arith.addi %rem3A_43, %select_n3A_42 : i32
      %select_n3A_52 = arith.select %and3A_50, %add3A_51, %rem3A_43 : i32
      %dma_start3A = arith.constant 0 : i32
      %dma_start3A_53 = tpu.memref_slice %arg3[%select_n3A, %select_n3A_52, %dma_start3A] : memref<26x32x100000xf32, #tpu.memory_space<hbm>> -> memref<1x1x100000xf32, #tpu.memory_space<hbm>>
      %dma_start3A_54 = tpu.memref_squeeze %dma_start3A_53 : memref<1x1x100000xf32, #tpu.memory_space<hbm>> -> memref<100000xf32, #tpu.memory_space<hbm>>
      %dma_start3A_55 = arith.constant 0 : i32
      %dma_start3A_56 = tpu.memref_slice %arg3[%select_n3A, %select_n3A_52, %dma_start3A_55] : memref<26x32x100000xf32, #tpu.memory_space<hbm>> -> memref<1x1x100000xf32, #tpu.memory_space<hbm>>
      %dma_start3A_57 = tpu.memref_squeeze %dma_start3A_56 : memref<1x1x100000xf32, #tpu.memory_space<hbm>> -> memref<100000xf32, #tpu.memory_space<hbm>>
      tpu.enqueue_dma source(%dma_start3A_57 : memref<100000xf32, #tpu.memory_space<hbm>>) target(%arg5 : memref<100000xf32, #tpu.memory_space<vmem>>) target_semaphore(%arg9 : memref<!tpu.dma_semaphore, #tpu.memory_space<semaphore_mem>>)
      %eq3A_58 = arith.constant 0 : i32
      %eq3A_59 = arith.cmpi eq, %scan3A_21, %eq3A_58 : i32
      %eq3A_60 = arith.constant 0 : i32
      %eq3A_61 = arith.cmpi eq, %select_n3A_52, %eq3A_60 : i32
      %or3A = arith.ori %eq3A_59, %eq3A_61 : i1
      %convert_element_type3A = arith.extui %or3A : i1 to i32
      %cond3A = arith.constant 0 : i32
      %cond3A_62 = arith.cmpi ne, %convert_element_type3A, %cond3A : i32
      scf.if %cond3A_62 {
        %dma_start3A_218 = arith.constant 0 : i32
        %dma_start3A_219 = tpu.memref_slice %arg2[%select_n3A, %dma_start3A_218] : memref<26x16384xi32, #tpu.memory_space<hbm>> -> memref<1x16384xi32, #tpu.memory_space<hbm>>
        %dma_start3A_220 = tpu.memref_squeeze %dma_start3A_219 : memref<1x16384xi32, #tpu.memory_space<hbm>> -> memref<16384xi32, #tpu.memory_space<hbm>>
        %dma_start3A_221 = arith.constant 0 : i32
        %dma_start3A_222 = tpu.memref_slice %arg2[%select_n3A, %dma_start3A_221] : memref<26x16384xi32, #tpu.memory_space<hbm>> -> memref<1x16384xi32, #tpu.memory_space<hbm>>
        %dma_start3A_223 = tpu.memref_squeeze %dma_start3A_222 : memref<1x16384xi32, #tpu.memory_space<hbm>> -> memref<16384xi32, #tpu.memory_space<hbm>>
        tpu.enqueue_dma source(%dma_start3A_223 : memref<16384xi32, #tpu.memory_space<hbm>>) target(%arg6 : memref<16384xi32, #tpu.memory_space<vmem>>) target_semaphore(%arg10 : memref<!tpu.dma_semaphore, #tpu.memory_space<semaphore_mem>>)
        %dma_wait3A_224 = arith.constant 0 : i32
        %dma_wait3A_225 = arith.constant 0 : i32
        %dma_wait3A_226 = tpu.memref_slice %arg2[%dma_wait3A_224, %dma_wait3A_225] : memref<26x16384xi32, #tpu.memory_space<hbm>> -> memref<1x16384xi32, #tpu.memory_space<hbm>>
        %dma_wait3A_227 = tpu.memref_squeeze %dma_wait3A_226 : memref<1x16384xi32, #tpu.memory_space<hbm>> -> memref<16384xi32, #tpu.memory_space<hbm>>
        %dma_wait3A_228 = arith.constant 0 : i32
        %dma_wait3A_229 = tpu.memref_slice %arg2[%dma_wait3A_224, %dma_wait3A_228] : memref<26x16384xi32, #tpu.memory_space<hbm>> -> memref<1x16384xi32, #tpu.memory_space<hbm>>
        %dma_wait3A_230 = tpu.memref_squeeze %dma_wait3A_229 : memref<1x16384xi32, #tpu.memory_space<hbm>> -> memref<16384xi32, #tpu.memory_space<hbm>>
        tpu.wait_dma2 semaphore(%arg10 : memref<!tpu.dma_semaphore, #tpu.memory_space<semaphore_mem>>) src(%dma_wait3A_230 : memref<16384xi32, #tpu.memory_space<hbm>>) dst(%arg6 : memref<16384xi32, #tpu.memory_space<vmem>>)
      } else {
      }
      %dma_wait3A_63 = arith.constant 0 : i32
      %dma_wait3A_64 = arith.constant 0 : i32
      %dma_wait3A_65 = arith.constant 0 : i32
      %dma_wait3A_66 = tpu.memref_slice %arg3[%dma_wait3A_63, %dma_wait3A_64, %dma_wait3A_65] : memref<26x32x100000xf32, #tpu.memory_space<hbm>> -> memref<1x1x100000xf32, #tpu.memory_space<hbm>>
      %dma_wait3A_67 = tpu.memref_squeeze %dma_wait3A_66 : memref<1x1x100000xf32, #tpu.memory_space<hbm>> -> memref<100000xf32, #tpu.memory_space<hbm>>
      %dma_wait3A_68 = arith.constant 0 : i32
      %dma_wait3A_69 = tpu.memref_slice %arg3[%dma_wait3A_63, %dma_wait3A_64, %dma_wait3A_68] : memref<26x32x100000xf32, #tpu.memory_space<hbm>> -> memref<1x1x100000xf32, #tpu.memory_space<hbm>>
      %dma_wait3A_70 = tpu.memref_squeeze %dma_wait3A_69 : memref<1x1x100000xf32, #tpu.memory_space<hbm>> -> memref<100000xf32, #tpu.memory_space<hbm>>
      tpu.wait_dma2 semaphore(%arg9 : memref<!tpu.dma_semaphore, #tpu.memory_space<semaphore_mem>>) src(%dma_wait3A_70 : memref<100000xf32, #tpu.memory_space<hbm>>) dst(%arg5 : memref<100000xf32, #tpu.memory_space<vmem>>)
      %gt3A = arith.constant 0 : i32
      %gt3A_71 = arith.cmpi sgt, %scan3A_21, %gt3A : i32
      %convert_element_type3A_72 = arith.extui %gt3A_71 : i1 to i32
      %cond3A_73 = arith.constant 0 : i32
      %cond3A_74 = arith.cmpi ne, %convert_element_type3A_72, %cond3A_73 : i32
      scf.if %cond3A_74 {
        %dma_wait3A_218 = arith.constant 0 : i32
        %dma_wait3A_219 = arith.constant 0 : i32
        %dma_wait3A_220 = tpu.memref_slice %arg4[%dma_wait3A_218, %dma_wait3A_219] : memref<832x16384xf32, #tpu.memory_space<hbm>> -> memref<1x2048xf32, #tpu.memory_space<hbm>>
        %dma_wait3A_221 = tpu.memref_squeeze %dma_wait3A_220 : memref<1x2048xf32, #tpu.memory_space<hbm>> -> memref<2048xf32, #tpu.memory_space<hbm>>
        %dma_wait3A_222 = arith.constant 0 : i32
        %dma_wait3A_223 = tpu.memref_slice %arg4[%dma_wait3A_218, %dma_wait3A_222] : memref<832x16384xf32, #tpu.memory_space<hbm>> -> memref<1x2048xf32, #tpu.memory_space<hbm>>
        %dma_wait3A_224 = tpu.memref_squeeze %dma_wait3A_223 : memref<1x2048xf32, #tpu.memory_space<hbm>> -> memref<2048xf32, #tpu.memory_space<hbm>>
        tpu.wait_dma2 semaphore(%arg11 : memref<!tpu.dma_semaphore, #tpu.memory_space<semaphore_mem>>) src(%arg7 : memref<2048xf32, #tpu.memory_space<vmem>>) dst(%dma_wait3A_224 : memref<2048xf32, #tpu.memory_space<hbm>>)
      } else {
      }
      %scan3A_75 = arith.constant 0 : i32
      %scan3A_76 = arith.constant 0 : i32
      %scan3A_77 = arith.constant 8 : i32
      %scan3A_78 = arith.addi %scan3A_76, %scan3A_77 : i32
      %scan3A_79 = arith.constant 1 : i32
      scf.for %scan3A_218 = %scan3A_76 to %scan3A_78 step %scan3A_79  : i32 {
        %mul3A_219 = arith.constant 256 : i32
        %mul3A_220 = arith.muli %scan3A_218, %mul3A_219 : i32
        %add3A_221 = arith.constant 0 : i32
        %add3A_222 = arith.addi %mul3A_220, %add3A_221 : i32
        %add3A_223 = arith.constant 0 : i32
        %add3A_224 = arith.addi %add3A_223, %add3A_222 : i32
        %get3A = arith.index_cast %add3A_224 : i32 to index
        %get3A_225 = tpu.vector_load %arg6[%get3A] {strides = array<i32>} : memref<16384xi32, #tpu.memory_space<vmem>>, vector<16xi32>,
        %gather3A = tpu.vector_load_idx %arg5[%get3A_225] : memref<100000xf32, #tpu.memory_space<vmem>>[vector<16xi32>], vector<16xf32>,
        %swap3A = arith.index_cast %add3A_222 : i32 to index
        %swap3A_226 = tpu.vector_load %arg7[%swap3A] {strides = array<i32>} : memref<2048xf32, #tpu.memory_space<vmem>>, vector<16xf32>,
        tpu.vector_store %arg7[%swap3A], %gather3A {strides = array<i32>} : memref<2048xf32, #tpu.memory_space<vmem>>, vector<16xf32>,
        %add3A_227 = arith.constant 16 : i32
        %add3A_228 = arith.addi %mul3A_220, %add3A_227 : i32
        %add3A_229 = arith.constant 0 : i32
        %add3A_230 = arith.addi %add3A_229, %add3A_228 : i32
        %get3A_231 = arith.index_cast %add3A_230 : i32 to index
        %get3A_232 = tpu.vector_load %arg6[%get3A_231] {strides = array<i32>} : memref<16384xi32, #tpu.memory_space<vmem>>, vector<16xi32>,
        %gather3A_233 = tpu.vector_load_idx %arg5[%get3A_232] : memref<100000xf32, #tpu.memory_space<vmem>>[vector<16xi32>], vector<16xf32>,
        %swap3A_234 = arith.index_cast %add3A_228 : i32 to index
        %swap3A_235 = tpu.vector_load %arg7[%swap3A_234] {strides = array<i32>} : memref<2048xf32, #tpu.memory_space<vmem>>, vector<16xf32>,
        tpu.vector_store %arg7[%swap3A_234], %gather3A_233 {strides = array<i32>} : memref<2048xf32, #tpu.memory_space<vmem>>, vector<16xf32>,
        %add3A_236 = arith.constant 32 : i32
        %add3A_237 = arith.addi %mul3A_220, %add3A_236 : i32
        %add3A_238 = arith.constant 0 : i32
        %add3A_239 = arith.addi %add3A_238, %add3A_237 : i32
        %get3A_240 = arith.index_cast %add3A_239 : i32 to index
        %get3A_241 = tpu.vector_load %arg6[%get3A_240] {strides = array<i32>} : memref<16384xi32, #tpu.memory_space<vmem>>, vector<16xi32>,
        %gather3A_242 = tpu.vector_load_idx %arg5[%get3A_241] : memref<100000xf32, #tpu.memory_space<vmem>>[vector<16xi32>], vector<16xf32>,
        %swap3A_243 = arith.index_cast %add3A_237 : i32 to index
        %swap3A_244 = tpu.vector_load %arg7[%swap3A_243] {strides = array<i32>} : memref<2048xf32, #tpu.memory_space<vmem>>, vector<16xf32>,
        tpu.vector_store %arg7[%swap3A_243], %gather3A_242 {strides = array<i32>} : memref<2048xf32, #tpu.memory_space<vmem>>, vector<16xf32>,
        %add3A_245 = arith.constant 48 : i32
        %add3A_246 = arith.addi %mul3A_220, %add3A_245 : i32
        %add3A_247 = arith.constant 0 : i32
        %add3A_248 = arith.addi %add3A_247, %add3A_246 : i32
        %get3A_249 = arith.index_cast %add3A_248 : i32 to index
        %get3A_250 = tpu.vector_load %arg6[%get3A_249] {strides = array<i32>} : memref<16384xi32, #tpu.memory_space<vmem>>, vector<16xi32>,
        %gather3A_251 = tpu.vector_load_idx %arg5[%get3A_250] : memref<100000xf32, #tpu.memory_space<vmem>>[vector<16xi32>], vector<16xf32>,
        %swap3A_252 = arith.index_cast %add3A_246 : i32 to index
        %swap3A_253 = tpu.vector_load %arg7[%swap3A_252] {strides = array<i32>} : memref<2048xf32, #tpu.memory_space<vmem>>, vector<16xf32>,
        tpu.vector_store %arg7[%swap3A_252], %gather3A_251 {strides = array<i32>} : memref<2048xf32, #tpu.memory_space<vmem>>, vector<16xf32>,
        %add3A_254 = arith.constant 64 : i32
        %add3A_255 = arith.addi %mul3A_220, %add3A_254 : i32
        %add3A_256 = arith.constant 0 : i32
        %add3A_257 = arith.addi %add3A_256, %add3A_255 : i32
        %get3A_258 = arith.index_cast %add3A_257 : i32 to index
        %get3A_259 = tpu.vector_load %arg6[%get3A_258] {strides = array<i32>} : memref<16384xi32, #tpu.memory_space<vmem>>, vector<16xi32>,
        %gather3A_260 = tpu.vector_load_idx %arg5[%get3A_259] : memref<100000xf32, #tpu.memory_space<vmem>>[vector<16xi32>], vector<16xf32>,
        %swap3A_261 = arith.index_cast %add3A_255 : i32 to index
        %swap3A_262 = tpu.vector_load %arg7[%swap3A_261] {strides = array<i32>} : memref<2048xf32, #tpu.memory_space<vmem>>, vector<16xf32>,
        tpu.vector_store %arg7[%swap3A_261], %gather3A_260 {strides = array<i32>} : memref<2048xf32, #tpu.memory_space<vmem>>, vector<16xf32>,
        %add3A_263 = arith.constant 80 : i32
        %add3A_264 = arith.addi %mul3A_220, %add3A_263 : i32
        %add3A_265 = arith.constant 0 : i32
        %add3A_266 = arith.addi %add3A_265, %add3A_264 : i32
        %get3A_267 = arith.index_cast %add3A_266 : i32 to index
        %get3A_268 = tpu.vector_load %arg6[%get3A_267] {strides = array<i32>} : memref<16384xi32, #tpu.memory_space<vmem>>, vector<16xi32>,
        %gather3A_269 = tpu.vector_load_idx %arg5[%get3A_268] : memref<100000xf32, #tpu.memory_space<vmem>>[vector<16xi32>], vector<16xf32>,
        %swap3A_270 = arith.index_cast %add3A_264 : i32 to index
        %swap3A_271 = tpu.vector_load %arg7[%swap3A_270] {strides = array<i32>} : memref<2048xf32, #tpu.memory_space<vmem>>, vector<16xf32>,
        tpu.vector_store %arg7[%swap3A_270], %gather3A_269 {strides = array<i32>} : memref<2048xf32, #tpu.memory_space<vmem>>, vector<16xf32>,
        %add3A_272 = arith.constant 96 : i32
        %add3A_273 = arith.addi %mul3A_220, %add3A_272 : i32
        %add3A_274 = arith.constant 0 : i32
        %add3A_275 = arith.addi %add3A_274, %add3A_273 : i32
        %get3A_276 = arith.index_cast %add3A_275 : i32 to index
        %get3A_277 = tpu.vector_load %arg6[%get3A_276] {strides = array<i32>} : memref<16384xi32, #tpu.memory_space<vmem>>, vector<16xi32>,
        %gather3A_278 = tpu.vector_load_idx %arg5[%get3A_277] : memref<100000xf32, #tpu.memory_space<vmem>>[vector<16xi32>], vector<16xf32>,
        %swap3A_279 = arith.index_cast %add3A_273 : i32 to index
        %swap3A_280 = tpu.vector_load %arg7[%swap3A_279] {strides = array<i32>} : memref<2048xf32, #tpu.memory_space<vmem>>, vector<16xf32>,
        tpu.vector_store %arg7[%swap3A_279], %gather3A_278 {strides = array<i32>} : memref<2048xf32, #tpu.memory_space<vmem>>, vector<16xf32>,
        %add3A_281 = arith.constant 112 : i32
        %add3A_282 = arith.addi %mul3A_220, %add3A_281 : i32
        %add3A_283 = arith.constant 0 : i32
        %add3A_284 = arith.addi %add3A_283, %add3A_282 : i32
        %get3A_285 = arith.index_cast %add3A_284 : i32 to index
        %get3A_286 = tpu.vector_load %arg6[%get3A_285] {strides = array<i32>} : memref<16384xi32, #tpu.memory_space<vmem>>, vector<16xi32>,
        %gather3A_287 = tpu.vector_load_idx %arg5[%get3A_286] : memref<100000xf32, #tpu.memory_space<vmem>>[vector<16xi32>], vector<16xf32>,
        %swap3A_288 = arith.index_cast %add3A_282 : i32 to index
        %swap3A_289 = tpu.vector_load %arg7[%swap3A_288] {strides = array<i32>} : memref<2048xf32, #tpu.memory_space<vmem>>, vector<16xf32>,
        tpu.vector_store %arg7[%swap3A_288], %gather3A_287 {strides = array<i32>} : memref<2048xf32, #tpu.memory_space<vmem>>, vector<16xf32>,
        %add3A_290 = arith.constant 128 : i32
        %add3A_291 = arith.addi %mul3A_220, %add3A_290 : i32
        %add3A_292 = arith.constant 0 : i32
        %add3A_293 = arith.addi %add3A_292, %add3A_291 : i32
        %get3A_294 = arith.index_cast %add3A_293 : i32 to index
        %get3A_295 = tpu.vector_load %arg6[%get3A_294] {strides = array<i32>} : memref<16384xi32, #tpu.memory_space<vmem>>, vector<16xi32>,
        %gather3A_296 = tpu.vector_load_idx %arg5[%get3A_295] : memref<100000xf32, #tpu.memory_space<vmem>>[vector<16xi32>], vector<16xf32>,
        %swap3A_297 = arith.index_cast %add3A_291 : i32 to index
        %swap3A_298 = tpu.vector_load %arg7[%swap3A_297] {strides = array<i32>} : memref<2048xf32, #tpu.memory_space<vmem>>, vector<16xf32>,
        tpu.vector_store %arg7[%swap3A_297], %gather3A_296 {strides = array<i32>} : memref<2048xf32, #tpu.memory_space<vmem>>, vector<16xf32>,
        %add3A_299 = arith.constant 144 : i32
        %add3A_300 = arith.addi %mul3A_220, %add3A_299 : i32
        %add3A_301 = arith.constant 0 : i32
        %add3A_302 = arith.addi %add3A_301, %add3A_300 : i32
        %get3A_303 = arith.index_cast %add3A_302 : i32 to index
        %get3A_304 = tpu.vector_load %arg6[%get3A_303] {strides = array<i32>} : memref<16384xi32, #tpu.memory_space<vmem>>, vector<16xi32>,
        %gather3A_305 = tpu.vector_load_idx %arg5[%get3A_304] : memref<100000xf32, #tpu.memory_space<vmem>>[vector<16xi32>], vector<16xf32>,
        %swap3A_306 = arith.index_cast %add3A_300 : i32 to index
        %swap3A_307 = tpu.vector_load %arg7[%swap3A_306] {strides = array<i32>} : memref<2048xf32, #tpu.memory_space<vmem>>, vector<16xf32>,
        tpu.vector_store %arg7[%swap3A_306], %gather3A_305 {strides = array<i32>} : memref<2048xf32, #tpu.memory_space<vmem>>, vector<16xf32>,
        %add3A_308 = arith.constant 160 : i32
        %add3A_309 = arith.addi %mul3A_220, %add3A_308 : i32
        %add3A_310 = arith.constant 0 : i32
        %add3A_311 = arith.addi %add3A_310, %add3A_309 : i32
        %get3A_312 = arith.index_cast %add3A_311 : i32 to index
        %get3A_313 = tpu.vector_load %arg6[%get3A_312] {strides = array<i32>} : memref<16384xi32, #tpu.memory_space<vmem>>, vector<16xi32>,
        %gather3A_314 = tpu.vector_load_idx %arg5[%get3A_313] : memref<100000xf32, #tpu.memory_space<vmem>>[vector<16xi32>], vector<16xf32>,
        %swap3A_315 = arith.index_cast %add3A_309 : i32 to index
        %swap3A_316 = tpu.vector_load %arg7[%swap3A_315] {strides = array<i32>} : memref<2048xf32, #tpu.memory_space<vmem>>, vector<16xf32>,
        tpu.vector_store %arg7[%swap3A_315], %gather3A_314 {strides = array<i32>} : memref<2048xf32, #tpu.memory_space<vmem>>, vector<16xf32>,
        %add3A_317 = arith.constant 176 : i32
        %add3A_318 = arith.addi %mul3A_220, %add3A_317 : i32
        %add3A_319 = arith.constant 0 : i32
        %add3A_320 = arith.addi %add3A_319, %add3A_318 : i32
        %get3A_321 = arith.index_cast %add3A_320 : i32 to index
        %get3A_322 = tpu.vector_load %arg6[%get3A_321] {strides = array<i32>} : memref<16384xi32, #tpu.memory_space<vmem>>, vector<16xi32>,
        %gather3A_323 = tpu.vector_load_idx %arg5[%get3A_322] : memref<100000xf32, #tpu.memory_space<vmem>>[vector<16xi32>], vector<16xf32>,
        %swap3A_324 = arith.index_cast %add3A_318 : i32 to index
        %swap3A_325 = tpu.vector_load %arg7[%swap3A_324] {strides = array<i32>} : memref<2048xf32, #tpu.memory_space<vmem>>, vector<16xf32>,
        tpu.vector_store %arg7[%swap3A_324], %gather3A_323 {strides = array<i32>} : memref<2048xf32, #tpu.memory_space<vmem>>, vector<16xf32>,
        %add3A_326 = arith.constant 192 : i32
        %add3A_327 = arith.addi %mul3A_220, %add3A_326 : i32
        %add3A_328 = arith.constant 0 : i32
        %add3A_329 = arith.addi %add3A_328, %add3A_327 : i32
        %get3A_330 = arith.index_cast %add3A_329 : i32 to index
        %get3A_331 = tpu.vector_load %arg6[%get3A_330] {strides = array<i32>} : memref<16384xi32, #tpu.memory_space<vmem>>, vector<16xi32>,
        %gather3A_332 = tpu.vector_load_idx %arg5[%get3A_331] : memref<100000xf32, #tpu.memory_space<vmem>>[vector<16xi32>], vector<16xf32>,
        %swap3A_333 = arith.index_cast %add3A_327 : i32 to index
        %swap3A_334 = tpu.vector_load %arg7[%swap3A_333] {strides = array<i32>} : memref<2048xf32, #tpu.memory_space<vmem>>, vector<16xf32>,
        tpu.vector_store %arg7[%swap3A_333], %gather3A_332 {strides = array<i32>} : memref<2048xf32, #tpu.memory_space<vmem>>, vector<16xf32>,
        %add3A_335 = arith.constant 208 : i32
        %add3A_336 = arith.addi %mul3A_220, %add3A_335 : i32
        %add3A_337 = arith.constant 0 : i32
        %add3A_338 = arith.addi %add3A_337, %add3A_336 : i32
        %get3A_339 = arith.index_cast %add3A_338 : i32 to index
        %get3A_340 = tpu.vector_load %arg6[%get3A_339] {strides = array<i32>} : memref<16384xi32, #tpu.memory_space<vmem>>, vector<16xi32>,
        %gather3A_341 = tpu.vector_load_idx %arg5[%get3A_340] : memref<100000xf32, #tpu.memory_space<vmem>>[vector<16xi32>], vector<16xf32>,
        %swap3A_342 = arith.index_cast %add3A_336 : i32 to index
        %swap3A_343 = tpu.vector_load %arg7[%swap3A_342] {strides = array<i32>} : memref<2048xf32, #tpu.memory_space<vmem>>, vector<16xf32>,
        tpu.vector_store %arg7[%swap3A_342], %gather3A_341 {strides = array<i32>} : memref<2048xf32, #tpu.memory_space<vmem>>, vector<16xf32>,
        %add3A_344 = arith.constant 224 : i32
        %add3A_345 = arith.addi %mul3A_220, %add3A_344 : i32
        %add3A_346 = arith.constant 0 : i32
        %add3A_347 = arith.addi %add3A_346, %add3A_345 : i32
        %get3A_348 = arith.index_cast %add3A_347 : i32 to index
        %get3A_349 = tpu.vector_load %arg6[%get3A_348] {strides = array<i32>} : memref<16384xi32, #tpu.memory_space<vmem>>, vector<16xi32>,
        %gather3A_350 = tpu.vector_load_idx %arg5[%get3A_349] : memref<100000xf32, #tpu.memory_space<vmem>>[vector<16xi32>], vector<16xf32>,
        %swap3A_351 = arith.index_cast %add3A_345 : i32 to index
        %swap3A_352 = tpu.vector_load %arg7[%swap3A_351] {strides = array<i32>} : memref<2048xf32, #tpu.memory_space<vmem>>, vector<16xf32>,
        tpu.vector_store %arg7[%swap3A_351], %gather3A_350 {strides = array<i32>} : memref<2048xf32, #tpu.memory_space<vmem>>, vector<16xf32>,
        %add3A_353 = arith.constant 240 : i32
        %add3A_354 = arith.addi %mul3A_220, %add3A_353 : i32
        %add3A_355 = arith.constant 0 : i32
        %add3A_356 = arith.addi %add3A_355, %add3A_354 : i32
        %get3A_357 = arith.index_cast %add3A_356 : i32 to index
        %get3A_358 = tpu.vector_load %arg6[%get3A_357] {strides = array<i32>} : memref<16384xi32, #tpu.memory_space<vmem>>, vector<16xi32>,
        %gather3A_359 = tpu.vector_load_idx %arg5[%get3A_358] : memref<100000xf32, #tpu.memory_space<vmem>>[vector<16xi32>], vector<16xf32>,
        %swap3A_360 = arith.index_cast %add3A_354 : i32 to index
        %swap3A_361 = tpu.vector_load %arg7[%swap3A_360] {strides = array<i32>} : memref<2048xf32, #tpu.memory_space<vmem>>, vector<16xf32>,
        tpu.vector_store %arg7[%swap3A_360], %gather3A_359 {strides = array<i32>} : memref<2048xf32, #tpu.memory_space<vmem>>, vector<16xf32>,
      }
      %scan3A_80 = arith.constant 8 : i32
      %dma_start3A_81 = arith.constant 0 : i32
      %dma_start3A_82 = tpu.memref_slice %arg4[%add3A_22, %dma_start3A_81] : memref<832x16384xf32, #tpu.memory_space<hbm>> -> memref<1x2048xf32, #tpu.memory_space<hbm>>
      %dma_start3A_83 = tpu.memref_squeeze %dma_start3A_82 : memref<1x2048xf32, #tpu.memory_space<hbm>> -> memref<2048xf32, #tpu.memory_space<hbm>>
      %dma_start3A_84 = arith.constant 0 : i32
      %dma_start3A_85 = tpu.memref_slice %arg4[%add3A_22, %dma_start3A_84] : memref<832x16384xf32, #tpu.memory_space<hbm>> -> memref<1x2048xf32, #tpu.memory_space<hbm>>
      %dma_start3A_86 = tpu.memref_squeeze %dma_start3A_85 : memref<1x2048xf32, #tpu.memory_space<hbm>> -> memref<2048xf32, #tpu.memory_space<hbm>>
      tpu.enqueue_dma source(%arg7 : memref<2048xf32, #tpu.memory_space<vmem>>) target(%dma_start3A_86 : memref<2048xf32, #tpu.memory_space<hbm>>) target_semaphore(%arg11 : memref<!tpu.dma_semaphore, #tpu.memory_space<semaphore_mem>>)
      %gt3A_87 = arith.constant 0 : i32
      %gt3A_88 = arith.cmpi sgt, %scan3A_21, %gt3A_87 : i32
      %convert_element_type3A_89 = arith.extui %gt3A_88 : i1 to i32
      %cond3A_90 = arith.constant 0 : i32
      %cond3A_91 = arith.cmpi ne, %convert_element_type3A_89, %cond3A_90 : i32
      scf.if %cond3A_91 {
        %dma_wait3A_218 = arith.constant 0 : i32
        %dma_wait3A_219 = arith.constant 0 : i32
        %dma_wait3A_220 = tpu.memref_slice %arg4[%dma_wait3A_218, %dma_wait3A_219] : memref<832x16384xf32, #tpu.memory_space<hbm>> -> memref<1x2048xf32, #tpu.memory_space<hbm>>
        %dma_wait3A_221 = tpu.memref_squeeze %dma_wait3A_220 : memref<1x2048xf32, #tpu.memory_space<hbm>> -> memref<2048xf32, #tpu.memory_space<hbm>>
        %dma_wait3A_222 = arith.constant 0 : i32
        %dma_wait3A_223 = tpu.memref_slice %arg4[%dma_wait3A_218, %dma_wait3A_222] : memref<832x16384xf32, #tpu.memory_space<hbm>> -> memref<1x2048xf32, #tpu.memory_space<hbm>>
        %dma_wait3A_224 = tpu.memref_squeeze %dma_wait3A_223 : memref<1x2048xf32, #tpu.memory_space<hbm>> -> memref<2048xf32, #tpu.memory_space<hbm>>
        tpu.wait_dma2 semaphore(%arg12 : memref<!tpu.dma_semaphore, #tpu.memory_space<semaphore_mem>>) src(%arg8 : memref<2048xf32, #tpu.memory_space<vmem>>) dst(%dma_wait3A_224 : memref<2048xf32, #tpu.memory_space<hbm>>)
      } else {
      }
      %scan3A_92 = arith.constant 0 : i32
      %scan3A_93 = arith.constant 0 : i32
      %scan3A_94 = arith.constant 8 : i32
      %scan3A_95 = arith.addi %scan3A_93, %scan3A_94 : i32
      %scan3A_96 = arith.constant 1 : i32
      scf.for %scan3A_218 = %scan3A_93 to %scan3A_95 step %scan3A_96  : i32 {
        %mul3A_219 = arith.constant 256 : i32
        %mul3A_220 = arith.muli %scan3A_218, %mul3A_219 : i32
        %add3A_221 = arith.constant 0 : i32
        %add3A_222 = arith.addi %mul3A_220, %add3A_221 : i32
        %add3A_223 = arith.constant 2048 : i32
        %add3A_224 = arith.addi %add3A_223, %add3A_222 : i32
        %get3A = arith.index_cast %add3A_224 : i32 to index
        %get3A_225 = tpu.vector_load %arg6[%get3A] {strides = array<i32>} : memref<16384xi32, #tpu.memory_space<vmem>>, vector<16xi32>,
        %gather3A = tpu.vector_load_idx %arg5[%get3A_225] : memref<100000xf32, #tpu.memory_space<vmem>>[vector<16xi32>], vector<16xf32>,
        %swap3A = arith.index_cast %add3A_222 : i32 to index
        %swap3A_226 = tpu.vector_load %arg8[%swap3A] {strides = array<i32>} : memref<2048xf32, #tpu.memory_space<vmem>>, vector<16xf32>,
        tpu.vector_store %arg8[%swap3A], %gather3A {strides = array<i32>} : memref<2048xf32, #tpu.memory_space<vmem>>, vector<16xf32>,
        %add3A_227 = arith.constant 16 : i32
        %add3A_228 = arith.addi %mul3A_220, %add3A_227 : i32
        %add3A_229 = arith.constant 2048 : i32
        %add3A_230 = arith.addi %add3A_229, %add3A_228 : i32
        %get3A_231 = arith.index_cast %add3A_230 : i32 to index
        %get3A_232 = tpu.vector_load %arg6[%get3A_231] {strides = array<i32>} : memref<16384xi32, #tpu.memory_space<vmem>>, vector<16xi32>,
        %gather3A_233 = tpu.vector_load_idx %arg5[%get3A_232] : memref<100000xf32, #tpu.memory_space<vmem>>[vector<16xi32>], vector<16xf32>,
        %swap3A_234 = arith.index_cast %add3A_228 : i32 to index
        %swap3A_235 = tpu.vector_load %arg8[%swap3A_234] {strides = array<i32>} : memref<2048xf32, #tpu.memory_space<vmem>>, vector<16xf32>,
        tpu.vector_store %arg8[%swap3A_234], %gather3A_233 {strides = array<i32>} : memref<2048xf32, #tpu.memory_space<vmem>>, vector<16xf32>,
        %add3A_236 = arith.constant 32 : i32
        %add3A_237 = arith.addi %mul3A_220, %add3A_236 : i32
        %add3A_238 = arith.constant 2048 : i32
        %add3A_239 = arith.addi %add3A_238, %add3A_237 : i32
        %get3A_240 = arith.index_cast %add3A_239 : i32 to index
        %get3A_241 = tpu.vector_load %arg6[%get3A_240] {strides = array<i32>} : memref<16384xi32, #tpu.memory_space<vmem>>, vector<16xi32>,
        %gather3A_242 = tpu.vector_load_idx %arg5[%get3A_241] : memref<100000xf32, #tpu.memory_space<vmem>>[vector<16xi32>], vector<16xf32>,
        %swap3A_243 = arith.index_cast %add3A_237 : i32 to index
        %swap3A_244 = tpu.vector_load %arg8[%swap3A_243] {strides = array<i32>} : memref<2048xf32, #tpu.memory_space<vmem>>, vector<16xf32>,
        tpu.vector_store %arg8[%swap3A_243], %gather3A_242 {strides = array<i32>} : memref<2048xf32, #tpu.memory_space<vmem>>, vector<16xf32>,
        %add3A_245 = arith.constant 48 : i32
        %add3A_246 = arith.addi %mul3A_220, %add3A_245 : i32
        %add3A_247 = arith.constant 2048 : i32
        %add3A_248 = arith.addi %add3A_247, %add3A_246 : i32
        %get3A_249 = arith.index_cast %add3A_248 : i32 to index
        %get3A_250 = tpu.vector_load %arg6[%get3A_249] {strides = array<i32>} : memref<16384xi32, #tpu.memory_space<vmem>>, vector<16xi32>,
        %gather3A_251 = tpu.vector_load_idx %arg5[%get3A_250] : memref<100000xf32, #tpu.memory_space<vmem>>[vector<16xi32>], vector<16xf32>,
        %swap3A_252 = arith.index_cast %add3A_246 : i32 to index
        %swap3A_253 = tpu.vector_load %arg8[%swap3A_252] {strides = array<i32>} : memref<2048xf32, #tpu.memory_space<vmem>>, vector<16xf32>,
        tpu.vector_store %arg8[%swap3A_252], %gather3A_251 {strides = array<i32>} : memref<2048xf32, #tpu.memory_space<vmem>>, vector<16xf32>,
        %add3A_254 = arith.constant 64 : i32
        %add3A_255 = arith.addi %mul3A_220, %add3A_254 : i32
        %add3A_256 = arith.constant 2048 : i32
        %add3A_257 = arith.addi %add3A_256, %add3A_255 : i32
        %get3A_258 = arith.index_cast %add3A_257 : i32 to index
        %get3A_259 = tpu.vector_load %arg6[%get3A_258] {strides = array<i32>} : memref<16384xi32, #tpu.memory_space<vmem>>, vector<16xi32>,
        %gather3A_260 = tpu.vector_load_idx %arg5[%get3A_259] : memref<100000xf32, #tpu.memory_space<vmem>>[vector<16xi32>], vector<16xf32>,
        %swap3A_261 = arith.index_cast %add3A_255 : i32 to index
        %swap3A_262 = tpu.vector_load %arg8[%swap3A_261] {strides = array<i32>} : memref<2048xf32, #tpu.memory_space<vmem>>, vector<16xf32>,
        tpu.vector_store %arg8[%swap3A_261], %gather3A_260 {strides = array<i32>} : memref<2048xf32, #tpu.memory_space<vmem>>, vector<16xf32>,
        %add3A_263 = arith.constant 80 : i32
        %add3A_264 = arith.addi %mul3A_220, %add3A_263 : i32
        %add3A_265 = arith.constant 2048 : i32
        %add3A_266 = arith.addi %add3A_265, %add3A_264 : i32
        %get3A_267 = arith.index_cast %add3A_266 : i32 to index
        %get3A_268 = tpu.vector_load %arg6[%get3A_267] {strides = array<i32>} : memref<16384xi32, #tpu.memory_space<vmem>>, vector<16xi32>,
        %gather3A_269 = tpu.vector_load_idx %arg5[%get3A_268] : memref<100000xf32, #tpu.memory_space<vmem>>[vector<16xi32>], vector<16xf32>,
        %swap3A_270 = arith.index_cast %add3A_264 : i32 to index
        %swap3A_271 = tpu.vector_load %arg8[%swap3A_270] {strides = array<i32>} : memref<2048xf32, #tpu.memory_space<vmem>>, vector<16xf32>,
        tpu.vector_store %arg8[%swap3A_270], %gather3A_269 {strides = array<i32>} : memref<2048xf32, #tpu.memory_space<vmem>>, vector<16xf32>,
        %add3A_272 = arith.constant 96 : i32
        %add3A_273 = arith.addi %mul3A_220, %add3A_272 : i32
        %add3A_274 = arith.constant 2048 : i32
        %add3A_275 = arith.addi %add3A_274, %add3A_273 : i32
        %get3A_276 = arith.index_cast %add3A_275 : i32 to index
        %get3A_277 = tpu.vector_load %arg6[%get3A_276] {strides = array<i32>} : memref<16384xi32, #tpu.memory_space<vmem>>, vector<16xi32>,
        %gather3A_278 = tpu.vector_load_idx %arg5[%get3A_277] : memref<100000xf32, #tpu.memory_space<vmem>>[vector<16xi32>], vector<16xf32>,
        %swap3A_279 = arith.index_cast %add3A_273 : i32 to index
        %swap3A_280 = tpu.vector_load %arg8[%swap3A_279] {strides = array<i32>} : memref<2048xf32, #tpu.memory_space<vmem>>, vector<16xf32>,
        tpu.vector_store %arg8[%swap3A_279], %gather3A_278 {strides = array<i32>} : memref<2048xf32, #tpu.memory_space<vmem>>, vector<16xf32>,
        %add3A_281 = arith.constant 112 : i32
        %add3A_282 = arith.addi %mul3A_220, %add3A_281 : i32
        %add3A_283 = arith.constant 2048 : i32
        %add3A_284 = arith.addi %add3A_283, %add3A_282 : i32
        %get3A_285 = arith.index_cast %add3A_284 : i32 to index
        %get3A_286 = tpu.vector_load %arg6[%get3A_285] {strides = array<i32>} : memref<16384xi32, #tpu.memory_space<vmem>>, vector<16xi32>,
        %gather3A_287 = tpu.vector_load_idx %arg5[%get3A_286] : memref<100000xf32, #tpu.memory_space<vmem>>[vector<16xi32>], vector<16xf32>,
        %swap3A_288 = arith.index_cast %add3A_282 : i32 to index
        %swap3A_289 = tpu.vector_load %arg8[%swap3A_288] {strides = array<i32>} : memref<2048xf32, #tpu.memory_space<vmem>>, vector<16xf32>,
        tpu.vector_store %arg8[%swap3A_288], %gather3A_287 {strides = array<i32>} : memref<2048xf32, #tpu.memory_space<vmem>>, vector<16xf32>,
        %add3A_290 = arith.constant 128 : i32
        %add3A_291 = arith.addi %mul3A_220, %add3A_290 : i32
        %add3A_292 = arith.constant 2048 : i32
        %add3A_293 = arith.addi %add3A_292, %add3A_291 : i32
        %get3A_294 = arith.index_cast %add3A_293 : i32 to index
        %get3A_295 = tpu.vector_load %arg6[%get3A_294] {strides = array<i32>} : memref<16384xi32, #tpu.memory_space<vmem>>, vector<16xi32>,
        %gather3A_296 = tpu.vector_load_idx %arg5[%get3A_295] : memref<100000xf32, #tpu.memory_space<vmem>>[vector<16xi32>], vector<16xf32>,
        %swap3A_297 = arith.index_cast %add3A_291 : i32 to index
        %swap3A_298 = tpu.vector_load %arg8[%swap3A_297] {strides = array<i32>} : memref<2048xf32, #tpu.memory_space<vmem>>, vector<16xf32>,
        tpu.vector_store %arg8[%swap3A_297], %gather3A_296 {strides = array<i32>} : memref<2048xf32, #tpu.memory_space<vmem>>, vector<16xf32>,
        %add3A_299 = arith.constant 144 : i32
        %add3A_300 = arith.addi %mul3A_220, %add3A_299 : i32
        %add3A_301 = arith.constant 2048 : i32
        %add3A_302 = arith.addi %add3A_301, %add3A_300 : i32
        %get3A_303 = arith.index_cast %add3A_302 : i32 to index
        %get3A_304 = tpu.vector_load %arg6[%get3A_303] {strides = array<i32>} : memref<16384xi32, #tpu.memory_space<vmem>>, vector<16xi32>,
        %gather3A_305 = tpu.vector_load_idx %arg5[%get3A_304] : memref<100000xf32, #tpu.memory_space<vmem>>[vector<16xi32>], vector<16xf32>,
        %swap3A_306 = arith.index_cast %add3A_300 : i32 to index
        %swap3A_307 = tpu.vector_load %arg8[%swap3A_306] {strides = array<i32>} : memref<2048xf32, #tpu.memory_space<vmem>>, vector<16xf32>,
        tpu.vector_store %arg8[%swap3A_306], %gather3A_305 {strides = array<i32>} : memref<2048xf32, #tpu.memory_space<vmem>>, vector<16xf32>,
        %add3A_308 = arith.constant 160 : i32
        %add3A_309 = arith.addi %mul3A_220, %add3A_308 : i32
        %add3A_310 = arith.constant 2048 : i32
        %add3A_311 = arith.addi %add3A_310, %add3A_309 : i32
        %get3A_312 = arith.index_cast %add3A_311 : i32 to index
        %get3A_313 = tpu.vector_load %arg6[%get3A_312] {strides = array<i32>} : memref<16384xi32, #tpu.memory_space<vmem>>, vector<16xi32>,
        %gather3A_314 = tpu.vector_load_idx %arg5[%get3A_313] : memref<100000xf32, #tpu.memory_space<vmem>>[vector<16xi32>], vector<16xf32>,
        %swap3A_315 = arith.index_cast %add3A_309 : i32 to index
        %swap3A_316 = tpu.vector_load %arg8[%swap3A_315] {strides = array<i32>} : memref<2048xf32, #tpu.memory_space<vmem>>, vector<16xf32>,
        tpu.vector_store %arg8[%swap3A_315], %gather3A_314 {strides = array<i32>} : memref<2048xf32, #tpu.memory_space<vmem>>, vector<16xf32>,
        %add3A_317 = arith.constant 176 : i32
        %add3A_318 = arith.addi %mul3A_220, %add3A_317 : i32
        %add3A_319 = arith.constant 2048 : i32
        %add3A_320 = arith.addi %add3A_319, %add3A_318 : i32
        %get3A_321 = arith.index_cast %add3A_320 : i32 to index
        %get3A_322 = tpu.vector_load %arg6[%get3A_321] {strides = array<i32>} : memref<16384xi32, #tpu.memory_space<vmem>>, vector<16xi32>,
        %gather3A_323 = tpu.vector_load_idx %arg5[%get3A_322] : memref<100000xf32, #tpu.memory_space<vmem>>[vector<16xi32>], vector<16xf32>,
        %swap3A_324 = arith.index_cast %add3A_318 : i32 to index
        %swap3A_325 = tpu.vector_load %arg8[%swap3A_324] {strides = array<i32>} : memref<2048xf32, #tpu.memory_space<vmem>>, vector<16xf32>,
        tpu.vector_store %arg8[%swap3A_324], %gather3A_323 {strides = array<i32>} : memref<2048xf32, #tpu.memory_space<vmem>>, vector<16xf32>,
        %add3A_326 = arith.constant 192 : i32
        %add3A_327 = arith.addi %mul3A_220, %add3A_326 : i32
        %add3A_328 = arith.constant 2048 : i32
        %add3A_329 = arith.addi %add3A_328, %add3A_327 : i32
        %get3A_330 = arith.index_cast %add3A_329 : i32 to index
        %get3A_331 = tpu.vector_load %arg6[%get3A_330] {strides = array<i32>} : memref<16384xi32, #tpu.memory_space<vmem>>, vector<16xi32>,
        %gather3A_332 = tpu.vector_load_idx %arg5[%get3A_331] : memref<100000xf32, #tpu.memory_space<vmem>>[vector<16xi32>], vector<16xf32>,
        %swap3A_333 = arith.index_cast %add3A_327 : i32 to index
        %swap3A_334 = tpu.vector_load %arg8[%swap3A_333] {strides = array<i32>} : memref<2048xf32, #tpu.memory_space<vmem>>, vector<16xf32>,
        tpu.vector_store %arg8[%swap3A_333], %gather3A_332 {strides = array<i32>} : memref<2048xf32, #tpu.memory_space<vmem>>, vector<16xf32>,
        %add3A_335 = arith.constant 208 : i32
        %add3A_336 = arith.addi %mul3A_220, %add3A_335 : i32
        %add3A_337 = arith.constant 2048 : i32
        %add3A_338 = arith.addi %add3A_337, %add3A_336 : i32
        %get3A_339 = arith.index_cast %add3A_338 : i32 to index
        %get3A_340 = tpu.vector_load %arg6[%get3A_339] {strides = array<i32>} : memref<16384xi32, #tpu.memory_space<vmem>>, vector<16xi32>,
        %gather3A_341 = tpu.vector_load_idx %arg5[%get3A_340] : memref<100000xf32, #tpu.memory_space<vmem>>[vector<16xi32>], vector<16xf32>,
        %swap3A_342 = arith.index_cast %add3A_336 : i32 to index
        %swap3A_343 = tpu.vector_load %arg8[%swap3A_342] {strides = array<i32>} : memref<2048xf32, #tpu.memory_space<vmem>>, vector<16xf32>,
        tpu.vector_store %arg8[%swap3A_342], %gather3A_341 {strides = array<i32>} : memref<2048xf32, #tpu.memory_space<vmem>>, vector<16xf32>,
        %add3A_344 = arith.constant 224 : i32
        %add3A_345 = arith.addi %mul3A_220, %add3A_344 : i32
        %add3A_346 = arith.constant 2048 : i32
        %add3A_347 = arith.addi %add3A_346, %add3A_345 : i32
        %get3A_348 = arith.index_cast %add3A_347 : i32 to index
        %get3A_349 = tpu.vector_load %arg6[%get3A_348] {strides = array<i32>} : memref<16384xi32, #tpu.memory_space<vmem>>, vector<16xi32>,
        %gather3A_350 = tpu.vector_load_idx %arg5[%get3A_349] : memref<100000xf32, #tpu.memory_space<vmem>>[vector<16xi32>], vector<16xf32>,
        %swap3A_351 = arith.index_cast %add3A_345 : i32 to index
        %swap3A_352 = tpu.vector_load %arg8[%swap3A_351] {strides = array<i32>} : memref<2048xf32, #tpu.memory_space<vmem>>, vector<16xf32>,
        tpu.vector_store %arg8[%swap3A_351], %gather3A_350 {strides = array<i32>} : memref<2048xf32, #tpu.memory_space<vmem>>, vector<16xf32>,
        %add3A_353 = arith.constant 240 : i32
        %add3A_354 = arith.addi %mul3A_220, %add3A_353 : i32
        %add3A_355 = arith.constant 2048 : i32
        %add3A_356 = arith.addi %add3A_355, %add3A_354 : i32
        %get3A_357 = arith.index_cast %add3A_356 : i32 to index
        %get3A_358 = tpu.vector_load %arg6[%get3A_357] {strides = array<i32>} : memref<16384xi32, #tpu.memory_space<vmem>>, vector<16xi32>,
        %gather3A_359 = tpu.vector_load_idx %arg5[%get3A_358] : memref<100000xf32, #tpu.memory_space<vmem>>[vector<16xi32>], vector<16xf32>,
        %swap3A_360 = arith.index_cast %add3A_354 : i32 to index
        %swap3A_361 = tpu.vector_load %arg8[%swap3A_360] {strides = array<i32>} : memref<2048xf32, #tpu.memory_space<vmem>>, vector<16xf32>,
        tpu.vector_store %arg8[%swap3A_360], %gather3A_359 {strides = array<i32>} : memref<2048xf32, #tpu.memory_space<vmem>>, vector<16xf32>,
      }
      %scan3A_97 = arith.constant 8 : i32
      %dma_start3A_98 = arith.constant 2048 : i32
      %dma_start3A_99 = tpu.memref_slice %arg4[%add3A_22, %dma_start3A_98] : memref<832x16384xf32, #tpu.memory_space<hbm>> -> memref<1x2048xf32, #tpu.memory_space<hbm>>
      %dma_start3A_100 = tpu.memref_squeeze %dma_start3A_99 : memref<1x2048xf32, #tpu.memory_space<hbm>> -> memref<2048xf32, #tpu.memory_space<hbm>>
      %dma_start3A_101 = arith.constant 2048 : i32
      %dma_start3A_102 = tpu.memref_slice %arg4[%add3A_22, %dma_start3A_101] : memref<832x16384xf32, #tpu.memory_space<hbm>> -> memref<1x2048xf32, #tpu.memory_space<hbm>>
      %dma_start3A_103 = tpu.memref_squeeze %dma_start3A_102 : memref<1x2048xf32, #tpu.memory_space<hbm>> -> memref<2048xf32, #tpu.memory_space<hbm>>
      tpu.enqueue_dma source(%arg8 : memref<2048xf32, #tpu.memory_space<vmem>>) target(%dma_start3A_103 : memref<2048xf32, #tpu.memory_space<hbm>>) target_semaphore(%arg12 : memref<!tpu.dma_semaphore, #tpu.memory_space<semaphore_mem>>)
      %dma_wait3A_104 = arith.constant 0 : i32
      %dma_wait3A_105 = arith.constant 0 : i32
      %dma_wait3A_106 = tpu.memref_slice %arg4[%dma_wait3A_104, %dma_wait3A_105] : memref<832x16384xf32, #tpu.memory_space<hbm>> -> memref<1x2048xf32, #tpu.memory_space<hbm>>
      %dma_wait3A_107 = tpu.memref_squeeze %dma_wait3A_106 : memref<1x2048xf32, #tpu.memory_space<hbm>> -> memref<2048xf32, #tpu.memory_space<hbm>>
      %dma_wait3A_108 = arith.constant 0 : i32
      %dma_wait3A_109 = tpu.memref_slice %arg4[%dma_wait3A_104, %dma_wait3A_108] : memref<832x16384xf32, #tpu.memory_space<hbm>> -> memref<1x2048xf32, #tpu.memory_space<hbm>>
      %dma_wait3A_110 = tpu.memref_squeeze %dma_wait3A_109 : memref<1x2048xf32, #tpu.memory_space<hbm>> -> memref<2048xf32, #tpu.memory_space<hbm>>
      tpu.wait_dma2 semaphore(%arg11 : memref<!tpu.dma_semaphore, #tpu.memory_space<semaphore_mem>>) src(%arg7 : memref<2048xf32, #tpu.memory_space<vmem>>) dst(%dma_wait3A_110 : memref<2048xf32, #tpu.memory_space<hbm>>)
      %scan3A_111 = arith.constant 0 : i32
      %scan3A_112 = arith.constant 0 : i32
      %scan3A_113 = arith.constant 8 : i32
      %scan3A_114 = arith.addi %scan3A_112, %scan3A_113 : i32
      %scan3A_115 = arith.constant 1 : i32
      scf.for %scan3A_218 = %scan3A_112 to %scan3A_114 step %scan3A_115  : i32 {
        %mul3A_219 = arith.constant 256 : i32
        %mul3A_220 = arith.muli %scan3A_218, %mul3A_219 : i32
        %add3A_221 = arith.constant 0 : i32
        %add3A_222 = arith.addi %mul3A_220, %add3A_221 : i32
        %add3A_223 = arith.constant 4096 : i32
        %add3A_224 = arith.addi %add3A_223, %add3A_222 : i32
        %get3A = arith.index_cast %add3A_224 : i32 to index
        %get3A_225 = tpu.vector_load %arg6[%get3A] {strides = array<i32>} : memref<16384xi32, #tpu.memory_space<vmem>>, vector<16xi32>,
        %gather3A = tpu.vector_load_idx %arg5[%get3A_225] : memref<100000xf32, #tpu.memory_space<vmem>>[vector<16xi32>], vector<16xf32>,
        %swap3A = arith.index_cast %add3A_222 : i32 to index
        %swap3A_226 = tpu.vector_load %arg7[%swap3A] {strides = array<i32>} : memref<2048xf32, #tpu.memory_space<vmem>>, vector<16xf32>,
        tpu.vector_store %arg7[%swap3A], %gather3A {strides = array<i32>} : memref<2048xf32, #tpu.memory_space<vmem>>, vector<16xf32>,
        %add3A_227 = arith.constant 16 : i32
        %add3A_228 = arith.addi %mul3A_220, %add3A_227 : i32
        %add3A_229 = arith.constant 4096 : i32
        %add3A_230 = arith.addi %add3A_229, %add3A_228 : i32
        %get3A_231 = arith.index_cast %add3A_230 : i32 to index
        %get3A_232 = tpu.vector_load %arg6[%get3A_231] {strides = array<i32>} : memref<16384xi32, #tpu.memory_space<vmem>>, vector<16xi32>,
        %gather3A_233 = tpu.vector_load_idx %arg5[%get3A_232] : memref<100000xf32, #tpu.memory_space<vmem>>[vector<16xi32>], vector<16xf32>,
        %swap3A_234 = arith.index_cast %add3A_228 : i32 to index
        %swap3A_235 = tpu.vector_load %arg7[%swap3A_234] {strides = array<i32>} : memref<2048xf32, #tpu.memory_space<vmem>>, vector<16xf32>,
        tpu.vector_store %arg7[%swap3A_234], %gather3A_233 {strides = array<i32>} : memref<2048xf32, #tpu.memory_space<vmem>>, vector<16xf32>,
        %add3A_236 = arith.constant 32 : i32
        %add3A_237 = arith.addi %mul3A_220, %add3A_236 : i32
        %add3A_238 = arith.constant 4096 : i32
        %add3A_239 = arith.addi %add3A_238, %add3A_237 : i32
        %get3A_240 = arith.index_cast %add3A_239 : i32 to index
        %get3A_241 = tpu.vector_load %arg6[%get3A_240] {strides = array<i32>} : memref<16384xi32, #tpu.memory_space<vmem>>, vector<16xi32>,
        %gather3A_242 = tpu.vector_load_idx %arg5[%get3A_241] : memref<100000xf32, #tpu.memory_space<vmem>>[vector<16xi32>], vector<16xf32>,
        %swap3A_243 = arith.index_cast %add3A_237 : i32 to index
        %swap3A_244 = tpu.vector_load %arg7[%swap3A_243] {strides = array<i32>} : memref<2048xf32, #tpu.memory_space<vmem>>, vector<16xf32>,
        tpu.vector_store %arg7[%swap3A_243], %gather3A_242 {strides = array<i32>} : memref<2048xf32, #tpu.memory_space<vmem>>, vector<16xf32>,
        %add3A_245 = arith.constant 48 : i32
        %add3A_246 = arith.addi %mul3A_220, %add3A_245 : i32
        %add3A_247 = arith.constant 4096 : i32
        %add3A_248 = arith.addi %add3A_247, %add3A_246 : i32
        %get3A_249 = arith.index_cast %add3A_248 : i32 to index
        %get3A_250 = tpu.vector_load %arg6[%get3A_249] {strides = array<i32>} : memref<16384xi32, #tpu.memory_space<vmem>>, vector<16xi32>,
        %gather3A_251 = tpu.vector_load_idx %arg5[%get3A_250] : memref<100000xf32, #tpu.memory_space<vmem>>[vector<16xi32>], vector<16xf32>,
        %swap3A_252 = arith.index_cast %add3A_246 : i32 to index
        %swap3A_253 = tpu.vector_load %arg7[%swap3A_252] {strides = array<i32>} : memref<2048xf32, #tpu.memory_space<vmem>>, vector<16xf32>,
        tpu.vector_store %arg7[%swap3A_252], %gather3A_251 {strides = array<i32>} : memref<2048xf32, #tpu.memory_space<vmem>>, vector<16xf32>,
        %add3A_254 = arith.constant 64 : i32
        %add3A_255 = arith.addi %mul3A_220, %add3A_254 : i32
        %add3A_256 = arith.constant 4096 : i32
        %add3A_257 = arith.addi %add3A_256, %add3A_255 : i32
        %get3A_258 = arith.index_cast %add3A_257 : i32 to index
        %get3A_259 = tpu.vector_load %arg6[%get3A_258] {strides = array<i32>} : memref<16384xi32, #tpu.memory_space<vmem>>, vector<16xi32>,
        %gather3A_260 = tpu.vector_load_idx %arg5[%get3A_259] : memref<100000xf32, #tpu.memory_space<vmem>>[vector<16xi32>], vector<16xf32>,
        %swap3A_261 = arith.index_cast %add3A_255 : i32 to index
        %swap3A_262 = tpu.vector_load %arg7[%swap3A_261] {strides = array<i32>} : memref<2048xf32, #tpu.memory_space<vmem>>, vector<16xf32>,
        tpu.vector_store %arg7[%swap3A_261], %gather3A_260 {strides = array<i32>} : memref<2048xf32, #tpu.memory_space<vmem>>, vector<16xf32>,
        %add3A_263 = arith.constant 80 : i32
        %add3A_264 = arith.addi %mul3A_220, %add3A_263 : i32
        %add3A_265 = arith.constant 4096 : i32
        %add3A_266 = arith.addi %add3A_265, %add3A_264 : i32
        %get3A_267 = arith.index_cast %add3A_266 : i32 to index
        %get3A_268 = tpu.vector_load %arg6[%get3A_267] {strides = array<i32>} : memref<16384xi32, #tpu.memory_space<vmem>>, vector<16xi32>,
        %gather3A_269 = tpu.vector_load_idx %arg5[%get3A_268] : memref<100000xf32, #tpu.memory_space<vmem>>[vector<16xi32>], vector<16xf32>,
        %swap3A_270 = arith.index_cast %add3A_264 : i32 to index
        %swap3A_271 = tpu.vector_load %arg7[%swap3A_270] {strides = array<i32>} : memref<2048xf32, #tpu.memory_space<vmem>>, vector<16xf32>,
        tpu.vector_store %arg7[%swap3A_270], %gather3A_269 {strides = array<i32>} : memref<2048xf32, #tpu.memory_space<vmem>>, vector<16xf32>,
        %add3A_272 = arith.constant 96 : i32
        %add3A_273 = arith.addi %mul3A_220, %add3A_272 : i32
        %add3A_274 = arith.constant 4096 : i32
        %add3A_275 = arith.addi %add3A_274, %add3A_273 : i32
        %get3A_276 = arith.index_cast %add3A_275 : i32 to index
        %get3A_277 = tpu.vector_load %arg6[%get3A_276] {strides = array<i32>} : memref<16384xi32, #tpu.memory_space<vmem>>, vector<16xi32>,
        %gather3A_278 = tpu.vector_load_idx %arg5[%get3A_277] : memref<100000xf32, #tpu.memory_space<vmem>>[vector<16xi32>], vector<16xf32>,
        %swap3A_279 = arith.index_cast %add3A_273 : i32 to index
        %swap3A_280 = tpu.vector_load %arg7[%swap3A_279] {strides = array<i32>} : memref<2048xf32, #tpu.memory_space<vmem>>, vector<16xf32>,
        tpu.vector_store %arg7[%swap3A_279], %gather3A_278 {strides = array<i32>} : memref<2048xf32, #tpu.memory_space<vmem>>, vector<16xf32>,
        %add3A_281 = arith.constant 112 : i32
        %add3A_282 = arith.addi %mul3A_220, %add3A_281 : i32
        %add3A_283 = arith.constant 4096 : i32
        %add3A_284 = arith.addi %add3A_283, %add3A_282 : i32
        %get3A_285 = arith.index_cast %add3A_284 : i32 to index
        %get3A_286 = tpu.vector_load %arg6[%get3A_285] {strides = array<i32>} : memref<16384xi32, #tpu.memory_space<vmem>>, vector<16xi32>,
        %gather3A_287 = tpu.vector_load_idx %arg5[%get3A_286] : memref<100000xf32, #tpu.memory_space<vmem>>[vector<16xi32>], vector<16xf32>,
        %swap3A_288 = arith.index_cast %add3A_282 : i32 to index
        %swap3A_289 = tpu.vector_load %arg7[%swap3A_288] {strides = array<i32>} : memref<2048xf32, #tpu.memory_space<vmem>>, vector<16xf32>,
        tpu.vector_store %arg7[%swap3A_288], %gather3A_287 {strides = array<i32>} : memref<2048xf32, #tpu.memory_space<vmem>>, vector<16xf32>,
        %add3A_290 = arith.constant 128 : i32
        %add3A_291 = arith.addi %mul3A_220, %add3A_290 : i32
        %add3A_292 = arith.constant 4096 : i32
        %add3A_293 = arith.addi %add3A_292, %add3A_291 : i32
        %get3A_294 = arith.index_cast %add3A_293 : i32 to index
        %get3A_295 = tpu.vector_load %arg6[%get3A_294] {strides = array<i32>} : memref<16384xi32, #tpu.memory_space<vmem>>, vector<16xi32>,
        %gather3A_296 = tpu.vector_load_idx %arg5[%get3A_295] : memref<100000xf32, #tpu.memory_space<vmem>>[vector<16xi32>], vector<16xf32>,
        %swap3A_297 = arith.index_cast %add3A_291 : i32 to index
        %swap3A_298 = tpu.vector_load %arg7[%swap3A_297] {strides = array<i32>} : memref<2048xf32, #tpu.memory_space<vmem>>, vector<16xf32>,
        tpu.vector_store %arg7[%swap3A_297], %gather3A_296 {strides = array<i32>} : memref<2048xf32, #tpu.memory_space<vmem>>, vector<16xf32>,
        %add3A_299 = arith.constant 144 : i32
        %add3A_300 = arith.addi %mul3A_220, %add3A_299 : i32
        %add3A_301 = arith.constant 4096 : i32
        %add3A_302 = arith.addi %add3A_301, %add3A_300 : i32
        %get3A_303 = arith.index_cast %add3A_302 : i32 to index
        %get3A_304 = tpu.vector_load %arg6[%get3A_303] {strides = array<i32>} : memref<16384xi32, #tpu.memory_space<vmem>>, vector<16xi32>,
        %gather3A_305 = tpu.vector_load_idx %arg5[%get3A_304] : memref<100000xf32, #tpu.memory_space<vmem>>[vector<16xi32>], vector<16xf32>,
        %swap3A_306 = arith.index_cast %add3A_300 : i32 to index
        %swap3A_307 = tpu.vector_load %arg7[%swap3A_306] {strides = array<i32>} : memref<2048xf32, #tpu.memory_space<vmem>>, vector<16xf32>,
        tpu.vector_store %arg7[%swap3A_306], %gather3A_305 {strides = array<i32>} : memref<2048xf32, #tpu.memory_space<vmem>>, vector<16xf32>,
        %add3A_308 = arith.constant 160 : i32
        %add3A_309 = arith.addi %mul3A_220, %add3A_308 : i32
        %add3A_310 = arith.constant 4096 : i32
        %add3A_311 = arith.addi %add3A_310, %add3A_309 : i32
        %get3A_312 = arith.index_cast %add3A_311 : i32 to index
        %get3A_313 = tpu.vector_load %arg6[%get3A_312] {strides = array<i32>} : memref<16384xi32, #tpu.memory_space<vmem>>, vector<16xi32>,
        %gather3A_314 = tpu.vector_load_idx %arg5[%get3A_313] : memref<100000xf32, #tpu.memory_space<vmem>>[vector<16xi32>], vector<16xf32>,
        %swap3A_315 = arith.index_cast %add3A_309 : i32 to index
        %swap3A_316 = tpu.vector_load %arg7[%swap3A_315] {strides = array<i32>} : memref<2048xf32, #tpu.memory_space<vmem>>, vector<16xf32>,
        tpu.vector_store %arg7[%swap3A_315], %gather3A_314 {strides = array<i32>} : memref<2048xf32, #tpu.memory_space<vmem>>, vector<16xf32>,
        %add3A_317 = arith.constant 176 : i32
        %add3A_318 = arith.addi %mul3A_220, %add3A_317 : i32
        %add3A_319 = arith.constant 4096 : i32
        %add3A_320 = arith.addi %add3A_319, %add3A_318 : i32
        %get3A_321 = arith.index_cast %add3A_320 : i32 to index
        %get3A_322 = tpu.vector_load %arg6[%get3A_321] {strides = array<i32>} : memref<16384xi32, #tpu.memory_space<vmem>>, vector<16xi32>,
        %gather3A_323 = tpu.vector_load_idx %arg5[%get3A_322] : memref<100000xf32, #tpu.memory_space<vmem>>[vector<16xi32>], vector<16xf32>,
        %swap3A_324 = arith.index_cast %add3A_318 : i32 to index
        %swap3A_325 = tpu.vector_load %arg7[%swap3A_324] {strides = array<i32>} : memref<2048xf32, #tpu.memory_space<vmem>>, vector<16xf32>,
        tpu.vector_store %arg7[%swap3A_324], %gather3A_323 {strides = array<i32>} : memref<2048xf32, #tpu.memory_space<vmem>>, vector<16xf32>,
        %add3A_326 = arith.constant 192 : i32
        %add3A_327 = arith.addi %mul3A_220, %add3A_326 : i32
        %add3A_328 = arith.constant 4096 : i32
        %add3A_329 = arith.addi %add3A_328, %add3A_327 : i32
        %get3A_330 = arith.index_cast %add3A_329 : i32 to index
        %get3A_331 = tpu.vector_load %arg6[%get3A_330] {strides = array<i32>} : memref<16384xi32, #tpu.memory_space<vmem>>, vector<16xi32>,
        %gather3A_332 = tpu.vector_load_idx %arg5[%get3A_331] : memref<100000xf32, #tpu.memory_space<vmem>>[vector<16xi32>], vector<16xf32>,
        %swap3A_333 = arith.index_cast %add3A_327 : i32 to index
        %swap3A_334 = tpu.vector_load %arg7[%swap3A_333] {strides = array<i32>} : memref<2048xf32, #tpu.memory_space<vmem>>, vector<16xf32>,
        tpu.vector_store %arg7[%swap3A_333], %gather3A_332 {strides = array<i32>} : memref<2048xf32, #tpu.memory_space<vmem>>, vector<16xf32>,
        %add3A_335 = arith.constant 208 : i32
        %add3A_336 = arith.addi %mul3A_220, %add3A_335 : i32
        %add3A_337 = arith.constant 4096 : i32
        %add3A_338 = arith.addi %add3A_337, %add3A_336 : i32
        %get3A_339 = arith.index_cast %add3A_338 : i32 to index
        %get3A_340 = tpu.vector_load %arg6[%get3A_339] {strides = array<i32>} : memref<16384xi32, #tpu.memory_space<vmem>>, vector<16xi32>,
        %gather3A_341 = tpu.vector_load_idx %arg5[%get3A_340] : memref<100000xf32, #tpu.memory_space<vmem>>[vector<16xi32>], vector<16xf32>,
        %swap3A_342 = arith.index_cast %add3A_336 : i32 to index
        %swap3A_343 = tpu.vector_load %arg7[%swap3A_342] {strides = array<i32>} : memref<2048xf32, #tpu.memory_space<vmem>>, vector<16xf32>,
        tpu.vector_store %arg7[%swap3A_342], %gather3A_341 {strides = array<i32>} : memref<2048xf32, #tpu.memory_space<vmem>>, vector<16xf32>,
        %add3A_344 = arith.constant 224 : i32
        %add3A_345 = arith.addi %mul3A_220, %add3A_344 : i32
        %add3A_346 = arith.constant 4096 : i32
        %add3A_347 = arith.addi %add3A_346, %add3A_345 : i32
        %get3A_348 = arith.index_cast %add3A_347 : i32 to index
        %get3A_349 = tpu.vector_load %arg6[%get3A_348] {strides = array<i32>} : memref<16384xi32, #tpu.memory_space<vmem>>, vector<16xi32>,
        %gather3A_350 = tpu.vector_load_idx %arg5[%get3A_349] : memref<100000xf32, #tpu.memory_space<vmem>>[vector<16xi32>], vector<16xf32>,
        %swap3A_351 = arith.index_cast %add3A_345 : i32 to index
        %swap3A_352 = tpu.vector_load %arg7[%swap3A_351] {strides = array<i32>} : memref<2048xf32, #tpu.memory_space<vmem>>, vector<16xf32>,
        tpu.vector_store %arg7[%swap3A_351], %gather3A_350 {strides = array<i32>} : memref<2048xf32, #tpu.memory_space<vmem>>, vector<16xf32>,
        %add3A_353 = arith.constant 240 : i32
        %add3A_354 = arith.addi %mul3A_220, %add3A_353 : i32
        %add3A_355 = arith.constant 4096 : i32
        %add3A_356 = arith.addi %add3A_355, %add3A_354 : i32
        %get3A_357 = arith.index_cast %add3A_356 : i32 to index
        %get3A_358 = tpu.vector_load %arg6[%get3A_357] {strides = array<i32>} : memref<16384xi32, #tpu.memory_space<vmem>>, vector<16xi32>,
        %gather3A_359 = tpu.vector_load_idx %arg5[%get3A_358] : memref<100000xf32, #tpu.memory_space<vmem>>[vector<16xi32>], vector<16xf32>,
        %swap3A_360 = arith.index_cast %add3A_354 : i32 to index
        %swap3A_361 = tpu.vector_load %arg7[%swap3A_360] {strides = array<i32>} : memref<2048xf32, #tpu.memory_space<vmem>>, vector<16xf32>,
        tpu.vector_store %arg7[%swap3A_360], %gather3A_359 {strides = array<i32>} : memref<2048xf32, #tpu.memory_space<vmem>>, vector<16xf32>,
      }
      %scan3A_116 = arith.constant 8 : i32
      %dma_start3A_117 = arith.constant 4096 : i32
      %dma_start3A_118 = tpu.memref_slice %arg4[%add3A_22, %dma_start3A_117] : memref<832x16384xf32, #tpu.memory_space<hbm>> -> memref<1x2048xf32, #tpu.memory_space<hbm>>
      %dma_start3A_119 = tpu.memref_squeeze %dma_start3A_118 : memref<1x2048xf32, #tpu.memory_space<hbm>> -> memref<2048xf32, #tpu.memory_space<hbm>>
      %dma_start3A_120 = arith.constant 4096 : i32
      %dma_start3A_121 = tpu.memref_slice %arg4[%add3A_22, %dma_start3A_120] : memref<832x16384xf32, #tpu.memory_space<hbm>> -> memref<1x2048xf32, #tpu.memory_space<hbm>>
      %dma_start3A_122 = tpu.memref_squeeze %dma_start3A_121 : memref<1x2048xf32, #tpu.memory_space<hbm>> -> memref<2048xf32, #tpu.memory_space<hbm>>
      tpu.enqueue_dma source(%arg7 : memref<2048xf32, #tpu.memory_space<vmem>>) target(%dma_start3A_122 : memref<2048xf32, #tpu.memory_space<hbm>>) target_semaphore(%arg11 : memref<!tpu.dma_semaphore, #tpu.memory_space<semaphore_mem>>)
      %dma_wait3A_123 = arith.constant 0 : i32
      %dma_wait3A_124 = arith.constant 0 : i32
      %dma_wait3A_125 = tpu.memref_slice %arg4[%dma_wait3A_123, %dma_wait3A_124] : memref<832x16384xf32, #tpu.memory_space<hbm>> -> memref<1x2048xf32, #tpu.memory_space<hbm>>
      %dma_wait3A_126 = tpu.memref_squeeze %dma_wait3A_125 : memref<1x2048xf32, #tpu.memory_space<hbm>> -> memref<2048xf32, #tpu.memory_space<hbm>>
      %dma_wait3A_127 = arith.constant 0 : i32
      %dma_wait3A_128 = tpu.memref_slice %arg4[%dma_wait3A_123, %dma_wait3A_127] : memref<832x16384xf32, #tpu.memory_space<hbm>> -> memref<1x2048xf32, #tpu.memory_space<hbm>>
      %dma_wait3A_129 = tpu.memref_squeeze %dma_wait3A_128 : memref<1x2048xf32, #tpu.memory_space<hbm>> -> memref<2048xf32, #tpu.memory_space<hbm>>
      tpu.wait_dma2 semaphore(%arg12 : memref<!tpu.dma_semaphore, #tpu.memory_space<semaphore_mem>>) src(%arg8 : memref<2048xf32, #tpu.memory_space<vmem>>) dst(%dma_wait3A_129 : memref<2048xf32, #tpu.memory_space<hbm>>)
      %scan3A_130 = arith.constant 0 : i32
      %scan3A_131 = arith.constant 0 : i32
      %scan3A_132 = arith.constant 8 : i32
      %scan3A_133 = arith.addi %scan3A_131, %scan3A_132 : i32
      %scan3A_134 = arith.constant 1 : i32
      scf.for %scan3A_218 = %scan3A_131 to %scan3A_133 step %scan3A_134  : i32 {
        %mul3A_219 = arith.constant 256 : i32
        %mul3A_220 = arith.muli %scan3A_218, %mul3A_219 : i32
        %add3A_221 = arith.constant 0 : i32
        %add3A_222 = arith.addi %mul3A_220, %add3A_221 : i32
        %add3A_223 = arith.constant 6144 : i32
        %add3A_224 = arith.addi %add3A_223, %add3A_222 : i32
        %get3A = arith.index_cast %add3A_224 : i32 to index
        %get3A_225 = tpu.vector_load %arg6[%get3A] {strides = array<i32>} : memref<16384xi32, #tpu.memory_space<vmem>>, vector<16xi32>,
        %gather3A = tpu.vector_load_idx %arg5[%get3A_225] : memref<100000xf32, #tpu.memory_space<vmem>>[vector<16xi32>], vector<16xf32>,
        %swap3A = arith.index_cast %add3A_222 : i32 to index
        %swap3A_226 = tpu.vector_load %arg8[%swap3A] {strides = array<i32>} : memref<2048xf32, #tpu.memory_space<vmem>>, vector<16xf32>,
        tpu.vector_store %arg8[%swap3A], %gather3A {strides = array<i32>} : memref<2048xf32, #tpu.memory_space<vmem>>, vector<16xf32>,
        %add3A_227 = arith.constant 16 : i32
        %add3A_228 = arith.addi %mul3A_220, %add3A_227 : i32
        %add3A_229 = arith.constant 6144 : i32
        %add3A_230 = arith.addi %add3A_229, %add3A_228 : i32
        %get3A_231 = arith.index_cast %add3A_230 : i32 to index
        %get3A_232 = tpu.vector_load %arg6[%get3A_231] {strides = array<i32>} : memref<16384xi32, #tpu.memory_space<vmem>>, vector<16xi32>,
        %gather3A_233 = tpu.vector_load_idx %arg5[%get3A_232] : memref<100000xf32, #tpu.memory_space<vmem>>[vector<16xi32>], vector<16xf32>,
        %swap3A_234 = arith.index_cast %add3A_228 : i32 to index
        %swap3A_235 = tpu.vector_load %arg8[%swap3A_234] {strides = array<i32>} : memref<2048xf32, #tpu.memory_space<vmem>>, vector<16xf32>,
        tpu.vector_store %arg8[%swap3A_234], %gather3A_233 {strides = array<i32>} : memref<2048xf32, #tpu.memory_space<vmem>>, vector<16xf32>,
        %add3A_236 = arith.constant 32 : i32
        %add3A_237 = arith.addi %mul3A_220, %add3A_236 : i32
        %add3A_238 = arith.constant 6144 : i32
        %add3A_239 = arith.addi %add3A_238, %add3A_237 : i32
        %get3A_240 = arith.index_cast %add3A_239 : i32 to index
        %get3A_241 = tpu.vector_load %arg6[%get3A_240] {strides = array<i32>} : memref<16384xi32, #tpu.memory_space<vmem>>, vector<16xi32>,
        %gather3A_242 = tpu.vector_load_idx %arg5[%get3A_241] : memref<100000xf32, #tpu.memory_space<vmem>>[vector<16xi32>], vector<16xf32>,
        %swap3A_243 = arith.index_cast %add3A_237 : i32 to index
        %swap3A_244 = tpu.vector_load %arg8[%swap3A_243] {strides = array<i32>} : memref<2048xf32, #tpu.memory_space<vmem>>, vector<16xf32>,
        tpu.vector_store %arg8[%swap3A_243], %gather3A_242 {strides = array<i32>} : memref<2048xf32, #tpu.memory_space<vmem>>, vector<16xf32>,
        %add3A_245 = arith.constant 48 : i32
        %add3A_246 = arith.addi %mul3A_220, %add3A_245 : i32
        %add3A_247 = arith.constant 6144 : i32
        %add3A_248 = arith.addi %add3A_247, %add3A_246 : i32
        %get3A_249 = arith.index_cast %add3A_248 : i32 to index
        %get3A_250 = tpu.vector_load %arg6[%get3A_249] {strides = array<i32>} : memref<16384xi32, #tpu.memory_space<vmem>>, vector<16xi32>,
        %gather3A_251 = tpu.vector_load_idx %arg5[%get3A_250] : memref<100000xf32, #tpu.memory_space<vmem>>[vector<16xi32>], vector<16xf32>,
        %swap3A_252 = arith.index_cast %add3A_246 : i32 to index
        %swap3A_253 = tpu.vector_load %arg8[%swap3A_252] {strides = array<i32>} : memref<2048xf32, #tpu.memory_space<vmem>>, vector<16xf32>,
        tpu.vector_store %arg8[%swap3A_252], %gather3A_251 {strides = array<i32>} : memref<2048xf32, #tpu.memory_space<vmem>>, vector<16xf32>,
        %add3A_254 = arith.constant 64 : i32
        %add3A_255 = arith.addi %mul3A_220, %add3A_254 : i32
        %add3A_256 = arith.constant 6144 : i32
        %add3A_257 = arith.addi %add3A_256, %add3A_255 : i32
        %get3A_258 = arith.index_cast %add3A_257 : i32 to index
        %get3A_259 = tpu.vector_load %arg6[%get3A_258] {strides = array<i32>} : memref<16384xi32, #tpu.memory_space<vmem>>, vector<16xi32>,
        %gather3A_260 = tpu.vector_load_idx %arg5[%get3A_259] : memref<100000xf32, #tpu.memory_space<vmem>>[vector<16xi32>], vector<16xf32>,
        %swap3A_261 = arith.index_cast %add3A_255 : i32 to index
        %swap3A_262 = tpu.vector_load %arg8[%swap3A_261] {strides = array<i32>} : memref<2048xf32, #tpu.memory_space<vmem>>, vector<16xf32>,
        tpu.vector_store %arg8[%swap3A_261], %gather3A_260 {strides = array<i32>} : memref<2048xf32, #tpu.memory_space<vmem>>, vector<16xf32>,
        %add3A_263 = arith.constant 80 : i32
        %add3A_264 = arith.addi %mul3A_220, %add3A_263 : i32
        %add3A_265 = arith.constant 6144 : i32
        %add3A_266 = arith.addi %add3A_265, %add3A_264 : i32
        %get3A_267 = arith.index_cast %add3A_266 : i32 to index
        %get3A_268 = tpu.vector_load %arg6[%get3A_267] {strides = array<i32>} : memref<16384xi32, #tpu.memory_space<vmem>>, vector<16xi32>,
        %gather3A_269 = tpu.vector_load_idx %arg5[%get3A_268] : memref<100000xf32, #tpu.memory_space<vmem>>[vector<16xi32>], vector<16xf32>,
        %swap3A_270 = arith.index_cast %add3A_264 : i32 to index
        %swap3A_271 = tpu.vector_load %arg8[%swap3A_270] {strides = array<i32>} : memref<2048xf32, #tpu.memory_space<vmem>>, vector<16xf32>,
        tpu.vector_store %arg8[%swap3A_270], %gather3A_269 {strides = array<i32>} : memref<2048xf32, #tpu.memory_space<vmem>>, vector<16xf32>,
        %add3A_272 = arith.constant 96 : i32
        %add3A_273 = arith.addi %mul3A_220, %add3A_272 : i32
        %add3A_274 = arith.constant 6144 : i32
        %add3A_275 = arith.addi %add3A_274, %add3A_273 : i32
        %get3A_276 = arith.index_cast %add3A_275 : i32 to index
        %get3A_277 = tpu.vector_load %arg6[%get3A_276] {strides = array<i32>} : memref<16384xi32, #tpu.memory_space<vmem>>, vector<16xi32>,
        %gather3A_278 = tpu.vector_load_idx %arg5[%get3A_277] : memref<100000xf32, #tpu.memory_space<vmem>>[vector<16xi32>], vector<16xf32>,
        %swap3A_279 = arith.index_cast %add3A_273 : i32 to index
        %swap3A_280 = tpu.vector_load %arg8[%swap3A_279] {strides = array<i32>} : memref<2048xf32, #tpu.memory_space<vmem>>, vector<16xf32>,
        tpu.vector_store %arg8[%swap3A_279], %gather3A_278 {strides = array<i32>} : memref<2048xf32, #tpu.memory_space<vmem>>, vector<16xf32>,
        %add3A_281 = arith.constant 112 : i32
        %add3A_282 = arith.addi %mul3A_220, %add3A_281 : i32
        %add3A_283 = arith.constant 6144 : i32
        %add3A_284 = arith.addi %add3A_283, %add3A_282 : i32
        %get3A_285 = arith.index_cast %add3A_284 : i32 to index
        %get3A_286 = tpu.vector_load %arg6[%get3A_285] {strides = array<i32>} : memref<16384xi32, #tpu.memory_space<vmem>>, vector<16xi32>,
        %gather3A_287 = tpu.vector_load_idx %arg5[%get3A_286] : memref<100000xf32, #tpu.memory_space<vmem>>[vector<16xi32>], vector<16xf32>,
        %swap3A_288 = arith.index_cast %add3A_282 : i32 to index
        %swap3A_289 = tpu.vector_load %arg8[%swap3A_288] {strides = array<i32>} : memref<2048xf32, #tpu.memory_space<vmem>>, vector<16xf32>,
        tpu.vector_store %arg8[%swap3A_288], %gather3A_287 {strides = array<i32>} : memref<2048xf32, #tpu.memory_space<vmem>>, vector<16xf32>,
        %add3A_290 = arith.constant 128 : i32
        %add3A_291 = arith.addi %mul3A_220, %add3A_290 : i32
        %add3A_292 = arith.constant 6144 : i32
        %add3A_293 = arith.addi %add3A_292, %add3A_291 : i32
        %get3A_294 = arith.index_cast %add3A_293 : i32 to index
        %get3A_295 = tpu.vector_load %arg6[%get3A_294] {strides = array<i32>} : memref<16384xi32, #tpu.memory_space<vmem>>, vector<16xi32>,
        %gather3A_296 = tpu.vector_load_idx %arg5[%get3A_295] : memref<100000xf32, #tpu.memory_space<vmem>>[vector<16xi32>], vector<16xf32>,
        %swap3A_297 = arith.index_cast %add3A_291 : i32 to index
        %swap3A_298 = tpu.vector_load %arg8[%swap3A_297] {strides = array<i32>} : memref<2048xf32, #tpu.memory_space<vmem>>, vector<16xf32>,
        tpu.vector_store %arg8[%swap3A_297], %gather3A_296 {strides = array<i32>} : memref<2048xf32, #tpu.memory_space<vmem>>, vector<16xf32>,
        %add3A_299 = arith.constant 144 : i32
        %add3A_300 = arith.addi %mul3A_220, %add3A_299 : i32
        %add3A_301 = arith.constant 6144 : i32
        %add3A_302 = arith.addi %add3A_301, %add3A_300 : i32
        %get3A_303 = arith.index_cast %add3A_302 : i32 to index
        %get3A_304 = tpu.vector_load %arg6[%get3A_303] {strides = array<i32>} : memref<16384xi32, #tpu.memory_space<vmem>>, vector<16xi32>,
        %gather3A_305 = tpu.vector_load_idx %arg5[%get3A_304] : memref<100000xf32, #tpu.memory_space<vmem>>[vector<16xi32>], vector<16xf32>,
        %swap3A_306 = arith.index_cast %add3A_300 : i32 to index
        %swap3A_307 = tpu.vector_load %arg8[%swap3A_306] {strides = array<i32>} : memref<2048xf32, #tpu.memory_space<vmem>>, vector<16xf32>,
        tpu.vector_store %arg8[%swap3A_306], %gather3A_305 {strides = array<i32>} : memref<2048xf32, #tpu.memory_space<vmem>>, vector<16xf32>,
        %add3A_308 = arith.constant 160 : i32
        %add3A_309 = arith.addi %mul3A_220, %add3A_308 : i32
        %add3A_310 = arith.constant 6144 : i32
        %add3A_311 = arith.addi %add3A_310, %add3A_309 : i32
        %get3A_312 = arith.index_cast %add3A_311 : i32 to index
        %get3A_313 = tpu.vector_load %arg6[%get3A_312] {strides = array<i32>} : memref<16384xi32, #tpu.memory_space<vmem>>, vector<16xi32>,
        %gather3A_314 = tpu.vector_load_idx %arg5[%get3A_313] : memref<100000xf32, #tpu.memory_space<vmem>>[vector<16xi32>], vector<16xf32>,
        %swap3A_315 = arith.index_cast %add3A_309 : i32 to index
        %swap3A_316 = tpu.vector_load %arg8[%swap3A_315] {strides = array<i32>} : memref<2048xf32, #tpu.memory_space<vmem>>, vector<16xf32>,
        tpu.vector_store %arg8[%swap3A_315], %gather3A_314 {strides = array<i32>} : memref<2048xf32, #tpu.memory_space<vmem>>, vector<16xf32>,
        %add3A_317 = arith.constant 176 : i32
        %add3A_318 = arith.addi %mul3A_220, %add3A_317 : i32
        %add3A_319 = arith.constant 6144 : i32
        %add3A_320 = arith.addi %add3A_319, %add3A_318 : i32
        %get3A_321 = arith.index_cast %add3A_320 : i32 to index
        %get3A_322 = tpu.vector_load %arg6[%get3A_321] {strides = array<i32>} : memref<16384xi32, #tpu.memory_space<vmem>>, vector<16xi32>,
        %gather3A_323 = tpu.vector_load_idx %arg5[%get3A_322] : memref<100000xf32, #tpu.memory_space<vmem>>[vector<16xi32>], vector<16xf32>,
        %swap3A_324 = arith.index_cast %add3A_318 : i32 to index
        %swap3A_325 = tpu.vector_load %arg8[%swap3A_324] {strides = array<i32>} : memref<2048xf32, #tpu.memory_space<vmem>>, vector<16xf32>,
        tpu.vector_store %arg8[%swap3A_324], %gather3A_323 {strides = array<i32>} : memref<2048xf32, #tpu.memory_space<vmem>>, vector<16xf32>,
        %add3A_326 = arith.constant 192 : i32
        %add3A_327 = arith.addi %mul3A_220, %add3A_326 : i32
        %add3A_328 = arith.constant 6144 : i32
        %add3A_329 = arith.addi %add3A_328, %add3A_327 : i32
        %get3A_330 = arith.index_cast %add3A_329 : i32 to index
        %get3A_331 = tpu.vector_load %arg6[%get3A_330] {strides = array<i32>} : memref<16384xi32, #tpu.memory_space<vmem>>, vector<16xi32>,
        %gather3A_332 = tpu.vector_load_idx %arg5[%get3A_331] : memref<100000xf32, #tpu.memory_space<vmem>>[vector<16xi32>], vector<16xf32>,
        %swap3A_333 = arith.index_cast %add3A_327 : i32 to index
        %swap3A_334 = tpu.vector_load %arg8[%swap3A_333] {strides = array<i32>} : memref<2048xf32, #tpu.memory_space<vmem>>, vector<16xf32>,
        tpu.vector_store %arg8[%swap3A_333], %gather3A_332 {strides = array<i32>} : memref<2048xf32, #tpu.memory_space<vmem>>, vector<16xf32>,
        %add3A_335 = arith.constant 208 : i32
        %add3A_336 = arith.addi %mul3A_220, %add3A_335 : i32
        %add3A_337 = arith.constant 6144 : i32
        %add3A_338 = arith.addi %add3A_337, %add3A_336 : i32
        %get3A_339 = arith.index_cast %add3A_338 : i32 to index
        %get3A_340 = tpu.vector_load %arg6[%get3A_339] {strides = array<i32>} : memref<16384xi32, #tpu.memory_space<vmem>>, vector<16xi32>,
        %gather3A_341 = tpu.vector_load_idx %arg5[%get3A_340] : memref<100000xf32, #tpu.memory_space<vmem>>[vector<16xi32>], vector<16xf32>,
        %swap3A_342 = arith.index_cast %add3A_336 : i32 to index
        %swap3A_343 = tpu.vector_load %arg8[%swap3A_342] {strides = array<i32>} : memref<2048xf32, #tpu.memory_space<vmem>>, vector<16xf32>,
        tpu.vector_store %arg8[%swap3A_342], %gather3A_341 {strides = array<i32>} : memref<2048xf32, #tpu.memory_space<vmem>>, vector<16xf32>,
        %add3A_344 = arith.constant 224 : i32
        %add3A_345 = arith.addi %mul3A_220, %add3A_344 : i32
        %add3A_346 = arith.constant 6144 : i32
        %add3A_347 = arith.addi %add3A_346, %add3A_345 : i32
        %get3A_348 = arith.index_cast %add3A_347 : i32 to index
        %get3A_349 = tpu.vector_load %arg6[%get3A_348] {strides = array<i32>} : memref<16384xi32, #tpu.memory_space<vmem>>, vector<16xi32>,
        %gather3A_350 = tpu.vector_load_idx %arg5[%get3A_349] : memref<100000xf32, #tpu.memory_space<vmem>>[vector<16xi32>], vector<16xf32>,
        %swap3A_351 = arith.index_cast %add3A_345 : i32 to index
        %swap3A_352 = tpu.vector_load %arg8[%swap3A_351] {strides = array<i32>} : memref<2048xf32, #tpu.memory_space<vmem>>, vector<16xf32>,
        tpu.vector_store %arg8[%swap3A_351], %gather3A_350 {strides = array<i32>} : memref<2048xf32, #tpu.memory_space<vmem>>, vector<16xf32>,
        %add3A_353 = arith.constant 240 : i32
        %add3A_354 = arith.addi %mul3A_220, %add3A_353 : i32
        %add3A_355 = arith.constant 6144 : i32
        %add3A_356 = arith.addi %add3A_355, %add3A_354 : i32
        %get3A_357 = arith.index_cast %add3A_356 : i32 to index
        %get3A_358 = tpu.vector_load %arg6[%get3A_357] {strides = array<i32>} : memref<16384xi32, #tpu.memory_space<vmem>>, vector<16xi32>,
        %gather3A_359 = tpu.vector_load_idx %arg5[%get3A_358] : memref<100000xf32, #tpu.memory_space<vmem>>[vector<16xi32>], vector<16xf32>,
        %swap3A_360 = arith.index_cast %add3A_354 : i32 to index
        %swap3A_361 = tpu.vector_load %arg8[%swap3A_360] {strides = array<i32>} : memref<2048xf32, #tpu.memory_space<vmem>>, vector<16xf32>,
        tpu.vector_store %arg8[%swap3A_360], %gather3A_359 {strides = array<i32>} : memref<2048xf32, #tpu.memory_space<vmem>>, vector<16xf32>,
      }
      %scan3A_135 = arith.constant 8 : i32
      %dma_start3A_136 = arith.constant 6144 : i32
      %dma_start3A_137 = tpu.memref_slice %arg4[%add3A_22, %dma_start3A_136] : memref<832x16384xf32, #tpu.memory_space<hbm>> -> memref<1x2048xf32, #tpu.memory_space<hbm>>
      %dma_start3A_138 = tpu.memref_squeeze %dma_start3A_137 : memref<1x2048xf32, #tpu.memory_space<hbm>> -> memref<2048xf32, #tpu.memory_space<hbm>>
      %dma_start3A_139 = arith.constant 6144 : i32
      %dma_start3A_140 = tpu.memref_slice %arg4[%add3A_22, %dma_start3A_139] : memref<832x16384xf32, #tpu.memory_space<hbm>> -> memref<1x2048xf32, #tpu.memory_space<hbm>>
      %dma_start3A_141 = tpu.memref_squeeze %dma_start3A_140 : memref<1x2048xf32, #tpu.memory_space<hbm>> -> memref<2048xf32, #tpu.memory_space<hbm>>
      tpu.enqueue_dma source(%arg8 : memref<2048xf32, #tpu.memory_space<vmem>>) target(%dma_start3A_141 : memref<2048xf32, #tpu.memory_space<hbm>>) target_semaphore(%arg12 : memref<!tpu.dma_semaphore, #tpu.memory_space<semaphore_mem>>)
      %dma_wait3A_142 = arith.constant 0 : i32
      %dma_wait3A_143 = arith.constant 0 : i32
      %dma_wait3A_144 = tpu.memref_slice %arg4[%dma_wait3A_142, %dma_wait3A_143] : memref<832x16384xf32, #tpu.memory_space<hbm>> -> memref<1x2048xf32, #tpu.memory_space<hbm>>
      %dma_wait3A_145 = tpu.memref_squeeze %dma_wait3A_144 : memref<1x2048xf32, #tpu.memory_space<hbm>> -> memref<2048xf32, #tpu.memory_space<hbm>>
      %dma_wait3A_146 = arith.constant 0 : i32
      %dma_wait3A_147 = tpu.memref_slice %arg4[%dma_wait3A_142, %dma_wait3A_146] : memref<832x16384xf32, #tpu.memory_space<hbm>> -> memref<1x2048xf32, #tpu.memory_space<hbm>>
      %dma_wait3A_148 = tpu.memref_squeeze %dma_wait3A_147 : memref<1x2048xf32, #tpu.memory_space<hbm>> -> memref<2048xf32, #tpu.memory_space<hbm>>
      tpu.wait_dma2 semaphore(%arg11 : memref<!tpu.dma_semaphore, #tpu.memory_space<semaphore_mem>>) src(%arg7 : memref<2048xf32, #tpu.memory_space<vmem>>) dst(%dma_wait3A_148 : memref<2048xf32, #tpu.memory_space<hbm>>)
      %scan3A_149 = arith.constant 0 : i32
      %scan3A_150 = arith.constant 0 : i32
      %scan3A_151 = arith.constant 8 : i32
      %scan3A_152 = arith.addi %scan3A_150, %scan3A_151 : i32
      %scan3A_153 = arith.constant 1 : i32
      scf.for %scan3A_218 = %scan3A_150 to %scan3A_152 step %scan3A_153  : i32 {
        %mul3A_219 = arith.constant 256 : i32
        %mul3A_220 = arith.muli %scan3A_218, %mul3A_219 : i32
        %add3A_221 = arith.constant 0 : i32
        %add3A_222 = arith.addi %mul3A_220, %add3A_221 : i32
        %add3A_223 = arith.constant 8192 : i32
        %add3A_224 = arith.addi %add3A_223, %add3A_222 : i32
        %get3A = arith.index_cast %add3A_224 : i32 to index
        %get3A_225 = tpu.vector_load %arg6[%get3A] {strides = array<i32>} : memref<16384xi32, #tpu.memory_space<vmem>>, vector<16xi32>,
        %gather3A = tpu.vector_load_idx %arg5[%get3A_225] : memref<100000xf32, #tpu.memory_space<vmem>>[vector<16xi32>], vector<16xf32>,
        %swap3A = arith.index_cast %add3A_222 : i32 to index
        %swap3A_226 = tpu.vector_load %arg7[%swap3A] {strides = array<i32>} : memref<2048xf32, #tpu.memory_space<vmem>>, vector<16xf32>,
        tpu.vector_store %arg7[%swap3A], %gather3A {strides = array<i32>} : memref<2048xf32, #tpu.memory_space<vmem>>, vector<16xf32>,
        %add3A_227 = arith.constant 16 : i32
        %add3A_228 = arith.addi %mul3A_220, %add3A_227 : i32
        %add3A_229 = arith.constant 8192 : i32
        %add3A_230 = arith.addi %add3A_229, %add3A_228 : i32
        %get3A_231 = arith.index_cast %add3A_230 : i32 to index
        %get3A_232 = tpu.vector_load %arg6[%get3A_231] {strides = array<i32>} : memref<16384xi32, #tpu.memory_space<vmem>>, vector<16xi32>,
        %gather3A_233 = tpu.vector_load_idx %arg5[%get3A_232] : memref<100000xf32, #tpu.memory_space<vmem>>[vector<16xi32>], vector<16xf32>,
        %swap3A_234 = arith.index_cast %add3A_228 : i32 to index
        %swap3A_235 = tpu.vector_load %arg7[%swap3A_234] {strides = array<i32>} : memref<2048xf32, #tpu.memory_space<vmem>>, vector<16xf32>,
        tpu.vector_store %arg7[%swap3A_234], %gather3A_233 {strides = array<i32>} : memref<2048xf32, #tpu.memory_space<vmem>>, vector<16xf32>,
        %add3A_236 = arith.constant 32 : i32
        %add3A_237 = arith.addi %mul3A_220, %add3A_236 : i32
        %add3A_238 = arith.constant 8192 : i32
        %add3A_239 = arith.addi %add3A_238, %add3A_237 : i32
        %get3A_240 = arith.index_cast %add3A_239 : i32 to index
        %get3A_241 = tpu.vector_load %arg6[%get3A_240] {strides = array<i32>} : memref<16384xi32, #tpu.memory_space<vmem>>, vector<16xi32>,
        %gather3A_242 = tpu.vector_load_idx %arg5[%get3A_241] : memref<100000xf32, #tpu.memory_space<vmem>>[vector<16xi32>], vector<16xf32>,
        %swap3A_243 = arith.index_cast %add3A_237 : i32 to index
        %swap3A_244 = tpu.vector_load %arg7[%swap3A_243] {strides = array<i32>} : memref<2048xf32, #tpu.memory_space<vmem>>, vector<16xf32>,
        tpu.vector_store %arg7[%swap3A_243], %gather3A_242 {strides = array<i32>} : memref<2048xf32, #tpu.memory_space<vmem>>, vector<16xf32>,
        %add3A_245 = arith.constant 48 : i32
        %add3A_246 = arith.addi %mul3A_220, %add3A_245 : i32
        %add3A_247 = arith.constant 8192 : i32
        %add3A_248 = arith.addi %add3A_247, %add3A_246 : i32
        %get3A_249 = arith.index_cast %add3A_248 : i32 to index
        %get3A_250 = tpu.vector_load %arg6[%get3A_249] {strides = array<i32>} : memref<16384xi32, #tpu.memory_space<vmem>>, vector<16xi32>,
        %gather3A_251 = tpu.vector_load_idx %arg5[%get3A_250] : memref<100000xf32, #tpu.memory_space<vmem>>[vector<16xi32>], vector<16xf32>,
        %swap3A_252 = arith.index_cast %add3A_246 : i32 to index
        %swap3A_253 = tpu.vector_load %arg7[%swap3A_252] {strides = array<i32>} : memref<2048xf32, #tpu.memory_space<vmem>>, vector<16xf32>,
        tpu.vector_store %arg7[%swap3A_252], %gather3A_251 {strides = array<i32>} : memref<2048xf32, #tpu.memory_space<vmem>>, vector<16xf32>,
        %add3A_254 = arith.constant 64 : i32
        %add3A_255 = arith.addi %mul3A_220, %add3A_254 : i32
        %add3A_256 = arith.constant 8192 : i32
        %add3A_257 = arith.addi %add3A_256, %add3A_255 : i32
        %get3A_258 = arith.index_cast %add3A_257 : i32 to index
        %get3A_259 = tpu.vector_load %arg6[%get3A_258] {strides = array<i32>} : memref<16384xi32, #tpu.memory_space<vmem>>, vector<16xi32>,
        %gather3A_260 = tpu.vector_load_idx %arg5[%get3A_259] : memref<100000xf32, #tpu.memory_space<vmem>>[vector<16xi32>], vector<16xf32>,
        %swap3A_261 = arith.index_cast %add3A_255 : i32 to index
        %swap3A_262 = tpu.vector_load %arg7[%swap3A_261] {strides = array<i32>} : memref<2048xf32, #tpu.memory_space<vmem>>, vector<16xf32>,
        tpu.vector_store %arg7[%swap3A_261], %gather3A_260 {strides = array<i32>} : memref<2048xf32, #tpu.memory_space<vmem>>, vector<16xf32>,
        %add3A_263 = arith.constant 80 : i32
        %add3A_264 = arith.addi %mul3A_220, %add3A_263 : i32
        %add3A_265 = arith.constant 8192 : i32
        %add3A_266 = arith.addi %add3A_265, %add3A_264 : i32
        %get3A_267 = arith.index_cast %add3A_266 : i32 to index
        %get3A_268 = tpu.vector_load %arg6[%get3A_267] {strides = array<i32>} : memref<16384xi32, #tpu.memory_space<vmem>>, vector<16xi32>,
        %gather3A_269 = tpu.vector_load_idx %arg5[%get3A_268] : memref<100000xf32, #tpu.memory_space<vmem>>[vector<16xi32>], vector<16xf32>,
        %swap3A_270 = arith.index_cast %add3A_264 : i32 to index
        %swap3A_271 = tpu.vector_load %arg7[%swap3A_270] {strides = array<i32>} : memref<2048xf32, #tpu.memory_space<vmem>>, vector<16xf32>,
        tpu.vector_store %arg7[%swap3A_270], %gather3A_269 {strides = array<i32>} : memref<2048xf32, #tpu.memory_space<vmem>>, vector<16xf32>,
        %add3A_272 = arith.constant 96 : i32
        %add3A_273 = arith.addi %mul3A_220, %add3A_272 : i32
        %add3A_274 = arith.constant 8192 : i32
        %add3A_275 = arith.addi %add3A_274, %add3A_273 : i32
        %get3A_276 = arith.index_cast %add3A_275 : i32 to index
        %get3A_277 = tpu.vector_load %arg6[%get3A_276] {strides = array<i32>} : memref<16384xi32, #tpu.memory_space<vmem>>, vector<16xi32>,
        %gather3A_278 = tpu.vector_load_idx %arg5[%get3A_277] : memref<100000xf32, #tpu.memory_space<vmem>>[vector<16xi32>], vector<16xf32>,
        %swap3A_279 = arith.index_cast %add3A_273 : i32 to index
        %swap3A_280 = tpu.vector_load %arg7[%swap3A_279] {strides = array<i32>} : memref<2048xf32, #tpu.memory_space<vmem>>, vector<16xf32>,
        tpu.vector_store %arg7[%swap3A_279], %gather3A_278 {strides = array<i32>} : memref<2048xf32, #tpu.memory_space<vmem>>, vector<16xf32>,
        %add3A_281 = arith.constant 112 : i32
        %add3A_282 = arith.addi %mul3A_220, %add3A_281 : i32
        %add3A_283 = arith.constant 8192 : i32
        %add3A_284 = arith.addi %add3A_283, %add3A_282 : i32
        %get3A_285 = arith.index_cast %add3A_284 : i32 to index
        %get3A_286 = tpu.vector_load %arg6[%get3A_285] {strides = array<i32>} : memref<16384xi32, #tpu.memory_space<vmem>>, vector<16xi32>,
        %gather3A_287 = tpu.vector_load_idx %arg5[%get3A_286] : memref<100000xf32, #tpu.memory_space<vmem>>[vector<16xi32>], vector<16xf32>,
        %swap3A_288 = arith.index_cast %add3A_282 : i32 to index
        %swap3A_289 = tpu.vector_load %arg7[%swap3A_288] {strides = array<i32>} : memref<2048xf32, #tpu.memory_space<vmem>>, vector<16xf32>,
        tpu.vector_store %arg7[%swap3A_288], %gather3A_287 {strides = array<i32>} : memref<2048xf32, #tpu.memory_space<vmem>>, vector<16xf32>,
        %add3A_290 = arith.constant 128 : i32
        %add3A_291 = arith.addi %mul3A_220, %add3A_290 : i32
        %add3A_292 = arith.constant 8192 : i32
        %add3A_293 = arith.addi %add3A_292, %add3A_291 : i32
        %get3A_294 = arith.index_cast %add3A_293 : i32 to index
        %get3A_295 = tpu.vector_load %arg6[%get3A_294] {strides = array<i32>} : memref<16384xi32, #tpu.memory_space<vmem>>, vector<16xi32>,
        %gather3A_296 = tpu.vector_load_idx %arg5[%get3A_295] : memref<100000xf32, #tpu.memory_space<vmem>>[vector<16xi32>], vector<16xf32>,
        %swap3A_297 = arith.index_cast %add3A_291 : i32 to index
        %swap3A_298 = tpu.vector_load %arg7[%swap3A_297] {strides = array<i32>} : memref<2048xf32, #tpu.memory_space<vmem>>, vector<16xf32>,
        tpu.vector_store %arg7[%swap3A_297], %gather3A_296 {strides = array<i32>} : memref<2048xf32, #tpu.memory_space<vmem>>, vector<16xf32>,
        %add3A_299 = arith.constant 144 : i32
        %add3A_300 = arith.addi %mul3A_220, %add3A_299 : i32
        %add3A_301 = arith.constant 8192 : i32
        %add3A_302 = arith.addi %add3A_301, %add3A_300 : i32
        %get3A_303 = arith.index_cast %add3A_302 : i32 to index
        %get3A_304 = tpu.vector_load %arg6[%get3A_303] {strides = array<i32>} : memref<16384xi32, #tpu.memory_space<vmem>>, vector<16xi32>,
        %gather3A_305 = tpu.vector_load_idx %arg5[%get3A_304] : memref<100000xf32, #tpu.memory_space<vmem>>[vector<16xi32>], vector<16xf32>,
        %swap3A_306 = arith.index_cast %add3A_300 : i32 to index
        %swap3A_307 = tpu.vector_load %arg7[%swap3A_306] {strides = array<i32>} : memref<2048xf32, #tpu.memory_space<vmem>>, vector<16xf32>,
        tpu.vector_store %arg7[%swap3A_306], %gather3A_305 {strides = array<i32>} : memref<2048xf32, #tpu.memory_space<vmem>>, vector<16xf32>,
        %add3A_308 = arith.constant 160 : i32
        %add3A_309 = arith.addi %mul3A_220, %add3A_308 : i32
        %add3A_310 = arith.constant 8192 : i32
        %add3A_311 = arith.addi %add3A_310, %add3A_309 : i32
        %get3A_312 = arith.index_cast %add3A_311 : i32 to index
        %get3A_313 = tpu.vector_load %arg6[%get3A_312] {strides = array<i32>} : memref<16384xi32, #tpu.memory_space<vmem>>, vector<16xi32>,
        %gather3A_314 = tpu.vector_load_idx %arg5[%get3A_313] : memref<100000xf32, #tpu.memory_space<vmem>>[vector<16xi32>], vector<16xf32>,
        %swap3A_315 = arith.index_cast %add3A_309 : i32 to index
        %swap3A_316 = tpu.vector_load %arg7[%swap3A_315] {strides = array<i32>} : memref<2048xf32, #tpu.memory_space<vmem>>, vector<16xf32>,
        tpu.vector_store %arg7[%swap3A_315], %gather3A_314 {strides = array<i32>} : memref<2048xf32, #tpu.memory_space<vmem>>, vector<16xf32>,
        %add3A_317 = arith.constant 176 : i32
        %add3A_318 = arith.addi %mul3A_220, %add3A_317 : i32
        %add3A_319 = arith.constant 8192 : i32
        %add3A_320 = arith.addi %add3A_319, %add3A_318 : i32
        %get3A_321 = arith.index_cast %add3A_320 : i32 to index
        %get3A_322 = tpu.vector_load %arg6[%get3A_321] {strides = array<i32>} : memref<16384xi32, #tpu.memory_space<vmem>>, vector<16xi32>,
        %gather3A_323 = tpu.vector_load_idx %arg5[%get3A_322] : memref<100000xf32, #tpu.memory_space<vmem>>[vector<16xi32>], vector<16xf32>,
        %swap3A_324 = arith.index_cast %add3A_318 : i32 to index
        %swap3A_325 = tpu.vector_load %arg7[%swap3A_324] {strides = array<i32>} : memref<2048xf32, #tpu.memory_space<vmem>>, vector<16xf32>,
        tpu.vector_store %arg7[%swap3A_324], %gather3A_323 {strides = array<i32>} : memref<2048xf32, #tpu.memory_space<vmem>>, vector<16xf32>,
        %add3A_326 = arith.constant 192 : i32
        %add3A_327 = arith.addi %mul3A_220, %add3A_326 : i32
        %add3A_328 = arith.constant 8192 : i32
        %add3A_329 = arith.addi %add3A_328, %add3A_327 : i32
        %get3A_330 = arith.index_cast %add3A_329 : i32 to index
        %get3A_331 = tpu.vector_load %arg6[%get3A_330] {strides = array<i32>} : memref<16384xi32, #tpu.memory_space<vmem>>, vector<16xi32>,
        %gather3A_332 = tpu.vector_load_idx %arg5[%get3A_331] : memref<100000xf32, #tpu.memory_space<vmem>>[vector<16xi32>], vector<16xf32>,
        %swap3A_333 = arith.index_cast %add3A_327 : i32 to index
        %swap3A_334 = tpu.vector_load %arg7[%swap3A_333] {strides = array<i32>} : memref<2048xf32, #tpu.memory_space<vmem>>, vector<16xf32>,
        tpu.vector_store %arg7[%swap3A_333], %gather3A_332 {strides = array<i32>} : memref<2048xf32, #tpu.memory_space<vmem>>, vector<16xf32>,
        %add3A_335 = arith.constant 208 : i32
        %add3A_336 = arith.addi %mul3A_220, %add3A_335 : i32
        %add3A_337 = arith.constant 8192 : i32
        %add3A_338 = arith.addi %add3A_337, %add3A_336 : i32
        %get3A_339 = arith.index_cast %add3A_338 : i32 to index
        %get3A_340 = tpu.vector_load %arg6[%get3A_339] {strides = array<i32>} : memref<16384xi32, #tpu.memory_space<vmem>>, vector<16xi32>,
        %gather3A_341 = tpu.vector_load_idx %arg5[%get3A_340] : memref<100000xf32, #tpu.memory_space<vmem>>[vector<16xi32>], vector<16xf32>,
        %swap3A_342 = arith.index_cast %add3A_336 : i32 to index
        %swap3A_343 = tpu.vector_load %arg7[%swap3A_342] {strides = array<i32>} : memref<2048xf32, #tpu.memory_space<vmem>>, vector<16xf32>,
        tpu.vector_store %arg7[%swap3A_342], %gather3A_341 {strides = array<i32>} : memref<2048xf32, #tpu.memory_space<vmem>>, vector<16xf32>,
        %add3A_344 = arith.constant 224 : i32
        %add3A_345 = arith.addi %mul3A_220, %add3A_344 : i32
        %add3A_346 = arith.constant 8192 : i32
        %add3A_347 = arith.addi %add3A_346, %add3A_345 : i32
        %get3A_348 = arith.index_cast %add3A_347 : i32 to index
        %get3A_349 = tpu.vector_load %arg6[%get3A_348] {strides = array<i32>} : memref<16384xi32, #tpu.memory_space<vmem>>, vector<16xi32>,
        %gather3A_350 = tpu.vector_load_idx %arg5[%get3A_349] : memref<100000xf32, #tpu.memory_space<vmem>>[vector<16xi32>], vector<16xf32>,
        %swap3A_351 = arith.index_cast %add3A_345 : i32 to index
        %swap3A_352 = tpu.vector_load %arg7[%swap3A_351] {strides = array<i32>} : memref<2048xf32, #tpu.memory_space<vmem>>, vector<16xf32>,
        tpu.vector_store %arg7[%swap3A_351], %gather3A_350 {strides = array<i32>} : memref<2048xf32, #tpu.memory_space<vmem>>, vector<16xf32>,
        %add3A_353 = arith.constant 240 : i32
        %add3A_354 = arith.addi %mul3A_220, %add3A_353 : i32
        %add3A_355 = arith.constant 8192 : i32
        %add3A_356 = arith.addi %add3A_355, %add3A_354 : i32
        %get3A_357 = arith.index_cast %add3A_356 : i32 to index
        %get3A_358 = tpu.vector_load %arg6[%get3A_357] {strides = array<i32>} : memref<16384xi32, #tpu.memory_space<vmem>>, vector<16xi32>,
        %gather3A_359 = tpu.vector_load_idx %arg5[%get3A_358] : memref<100000xf32, #tpu.memory_space<vmem>>[vector<16xi32>], vector<16xf32>,
        %swap3A_360 = arith.index_cast %add3A_354 : i32 to index
        %swap3A_361 = tpu.vector_load %arg7[%swap3A_360] {strides = array<i32>} : memref<2048xf32, #tpu.memory_space<vmem>>, vector<16xf32>,
        tpu.vector_store %arg7[%swap3A_360], %gather3A_359 {strides = array<i32>} : memref<2048xf32, #tpu.memory_space<vmem>>, vector<16xf32>,
      }
      %scan3A_154 = arith.constant 8 : i32
      %dma_start3A_155 = arith.constant 8192 : i32
      %dma_start3A_156 = tpu.memref_slice %arg4[%add3A_22, %dma_start3A_155] : memref<832x16384xf32, #tpu.memory_space<hbm>> -> memref<1x2048xf32, #tpu.memory_space<hbm>>
      %dma_start3A_157 = tpu.memref_squeeze %dma_start3A_156 : memref<1x2048xf32, #tpu.memory_space<hbm>> -> memref<2048xf32, #tpu.memory_space<hbm>>
      %dma_start3A_158 = arith.constant 8192 : i32
      %dma_start3A_159 = tpu.memref_slice %arg4[%add3A_22, %dma_start3A_158] : memref<832x16384xf32, #tpu.memory_space<hbm>> -> memref<1x2048xf32, #tpu.memory_space<hbm>>
      %dma_start3A_160 = tpu.memref_squeeze %dma_start3A_159 : memref<1x2048xf32, #tpu.memory_space<hbm>> -> memref<2048xf32, #tpu.memory_space<hbm>>
      tpu.enqueue_dma source(%arg7 : memref<2048xf32, #tpu.memory_space<vmem>>) target(%dma_start3A_160 : memref<2048xf32, #tpu.memory_space<hbm>>) target_semaphore(%arg11 : memref<!tpu.dma_semaphore, #tpu.memory_space<semaphore_mem>>)
      %dma_wait3A_161 = arith.constant 0 : i32
      %dma_wait3A_162 = arith.constant 0 : i32
      %dma_wait3A_163 = tpu.memref_slice %arg4[%dma_wait3A_161, %dma_wait3A_162] : memref<832x16384xf32, #tpu.memory_space<hbm>> -> memref<1x2048xf32, #tpu.memory_space<hbm>>
      %dma_wait3A_164 = tpu.memref_squeeze %dma_wait3A_163 : memref<1x2048xf32, #tpu.memory_space<hbm>> -> memref<2048xf32, #tpu.memory_space<hbm>>
      %dma_wait3A_165 = arith.constant 0 : i32
      %dma_wait3A_166 = tpu.memref_slice %arg4[%dma_wait3A_161, %dma_wait3A_165] : memref<832x16384xf32, #tpu.memory_space<hbm>> -> memref<1x2048xf32, #tpu.memory_space<hbm>>
      %dma_wait3A_167 = tpu.memref_squeeze %dma_wait3A_166 : memref<1x2048xf32, #tpu.memory_space<hbm>> -> memref<2048xf32, #tpu.memory_space<hbm>>
      tpu.wait_dma2 semaphore(%arg12 : memref<!tpu.dma_semaphore, #tpu.memory_space<semaphore_mem>>) src(%arg8 : memref<2048xf32, #tpu.memory_space<vmem>>) dst(%dma_wait3A_167 : memref<2048xf32, #tpu.memory_space<hbm>>)
      %scan3A_168 = arith.constant 0 : i32
      %scan3A_169 = arith.constant 0 : i32
      %scan3A_170 = arith.constant 8 : i32
      %scan3A_171 = arith.addi %scan3A_169, %scan3A_170 : i32
      %scan3A_172 = arith.constant 1 : i32
      scf.for %scan3A_218 = %scan3A_169 to %scan3A_171 step %scan3A_172  : i32 {
        %mul3A_219 = arith.constant 256 : i32
        %mul3A_220 = arith.muli %scan3A_218, %mul3A_219 : i32
        %add3A_221 = arith.constant 0 : i32
        %add3A_222 = arith.addi %mul3A_220, %add3A_221 : i32
        %add3A_223 = arith.constant 10240 : i32
        %add3A_224 = arith.addi %add3A_223, %add3A_222 : i32
        %get3A = arith.index_cast %add3A_224 : i32 to index
        %get3A_225 = tpu.vector_load %arg6[%get3A] {strides = array<i32>} : memref<16384xi32, #tpu.memory_space<vmem>>, vector<16xi32>,
        %gather3A = tpu.vector_load_idx %arg5[%get3A_225] : memref<100000xf32, #tpu.memory_space<vmem>>[vector<16xi32>], vector<16xf32>,
        %swap3A = arith.index_cast %add3A_222 : i32 to index
        %swap3A_226 = tpu.vector_load %arg8[%swap3A] {strides = array<i32>} : memref<2048xf32, #tpu.memory_space<vmem>>, vector<16xf32>,
        tpu.vector_store %arg8[%swap3A], %gather3A {strides = array<i32>} : memref<2048xf32, #tpu.memory_space<vmem>>, vector<16xf32>,
        %add3A_227 = arith.constant 16 : i32
        %add3A_228 = arith.addi %mul3A_220, %add3A_227 : i32
        %add3A_229 = arith.constant 10240 : i32
        %add3A_230 = arith.addi %add3A_229, %add3A_228 : i32
        %get3A_231 = arith.index_cast %add3A_230 : i32 to index
        %get3A_232 = tpu.vector_load %arg6[%get3A_231] {strides = array<i32>} : memref<16384xi32, #tpu.memory_space<vmem>>, vector<16xi32>,
        %gather3A_233 = tpu.vector_load_idx %arg5[%get3A_232] : memref<100000xf32, #tpu.memory_space<vmem>>[vector<16xi32>], vector<16xf32>,
        %swap3A_234 = arith.index_cast %add3A_228 : i32 to index
        %swap3A_235 = tpu.vector_load %arg8[%swap3A_234] {strides = array<i32>} : memref<2048xf32, #tpu.memory_space<vmem>>, vector<16xf32>,
        tpu.vector_store %arg8[%swap3A_234], %gather3A_233 {strides = array<i32>} : memref<2048xf32, #tpu.memory_space<vmem>>, vector<16xf32>,
        %add3A_236 = arith.constant 32 : i32
        %add3A_237 = arith.addi %mul3A_220, %add3A_236 : i32
        %add3A_238 = arith.constant 10240 : i32
        %add3A_239 = arith.addi %add3A_238, %add3A_237 : i32
        %get3A_240 = arith.index_cast %add3A_239 : i32 to index
        %get3A_241 = tpu.vector_load %arg6[%get3A_240] {strides = array<i32>} : memref<16384xi32, #tpu.memory_space<vmem>>, vector<16xi32>,
        %gather3A_242 = tpu.vector_load_idx %arg5[%get3A_241] : memref<100000xf32, #tpu.memory_space<vmem>>[vector<16xi32>], vector<16xf32>,
        %swap3A_243 = arith.index_cast %add3A_237 : i32 to index
        %swap3A_244 = tpu.vector_load %arg8[%swap3A_243] {strides = array<i32>} : memref<2048xf32, #tpu.memory_space<vmem>>, vector<16xf32>,
        tpu.vector_store %arg8[%swap3A_243], %gather3A_242 {strides = array<i32>} : memref<2048xf32, #tpu.memory_space<vmem>>, vector<16xf32>,
        %add3A_245 = arith.constant 48 : i32
        %add3A_246 = arith.addi %mul3A_220, %add3A_245 : i32
        %add3A_247 = arith.constant 10240 : i32
        %add3A_248 = arith.addi %add3A_247, %add3A_246 : i32
        %get3A_249 = arith.index_cast %add3A_248 : i32 to index
        %get3A_250 = tpu.vector_load %arg6[%get3A_249] {strides = array<i32>} : memref<16384xi32, #tpu.memory_space<vmem>>, vector<16xi32>,
        %gather3A_251 = tpu.vector_load_idx %arg5[%get3A_250] : memref<100000xf32, #tpu.memory_space<vmem>>[vector<16xi32>], vector<16xf32>,
        %swap3A_252 = arith.index_cast %add3A_246 : i32 to index
        %swap3A_253 = tpu.vector_load %arg8[%swap3A_252] {strides = array<i32>} : memref<2048xf32, #tpu.memory_space<vmem>>, vector<16xf32>,
        tpu.vector_store %arg8[%swap3A_252], %gather3A_251 {strides = array<i32>} : memref<2048xf32, #tpu.memory_space<vmem>>, vector<16xf32>,
        %add3A_254 = arith.constant 64 : i32
        %add3A_255 = arith.addi %mul3A_220, %add3A_254 : i32
        %add3A_256 = arith.constant 10240 : i32
        %add3A_257 = arith.addi %add3A_256, %add3A_255 : i32
        %get3A_258 = arith.index_cast %add3A_257 : i32 to index
        %get3A_259 = tpu.vector_load %arg6[%get3A_258] {strides = array<i32>} : memref<16384xi32, #tpu.memory_space<vmem>>, vector<16xi32>,
        %gather3A_260 = tpu.vector_load_idx %arg5[%get3A_259] : memref<100000xf32, #tpu.memory_space<vmem>>[vector<16xi32>], vector<16xf32>,
        %swap3A_261 = arith.index_cast %add3A_255 : i32 to index
        %swap3A_262 = tpu.vector_load %arg8[%swap3A_261] {strides = array<i32>} : memref<2048xf32, #tpu.memory_space<vmem>>, vector<16xf32>,
        tpu.vector_store %arg8[%swap3A_261], %gather3A_260 {strides = array<i32>} : memref<2048xf32, #tpu.memory_space<vmem>>, vector<16xf32>,
        %add3A_263 = arith.constant 80 : i32
        %add3A_264 = arith.addi %mul3A_220, %add3A_263 : i32
        %add3A_265 = arith.constant 10240 : i32
        %add3A_266 = arith.addi %add3A_265, %add3A_264 : i32
        %get3A_267 = arith.index_cast %add3A_266 : i32 to index
        %get3A_268 = tpu.vector_load %arg6[%get3A_267] {strides = array<i32>} : memref<16384xi32, #tpu.memory_space<vmem>>, vector<16xi32>,
        %gather3A_269 = tpu.vector_load_idx %arg5[%get3A_268] : memref<100000xf32, #tpu.memory_space<vmem>>[vector<16xi32>], vector<16xf32>,
        %swap3A_270 = arith.index_cast %add3A_264 : i32 to index
        %swap3A_271 = tpu.vector_load %arg8[%swap3A_270] {strides = array<i32>} : memref<2048xf32, #tpu.memory_space<vmem>>, vector<16xf32>,
        tpu.vector_store %arg8[%swap3A_270], %gather3A_269 {strides = array<i32>} : memref<2048xf32, #tpu.memory_space<vmem>>, vector<16xf32>,
        %add3A_272 = arith.constant 96 : i32
        %add3A_273 = arith.addi %mul3A_220, %add3A_272 : i32
        %add3A_274 = arith.constant 10240 : i32
        %add3A_275 = arith.addi %add3A_274, %add3A_273 : i32
        %get3A_276 = arith.index_cast %add3A_275 : i32 to index
        %get3A_277 = tpu.vector_load %arg6[%get3A_276] {strides = array<i32>} : memref<16384xi32, #tpu.memory_space<vmem>>, vector<16xi32>,
        %gather3A_278 = tpu.vector_load_idx %arg5[%get3A_277] : memref<100000xf32, #tpu.memory_space<vmem>>[vector<16xi32>], vector<16xf32>,
        %swap3A_279 = arith.index_cast %add3A_273 : i32 to index
        %swap3A_280 = tpu.vector_load %arg8[%swap3A_279] {strides = array<i32>} : memref<2048xf32, #tpu.memory_space<vmem>>, vector<16xf32>,
        tpu.vector_store %arg8[%swap3A_279], %gather3A_278 {strides = array<i32>} : memref<2048xf32, #tpu.memory_space<vmem>>, vector<16xf32>,
        %add3A_281 = arith.constant 112 : i32
        %add3A_282 = arith.addi %mul3A_220, %add3A_281 : i32
        %add3A_283 = arith.constant 10240 : i32
        %add3A_284 = arith.addi %add3A_283, %add3A_282 : i32
        %get3A_285 = arith.index_cast %add3A_284 : i32 to index
        %get3A_286 = tpu.vector_load %arg6[%get3A_285] {strides = array<i32>} : memref<16384xi32, #tpu.memory_space<vmem>>, vector<16xi32>,
        %gather3A_287 = tpu.vector_load_idx %arg5[%get3A_286] : memref<100000xf32, #tpu.memory_space<vmem>>[vector<16xi32>], vector<16xf32>,
        %swap3A_288 = arith.index_cast %add3A_282 : i32 to index
        %swap3A_289 = tpu.vector_load %arg8[%swap3A_288] {strides = array<i32>} : memref<2048xf32, #tpu.memory_space<vmem>>, vector<16xf32>,
        tpu.vector_store %arg8[%swap3A_288], %gather3A_287 {strides = array<i32>} : memref<2048xf32, #tpu.memory_space<vmem>>, vector<16xf32>,
        %add3A_290 = arith.constant 128 : i32
        %add3A_291 = arith.addi %mul3A_220, %add3A_290 : i32
        %add3A_292 = arith.constant 10240 : i32
        %add3A_293 = arith.addi %add3A_292, %add3A_291 : i32
        %get3A_294 = arith.index_cast %add3A_293 : i32 to index
        %get3A_295 = tpu.vector_load %arg6[%get3A_294] {strides = array<i32>} : memref<16384xi32, #tpu.memory_space<vmem>>, vector<16xi32>,
        %gather3A_296 = tpu.vector_load_idx %arg5[%get3A_295] : memref<100000xf32, #tpu.memory_space<vmem>>[vector<16xi32>], vector<16xf32>,
        %swap3A_297 = arith.index_cast %add3A_291 : i32 to index
        %swap3A_298 = tpu.vector_load %arg8[%swap3A_297] {strides = array<i32>} : memref<2048xf32, #tpu.memory_space<vmem>>, vector<16xf32>,
        tpu.vector_store %arg8[%swap3A_297], %gather3A_296 {strides = array<i32>} : memref<2048xf32, #tpu.memory_space<vmem>>, vector<16xf32>,
        %add3A_299 = arith.constant 144 : i32
        %add3A_300 = arith.addi %mul3A_220, %add3A_299 : i32
        %add3A_301 = arith.constant 10240 : i32
        %add3A_302 = arith.addi %add3A_301, %add3A_300 : i32
        %get3A_303 = arith.index_cast %add3A_302 : i32 to index
        %get3A_304 = tpu.vector_load %arg6[%get3A_303] {strides = array<i32>} : memref<16384xi32, #tpu.memory_space<vmem>>, vector<16xi32>,
        %gather3A_305 = tpu.vector_load_idx %arg5[%get3A_304] : memref<100000xf32, #tpu.memory_space<vmem>>[vector<16xi32>], vector<16xf32>,
        %swap3A_306 = arith.index_cast %add3A_300 : i32 to index
        %swap3A_307 = tpu.vector_load %arg8[%swap3A_306] {strides = array<i32>} : memref<2048xf32, #tpu.memory_space<vmem>>, vector<16xf32>,
        tpu.vector_store %arg8[%swap3A_306], %gather3A_305 {strides = array<i32>} : memref<2048xf32, #tpu.memory_space<vmem>>, vector<16xf32>,
        %add3A_308 = arith.constant 160 : i32
        %add3A_309 = arith.addi %mul3A_220, %add3A_308 : i32
        %add3A_310 = arith.constant 10240 : i32
        %add3A_311 = arith.addi %add3A_310, %add3A_309 : i32
        %get3A_312 = arith.index_cast %add3A_311 : i32 to index
        %get3A_313 = tpu.vector_load %arg6[%get3A_312] {strides = array<i32>} : memref<16384xi32, #tpu.memory_space<vmem>>, vector<16xi32>,
        %gather3A_314 = tpu.vector_load_idx %arg5[%get3A_313] : memref<100000xf32, #tpu.memory_space<vmem>>[vector<16xi32>], vector<16xf32>,
        %swap3A_315 = arith.index_cast %add3A_309 : i32 to index
        %swap3A_316 = tpu.vector_load %arg8[%swap3A_315] {strides = array<i32>} : memref<2048xf32, #tpu.memory_space<vmem>>, vector<16xf32>,
        tpu.vector_store %arg8[%swap3A_315], %gather3A_314 {strides = array<i32>} : memref<2048xf32, #tpu.memory_space<vmem>>, vector<16xf32>,
        %add3A_317 = arith.constant 176 : i32
        %add3A_318 = arith.addi %mul3A_220, %add3A_317 : i32
        %add3A_319 = arith.constant 10240 : i32
        %add3A_320 = arith.addi %add3A_319, %add3A_318 : i32
        %get3A_321 = arith.index_cast %add3A_320 : i32 to index
        %get3A_322 = tpu.vector_load %arg6[%get3A_321] {strides = array<i32>} : memref<16384xi32, #tpu.memory_space<vmem>>, vector<16xi32>,
        %gather3A_323 = tpu.vector_load_idx %arg5[%get3A_322] : memref<100000xf32, #tpu.memory_space<vmem>>[vector<16xi32>], vector<16xf32>,
        %swap3A_324 = arith.index_cast %add3A_318 : i32 to index
        %swap3A_325 = tpu.vector_load %arg8[%swap3A_324] {strides = array<i32>} : memref<2048xf32, #tpu.memory_space<vmem>>, vector<16xf32>,
        tpu.vector_store %arg8[%swap3A_324], %gather3A_323 {strides = array<i32>} : memref<2048xf32, #tpu.memory_space<vmem>>, vector<16xf32>,
        %add3A_326 = arith.constant 192 : i32
        %add3A_327 = arith.addi %mul3A_220, %add3A_326 : i32
        %add3A_328 = arith.constant 10240 : i32
        %add3A_329 = arith.addi %add3A_328, %add3A_327 : i32
        %get3A_330 = arith.index_cast %add3A_329 : i32 to index
        %get3A_331 = tpu.vector_load %arg6[%get3A_330] {strides = array<i32>} : memref<16384xi32, #tpu.memory_space<vmem>>, vector<16xi32>,
        %gather3A_332 = tpu.vector_load_idx %arg5[%get3A_331] : memref<100000xf32, #tpu.memory_space<vmem>>[vector<16xi32>], vector<16xf32>,
        %swap3A_333 = arith.index_cast %add3A_327 : i32 to index
        %swap3A_334 = tpu.vector_load %arg8[%swap3A_333] {strides = array<i32>} : memref<2048xf32, #tpu.memory_space<vmem>>, vector<16xf32>,
        tpu.vector_store %arg8[%swap3A_333], %gather3A_332 {strides = array<i32>} : memref<2048xf32, #tpu.memory_space<vmem>>, vector<16xf32>,
        %add3A_335 = arith.constant 208 : i32
        %add3A_336 = arith.addi %mul3A_220, %add3A_335 : i32
        %add3A_337 = arith.constant 10240 : i32
        %add3A_338 = arith.addi %add3A_337, %add3A_336 : i32
        %get3A_339 = arith.index_cast %add3A_338 : i32 to index
        %get3A_340 = tpu.vector_load %arg6[%get3A_339] {strides = array<i32>} : memref<16384xi32, #tpu.memory_space<vmem>>, vector<16xi32>,
        %gather3A_341 = tpu.vector_load_idx %arg5[%get3A_340] : memref<100000xf32, #tpu.memory_space<vmem>>[vector<16xi32>], vector<16xf32>,
        %swap3A_342 = arith.index_cast %add3A_336 : i32 to index
        %swap3A_343 = tpu.vector_load %arg8[%swap3A_342] {strides = array<i32>} : memref<2048xf32, #tpu.memory_space<vmem>>, vector<16xf32>,
        tpu.vector_store %arg8[%swap3A_342], %gather3A_341 {strides = array<i32>} : memref<2048xf32, #tpu.memory_space<vmem>>, vector<16xf32>,
        %add3A_344 = arith.constant 224 : i32
        %add3A_345 = arith.addi %mul3A_220, %add3A_344 : i32
        %add3A_346 = arith.constant 10240 : i32
        %add3A_347 = arith.addi %add3A_346, %add3A_345 : i32
        %get3A_348 = arith.index_cast %add3A_347 : i32 to index
        %get3A_349 = tpu.vector_load %arg6[%get3A_348] {strides = array<i32>} : memref<16384xi32, #tpu.memory_space<vmem>>, vector<16xi32>,
        %gather3A_350 = tpu.vector_load_idx %arg5[%get3A_349] : memref<100000xf32, #tpu.memory_space<vmem>>[vector<16xi32>], vector<16xf32>,
        %swap3A_351 = arith.index_cast %add3A_345 : i32 to index
        %swap3A_352 = tpu.vector_load %arg8[%swap3A_351] {strides = array<i32>} : memref<2048xf32, #tpu.memory_space<vmem>>, vector<16xf32>,
        tpu.vector_store %arg8[%swap3A_351], %gather3A_350 {strides = array<i32>} : memref<2048xf32, #tpu.memory_space<vmem>>, vector<16xf32>,
        %add3A_353 = arith.constant 240 : i32
        %add3A_354 = arith.addi %mul3A_220, %add3A_353 : i32
        %add3A_355 = arith.constant 10240 : i32
        %add3A_356 = arith.addi %add3A_355, %add3A_354 : i32
        %get3A_357 = arith.index_cast %add3A_356 : i32 to index
        %get3A_358 = tpu.vector_load %arg6[%get3A_357] {strides = array<i32>} : memref<16384xi32, #tpu.memory_space<vmem>>, vector<16xi32>,
        %gather3A_359 = tpu.vector_load_idx %arg5[%get3A_358] : memref<100000xf32, #tpu.memory_space<vmem>>[vector<16xi32>], vector<16xf32>,
        %swap3A_360 = arith.index_cast %add3A_354 : i32 to index
        %swap3A_361 = tpu.vector_load %arg8[%swap3A_360] {strides = array<i32>} : memref<2048xf32, #tpu.memory_space<vmem>>, vector<16xf32>,
        tpu.vector_store %arg8[%swap3A_360], %gather3A_359 {strides = array<i32>} : memref<2048xf32, #tpu.memory_space<vmem>>, vector<16xf32>,
      }
      %scan3A_173 = arith.constant 8 : i32
      %dma_start3A_174 = arith.constant 10240 : i32
      %dma_start3A_175 = tpu.memref_slice %arg4[%add3A_22, %dma_start3A_174] : memref<832x16384xf32, #tpu.memory_space<hbm>> -> memref<1x2048xf32, #tpu.memory_space<hbm>>
      %dma_start3A_176 = tpu.memref_squeeze %dma_start3A_175 : memref<1x2048xf32, #tpu.memory_space<hbm>> -> memref<2048xf32, #tpu.memory_space<hbm>>
      %dma_start3A_177 = arith.constant 10240 : i32
      %dma_start3A_178 = tpu.memref_slice %arg4[%add3A_22, %dma_start3A_177] : memref<832x16384xf32, #tpu.memory_space<hbm>> -> memref<1x2048xf32, #tpu.memory_space<hbm>>
      %dma_start3A_179 = tpu.memref_squeeze %dma_start3A_178 : memref<1x2048xf32, #tpu.memory_space<hbm>> -> memref<2048xf32, #tpu.memory_space<hbm>>
      tpu.enqueue_dma source(%arg8 : memref<2048xf32, #tpu.memory_space<vmem>>) target(%dma_start3A_179 : memref<2048xf32, #tpu.memory_space<hbm>>) target_semaphore(%arg12 : memref<!tpu.dma_semaphore, #tpu.memory_space<semaphore_mem>>)
      %dma_wait3A_180 = arith.constant 0 : i32
      %dma_wait3A_181 = arith.constant 0 : i32
      %dma_wait3A_182 = tpu.memref_slice %arg4[%dma_wait3A_180, %dma_wait3A_181] : memref<832x16384xf32, #tpu.memory_space<hbm>> -> memref<1x2048xf32, #tpu.memory_space<hbm>>
      %dma_wait3A_183 = tpu.memref_squeeze %dma_wait3A_182 : memref<1x2048xf32, #tpu.memory_space<hbm>> -> memref<2048xf32, #tpu.memory_space<hbm>>
      %dma_wait3A_184 = arith.constant 0 : i32
      %dma_wait3A_185 = tpu.memref_slice %arg4[%dma_wait3A_180, %dma_wait3A_184] : memref<832x16384xf32, #tpu.memory_space<hbm>> -> memref<1x2048xf32, #tpu.memory_space<hbm>>
      %dma_wait3A_186 = tpu.memref_squeeze %dma_wait3A_185 : memref<1x2048xf32, #tpu.memory_space<hbm>> -> memref<2048xf32, #tpu.memory_space<hbm>>
      tpu.wait_dma2 semaphore(%arg11 : memref<!tpu.dma_semaphore, #tpu.memory_space<semaphore_mem>>) src(%arg7 : memref<2048xf32, #tpu.memory_space<vmem>>) dst(%dma_wait3A_186 : memref<2048xf32, #tpu.memory_space<hbm>>)
      %scan3A_187 = arith.constant 0 : i32
      %scan3A_188 = arith.constant 0 : i32
      %scan3A_189 = arith.constant 8 : i32
      %scan3A_190 = arith.addi %scan3A_188, %scan3A_189 : i32
      %scan3A_191 = arith.constant 1 : i32
      scf.for %scan3A_218 = %scan3A_188 to %scan3A_190 step %scan3A_191  : i32 {
        %mul3A_219 = arith.constant 256 : i32
        %mul3A_220 = arith.muli %scan3A_218, %mul3A_219 : i32
        %add3A_221 = arith.constant 0 : i32
        %add3A_222 = arith.addi %mul3A_220, %add3A_221 : i32
        %add3A_223 = arith.constant 12288 : i32
        %add3A_224 = arith.addi %add3A_223, %add3A_222 : i32
        %get3A = arith.index_cast %add3A_224 : i32 to index
        %get3A_225 = tpu.vector_load %arg6[%get3A] {strides = array<i32>} : memref<16384xi32, #tpu.memory_space<vmem>>, vector<16xi32>,
        %gather3A = tpu.vector_load_idx %arg5[%get3A_225] : memref<100000xf32, #tpu.memory_space<vmem>>[vector<16xi32>], vector<16xf32>,
        %swap3A = arith.index_cast %add3A_222 : i32 to index
        %swap3A_226 = tpu.vector_load %arg7[%swap3A] {strides = array<i32>} : memref<2048xf32, #tpu.memory_space<vmem>>, vector<16xf32>,
        tpu.vector_store %arg7[%swap3A], %gather3A {strides = array<i32>} : memref<2048xf32, #tpu.memory_space<vmem>>, vector<16xf32>,
        %add3A_227 = arith.constant 16 : i32
        %add3A_228 = arith.addi %mul3A_220, %add3A_227 : i32
        %add3A_229 = arith.constant 12288 : i32
        %add3A_230 = arith.addi %add3A_229, %add3A_228 : i32
        %get3A_231 = arith.index_cast %add3A_230 : i32 to index
        %get3A_232 = tpu.vector_load %arg6[%get3A_231] {strides = array<i32>} : memref<16384xi32, #tpu.memory_space<vmem>>, vector<16xi32>,
        %gather3A_233 = tpu.vector_load_idx %arg5[%get3A_232] : memref<100000xf32, #tpu.memory_space<vmem>>[vector<16xi32>], vector<16xf32>,
        %swap3A_234 = arith.index_cast %add3A_228 : i32 to index
        %swap3A_235 = tpu.vector_load %arg7[%swap3A_234] {strides = array<i32>} : memref<2048xf32, #tpu.memory_space<vmem>>, vector<16xf32>,
        tpu.vector_store %arg7[%swap3A_234], %gather3A_233 {strides = array<i32>} : memref<2048xf32, #tpu.memory_space<vmem>>, vector<16xf32>,
        %add3A_236 = arith.constant 32 : i32
        %add3A_237 = arith.addi %mul3A_220, %add3A_236 : i32
        %add3A_238 = arith.constant 12288 : i32
        %add3A_239 = arith.addi %add3A_238, %add3A_237 : i32
        %get3A_240 = arith.index_cast %add3A_239 : i32 to index
        %get3A_241 = tpu.vector_load %arg6[%get3A_240] {strides = array<i32>} : memref<16384xi32, #tpu.memory_space<vmem>>, vector<16xi32>,
        %gather3A_242 = tpu.vector_load_idx %arg5[%get3A_241] : memref<100000xf32, #tpu.memory_space<vmem>>[vector<16xi32>], vector<16xf32>,
        %swap3A_243 = arith.index_cast %add3A_237 : i32 to index
        %swap3A_244 = tpu.vector_load %arg7[%swap3A_243] {strides = array<i32>} : memref<2048xf32, #tpu.memory_space<vmem>>, vector<16xf32>,
        tpu.vector_store %arg7[%swap3A_243], %gather3A_242 {strides = array<i32>} : memref<2048xf32, #tpu.memory_space<vmem>>, vector<16xf32>,
        %add3A_245 = arith.constant 48 : i32
        %add3A_246 = arith.addi %mul3A_220, %add3A_245 : i32
        %add3A_247 = arith.constant 12288 : i32
        %add3A_248 = arith.addi %add3A_247, %add3A_246 : i32
        %get3A_249 = arith.index_cast %add3A_248 : i32 to index
        %get3A_250 = tpu.vector_load %arg6[%get3A_249] {strides = array<i32>} : memref<16384xi32, #tpu.memory_space<vmem>>, vector<16xi32>,
        %gather3A_251 = tpu.vector_load_idx %arg5[%get3A_250] : memref<100000xf32, #tpu.memory_space<vmem>>[vector<16xi32>], vector<16xf32>,
        %swap3A_252 = arith.index_cast %add3A_246 : i32 to index
        %swap3A_253 = tpu.vector_load %arg7[%swap3A_252] {strides = array<i32>} : memref<2048xf32, #tpu.memory_space<vmem>>, vector<16xf32>,
        tpu.vector_store %arg7[%swap3A_252], %gather3A_251 {strides = array<i32>} : memref<2048xf32, #tpu.memory_space<vmem>>, vector<16xf32>,
        %add3A_254 = arith.constant 64 : i32
        %add3A_255 = arith.addi %mul3A_220, %add3A_254 : i32
        %add3A_256 = arith.constant 12288 : i32
        %add3A_257 = arith.addi %add3A_256, %add3A_255 : i32
        %get3A_258 = arith.index_cast %add3A_257 : i32 to index
        %get3A_259 = tpu.vector_load %arg6[%get3A_258] {strides = array<i32>} : memref<16384xi32, #tpu.memory_space<vmem>>, vector<16xi32>,
        %gather3A_260 = tpu.vector_load_idx %arg5[%get3A_259] : memref<100000xf32, #tpu.memory_space<vmem>>[vector<16xi32>], vector<16xf32>,
        %swap3A_261 = arith.index_cast %add3A_255 : i32 to index
        %swap3A_262 = tpu.vector_load %arg7[%swap3A_261] {strides = array<i32>} : memref<2048xf32, #tpu.memory_space<vmem>>, vector<16xf32>,
        tpu.vector_store %arg7[%swap3A_261], %gather3A_260 {strides = array<i32>} : memref<2048xf32, #tpu.memory_space<vmem>>, vector<16xf32>,
        %add3A_263 = arith.constant 80 : i32
        %add3A_264 = arith.addi %mul3A_220, %add3A_263 : i32
        %add3A_265 = arith.constant 12288 : i32
        %add3A_266 = arith.addi %add3A_265, %add3A_264 : i32
        %get3A_267 = arith.index_cast %add3A_266 : i32 to index
        %get3A_268 = tpu.vector_load %arg6[%get3A_267] {strides = array<i32>} : memref<16384xi32, #tpu.memory_space<vmem>>, vector<16xi32>,
        %gather3A_269 = tpu.vector_load_idx %arg5[%get3A_268] : memref<100000xf32, #tpu.memory_space<vmem>>[vector<16xi32>], vector<16xf32>,
        %swap3A_270 = arith.index_cast %add3A_264 : i32 to index
        %swap3A_271 = tpu.vector_load %arg7[%swap3A_270] {strides = array<i32>} : memref<2048xf32, #tpu.memory_space<vmem>>, vector<16xf32>,
        tpu.vector_store %arg7[%swap3A_270], %gather3A_269 {strides = array<i32>} : memref<2048xf32, #tpu.memory_space<vmem>>, vector<16xf32>,
        %add3A_272 = arith.constant 96 : i32
        %add3A_273 = arith.addi %mul3A_220, %add3A_272 : i32
        %add3A_274 = arith.constant 12288 : i32
        %add3A_275 = arith.addi %add3A_274, %add3A_273 : i32
        %get3A_276 = arith.index_cast %add3A_275 : i32 to index
        %get3A_277 = tpu.vector_load %arg6[%get3A_276] {strides = array<i32>} : memref<16384xi32, #tpu.memory_space<vmem>>, vector<16xi32>,
        %gather3A_278 = tpu.vector_load_idx %arg5[%get3A_277] : memref<100000xf32, #tpu.memory_space<vmem>>[vector<16xi32>], vector<16xf32>,
        %swap3A_279 = arith.index_cast %add3A_273 : i32 to index
        %swap3A_280 = tpu.vector_load %arg7[%swap3A_279] {strides = array<i32>} : memref<2048xf32, #tpu.memory_space<vmem>>, vector<16xf32>,
        tpu.vector_store %arg7[%swap3A_279], %gather3A_278 {strides = array<i32>} : memref<2048xf32, #tpu.memory_space<vmem>>, vector<16xf32>,
        %add3A_281 = arith.constant 112 : i32
        %add3A_282 = arith.addi %mul3A_220, %add3A_281 : i32
        %add3A_283 = arith.constant 12288 : i32
        %add3A_284 = arith.addi %add3A_283, %add3A_282 : i32
        %get3A_285 = arith.index_cast %add3A_284 : i32 to index
        %get3A_286 = tpu.vector_load %arg6[%get3A_285] {strides = array<i32>} : memref<16384xi32, #tpu.memory_space<vmem>>, vector<16xi32>,
        %gather3A_287 = tpu.vector_load_idx %arg5[%get3A_286] : memref<100000xf32, #tpu.memory_space<vmem>>[vector<16xi32>], vector<16xf32>,
        %swap3A_288 = arith.index_cast %add3A_282 : i32 to index
        %swap3A_289 = tpu.vector_load %arg7[%swap3A_288] {strides = array<i32>} : memref<2048xf32, #tpu.memory_space<vmem>>, vector<16xf32>,
        tpu.vector_store %arg7[%swap3A_288], %gather3A_287 {strides = array<i32>} : memref<2048xf32, #tpu.memory_space<vmem>>, vector<16xf32>,
        %add3A_290 = arith.constant 128 : i32
        %add3A_291 = arith.addi %mul3A_220, %add3A_290 : i32
        %add3A_292 = arith.constant 12288 : i32
        %add3A_293 = arith.addi %add3A_292, %add3A_291 : i32
        %get3A_294 = arith.index_cast %add3A_293 : i32 to index
        %get3A_295 = tpu.vector_load %arg6[%get3A_294] {strides = array<i32>} : memref<16384xi32, #tpu.memory_space<vmem>>, vector<16xi32>,
        %gather3A_296 = tpu.vector_load_idx %arg5[%get3A_295] : memref<100000xf32, #tpu.memory_space<vmem>>[vector<16xi32>], vector<16xf32>,
        %swap3A_297 = arith.index_cast %add3A_291 : i32 to index
        %swap3A_298 = tpu.vector_load %arg7[%swap3A_297] {strides = array<i32>} : memref<2048xf32, #tpu.memory_space<vmem>>, vector<16xf32>,
        tpu.vector_store %arg7[%swap3A_297], %gather3A_296 {strides = array<i32>} : memref<2048xf32, #tpu.memory_space<vmem>>, vector<16xf32>,
        %add3A_299 = arith.constant 144 : i32
        %add3A_300 = arith.addi %mul3A_220, %add3A_299 : i32
        %add3A_301 = arith.constant 12288 : i32
        %add3A_302 = arith.addi %add3A_301, %add3A_300 : i32
        %get3A_303 = arith.index_cast %add3A_302 : i32 to index
        %get3A_304 = tpu.vector_load %arg6[%get3A_303] {strides = array<i32>} : memref<16384xi32, #tpu.memory_space<vmem>>, vector<16xi32>,
        %gather3A_305 = tpu.vector_load_idx %arg5[%get3A_304] : memref<100000xf32, #tpu.memory_space<vmem>>[vector<16xi32>], vector<16xf32>,
        %swap3A_306 = arith.index_cast %add3A_300 : i32 to index
        %swap3A_307 = tpu.vector_load %arg7[%swap3A_306] {strides = array<i32>} : memref<2048xf32, #tpu.memory_space<vmem>>, vector<16xf32>,
        tpu.vector_store %arg7[%swap3A_306], %gather3A_305 {strides = array<i32>} : memref<2048xf32, #tpu.memory_space<vmem>>, vector<16xf32>,
        %add3A_308 = arith.constant 160 : i32
        %add3A_309 = arith.addi %mul3A_220, %add3A_308 : i32
        %add3A_310 = arith.constant 12288 : i32
        %add3A_311 = arith.addi %add3A_310, %add3A_309 : i32
        %get3A_312 = arith.index_cast %add3A_311 : i32 to index
        %get3A_313 = tpu.vector_load %arg6[%get3A_312] {strides = array<i32>} : memref<16384xi32, #tpu.memory_space<vmem>>, vector<16xi32>,
        %gather3A_314 = tpu.vector_load_idx %arg5[%get3A_313] : memref<100000xf32, #tpu.memory_space<vmem>>[vector<16xi32>], vector<16xf32>,
        %swap3A_315 = arith.index_cast %add3A_309 : i32 to index
        %swap3A_316 = tpu.vector_load %arg7[%swap3A_315] {strides = array<i32>} : memref<2048xf32, #tpu.memory_space<vmem>>, vector<16xf32>,
        tpu.vector_store %arg7[%swap3A_315], %gather3A_314 {strides = array<i32>} : memref<2048xf32, #tpu.memory_space<vmem>>, vector<16xf32>,
        %add3A_317 = arith.constant 176 : i32
        %add3A_318 = arith.addi %mul3A_220, %add3A_317 : i32
        %add3A_319 = arith.constant 12288 : i32
        %add3A_320 = arith.addi %add3A_319, %add3A_318 : i32
        %get3A_321 = arith.index_cast %add3A_320 : i32 to index
        %get3A_322 = tpu.vector_load %arg6[%get3A_321] {strides = array<i32>} : memref<16384xi32, #tpu.memory_space<vmem>>, vector<16xi32>,
        %gather3A_323 = tpu.vector_load_idx %arg5[%get3A_322] : memref<100000xf32, #tpu.memory_space<vmem>>[vector<16xi32>], vector<16xf32>,
        %swap3A_324 = arith.index_cast %add3A_318 : i32 to index
        %swap3A_325 = tpu.vector_load %arg7[%swap3A_324] {strides = array<i32>} : memref<2048xf32, #tpu.memory_space<vmem>>, vector<16xf32>,
        tpu.vector_store %arg7[%swap3A_324], %gather3A_323 {strides = array<i32>} : memref<2048xf32, #tpu.memory_space<vmem>>, vector<16xf32>,
        %add3A_326 = arith.constant 192 : i32
        %add3A_327 = arith.addi %mul3A_220, %add3A_326 : i32
        %add3A_328 = arith.constant 12288 : i32
        %add3A_329 = arith.addi %add3A_328, %add3A_327 : i32
        %get3A_330 = arith.index_cast %add3A_329 : i32 to index
        %get3A_331 = tpu.vector_load %arg6[%get3A_330] {strides = array<i32>} : memref<16384xi32, #tpu.memory_space<vmem>>, vector<16xi32>,
        %gather3A_332 = tpu.vector_load_idx %arg5[%get3A_331] : memref<100000xf32, #tpu.memory_space<vmem>>[vector<16xi32>], vector<16xf32>,
        %swap3A_333 = arith.index_cast %add3A_327 : i32 to index
        %swap3A_334 = tpu.vector_load %arg7[%swap3A_333] {strides = array<i32>} : memref<2048xf32, #tpu.memory_space<vmem>>, vector<16xf32>,
        tpu.vector_store %arg7[%swap3A_333], %gather3A_332 {strides = array<i32>} : memref<2048xf32, #tpu.memory_space<vmem>>, vector<16xf32>,
        %add3A_335 = arith.constant 208 : i32
        %add3A_336 = arith.addi %mul3A_220, %add3A_335 : i32
        %add3A_337 = arith.constant 12288 : i32
        %add3A_338 = arith.addi %add3A_337, %add3A_336 : i32
        %get3A_339 = arith.index_cast %add3A_338 : i32 to index
        %get3A_340 = tpu.vector_load %arg6[%get3A_339] {strides = array<i32>} : memref<16384xi32, #tpu.memory_space<vmem>>, vector<16xi32>,
        %gather3A_341 = tpu.vector_load_idx %arg5[%get3A_340] : memref<100000xf32, #tpu.memory_space<vmem>>[vector<16xi32>], vector<16xf32>,
        %swap3A_342 = arith.index_cast %add3A_336 : i32 to index
        %swap3A_343 = tpu.vector_load %arg7[%swap3A_342] {strides = array<i32>} : memref<2048xf32, #tpu.memory_space<vmem>>, vector<16xf32>,
        tpu.vector_store %arg7[%swap3A_342], %gather3A_341 {strides = array<i32>} : memref<2048xf32, #tpu.memory_space<vmem>>, vector<16xf32>,
        %add3A_344 = arith.constant 224 : i32
        %add3A_345 = arith.addi %mul3A_220, %add3A_344 : i32
        %add3A_346 = arith.constant 12288 : i32
        %add3A_347 = arith.addi %add3A_346, %add3A_345 : i32
        %get3A_348 = arith.index_cast %add3A_347 : i32 to index
        %get3A_349 = tpu.vector_load %arg6[%get3A_348] {strides = array<i32>} : memref<16384xi32, #tpu.memory_space<vmem>>, vector<16xi32>,
        %gather3A_350 = tpu.vector_load_idx %arg5[%get3A_349] : memref<100000xf32, #tpu.memory_space<vmem>>[vector<16xi32>], vector<16xf32>,
        %swap3A_351 = arith.index_cast %add3A_345 : i32 to index
        %swap3A_352 = tpu.vector_load %arg7[%swap3A_351] {strides = array<i32>} : memref<2048xf32, #tpu.memory_space<vmem>>, vector<16xf32>,
        tpu.vector_store %arg7[%swap3A_351], %gather3A_350 {strides = array<i32>} : memref<2048xf32, #tpu.memory_space<vmem>>, vector<16xf32>,
        %add3A_353 = arith.constant 240 : i32
        %add3A_354 = arith.addi %mul3A_220, %add3A_353 : i32
        %add3A_355 = arith.constant 12288 : i32
        %add3A_356 = arith.addi %add3A_355, %add3A_354 : i32
        %get3A_357 = arith.index_cast %add3A_356 : i32 to index
        %get3A_358 = tpu.vector_load %arg6[%get3A_357] {strides = array<i32>} : memref<16384xi32, #tpu.memory_space<vmem>>, vector<16xi32>,
        %gather3A_359 = tpu.vector_load_idx %arg5[%get3A_358] : memref<100000xf32, #tpu.memory_space<vmem>>[vector<16xi32>], vector<16xf32>,
        %swap3A_360 = arith.index_cast %add3A_354 : i32 to index
        %swap3A_361 = tpu.vector_load %arg7[%swap3A_360] {strides = array<i32>} : memref<2048xf32, #tpu.memory_space<vmem>>, vector<16xf32>,
        tpu.vector_store %arg7[%swap3A_360], %gather3A_359 {strides = array<i32>} : memref<2048xf32, #tpu.memory_space<vmem>>, vector<16xf32>,
      }
      %scan3A_192 = arith.constant 8 : i32
      %dma_start3A_193 = arith.constant 12288 : i32
      %dma_start3A_194 = tpu.memref_slice %arg4[%add3A_22, %dma_start3A_193] : memref<832x16384xf32, #tpu.memory_space<hbm>> -> memref<1x2048xf32, #tpu.memory_space<hbm>>
      %dma_start3A_195 = tpu.memref_squeeze %dma_start3A_194 : memref<1x2048xf32, #tpu.memory_space<hbm>> -> memref<2048xf32, #tpu.memory_space<hbm>>
      %dma_start3A_196 = arith.constant 12288 : i32
      %dma_start3A_197 = tpu.memref_slice %arg4[%add3A_22, %dma_start3A_196] : memref<832x16384xf32, #tpu.memory_space<hbm>> -> memref<1x2048xf32, #tpu.memory_space<hbm>>
      %dma_start3A_198 = tpu.memref_squeeze %dma_start3A_197 : memref<1x2048xf32, #tpu.memory_space<hbm>> -> memref<2048xf32, #tpu.memory_space<hbm>>
      tpu.enqueue_dma source(%arg7 : memref<2048xf32, #tpu.memory_space<vmem>>) target(%dma_start3A_198 : memref<2048xf32, #tpu.memory_space<hbm>>) target_semaphore(%arg11 : memref<!tpu.dma_semaphore, #tpu.memory_space<semaphore_mem>>)
      %dma_wait3A_199 = arith.constant 0 : i32
      %dma_wait3A_200 = arith.constant 0 : i32
      %dma_wait3A_201 = tpu.memref_slice %arg4[%dma_wait3A_199, %dma_wait3A_200] : memref<832x16384xf32, #tpu.memory_space<hbm>> -> memref<1x2048xf32, #tpu.memory_space<hbm>>
      %dma_wait3A_202 = tpu.memref_squeeze %dma_wait3A_201 : memref<1x2048xf32, #tpu.memory_space<hbm>> -> memref<2048xf32, #tpu.memory_space<hbm>>
      %dma_wait3A_203 = arith.constant 0 : i32
      %dma_wait3A_204 = tpu.memref_slice %arg4[%dma_wait3A_199, %dma_wait3A_203] : memref<832x16384xf32, #tpu.memory_space<hbm>> -> memref<1x2048xf32, #tpu.memory_space<hbm>>
      %dma_wait3A_205 = tpu.memref_squeeze %dma_wait3A_204 : memref<1x2048xf32, #tpu.memory_space<hbm>> -> memref<2048xf32, #tpu.memory_space<hbm>>
      tpu.wait_dma2 semaphore(%arg12 : memref<!tpu.dma_semaphore, #tpu.memory_space<semaphore_mem>>) src(%arg8 : memref<2048xf32, #tpu.memory_space<vmem>>) dst(%dma_wait3A_205 : memref<2048xf32, #tpu.memory_space<hbm>>)
      %scan3A_206 = arith.constant 0 : i32
      %scan3A_207 = arith.constant 0 : i32
      %scan3A_208 = arith.constant 8 : i32
      %scan3A_209 = arith.addi %scan3A_207, %scan3A_208 : i32
      %scan3A_210 = arith.constant 1 : i32
      scf.for %scan3A_218 = %scan3A_207 to %scan3A_209 step %scan3A_210  : i32 {
        %mul3A_219 = arith.constant 256 : i32
        %mul3A_220 = arith.muli %scan3A_218, %mul3A_219 : i32
        %add3A_221 = arith.constant 0 : i32
        %add3A_222 = arith.addi %mul3A_220, %add3A_221 : i32
        %add3A_223 = arith.constant 14336 : i32
        %add3A_224 = arith.addi %add3A_223, %add3A_222 : i32
        %get3A = arith.index_cast %add3A_224 : i32 to index
        %get3A_225 = tpu.vector_load %arg6[%get3A] {strides = array<i32>} : memref<16384xi32, #tpu.memory_space<vmem>>, vector<16xi32>,
        %gather3A = tpu.vector_load_idx %arg5[%get3A_225] : memref<100000xf32, #tpu.memory_space<vmem>>[vector<16xi32>], vector<16xf32>,
        %swap3A = arith.index_cast %add3A_222 : i32 to index
        %swap3A_226 = tpu.vector_load %arg8[%swap3A] {strides = array<i32>} : memref<2048xf32, #tpu.memory_space<vmem>>, vector<16xf32>,
        tpu.vector_store %arg8[%swap3A], %gather3A {strides = array<i32>} : memref<2048xf32, #tpu.memory_space<vmem>>, vector<16xf32>,
        %add3A_227 = arith.constant 16 : i32
        %add3A_228 = arith.addi %mul3A_220, %add3A_227 : i32
        %add3A_229 = arith.constant 14336 : i32
        %add3A_230 = arith.addi %add3A_229, %add3A_228 : i32
        %get3A_231 = arith.index_cast %add3A_230 : i32 to index
        %get3A_232 = tpu.vector_load %arg6[%get3A_231] {strides = array<i32>} : memref<16384xi32, #tpu.memory_space<vmem>>, vector<16xi32>,
        %gather3A_233 = tpu.vector_load_idx %arg5[%get3A_232] : memref<100000xf32, #tpu.memory_space<vmem>>[vector<16xi32>], vector<16xf32>,
        %swap3A_234 = arith.index_cast %add3A_228 : i32 to index
        %swap3A_235 = tpu.vector_load %arg8[%swap3A_234] {strides = array<i32>} : memref<2048xf32, #tpu.memory_space<vmem>>, vector<16xf32>,
        tpu.vector_store %arg8[%swap3A_234], %gather3A_233 {strides = array<i32>} : memref<2048xf32, #tpu.memory_space<vmem>>, vector<16xf32>,
        %add3A_236 = arith.constant 32 : i32
        %add3A_237 = arith.addi %mul3A_220, %add3A_236 : i32
        %add3A_238 = arith.constant 14336 : i32
        %add3A_239 = arith.addi %add3A_238, %add3A_237 : i32
        %get3A_240 = arith.index_cast %add3A_239 : i32 to index
        %get3A_241 = tpu.vector_load %arg6[%get3A_240] {strides = array<i32>} : memref<16384xi32, #tpu.memory_space<vmem>>, vector<16xi32>,
        %gather3A_242 = tpu.vector_load_idx %arg5[%get3A_241] : memref<100000xf32, #tpu.memory_space<vmem>>[vector<16xi32>], vector<16xf32>,
        %swap3A_243 = arith.index_cast %add3A_237 : i32 to index
        %swap3A_244 = tpu.vector_load %arg8[%swap3A_243] {strides = array<i32>} : memref<2048xf32, #tpu.memory_space<vmem>>, vector<16xf32>,
        tpu.vector_store %arg8[%swap3A_243], %gather3A_242 {strides = array<i32>} : memref<2048xf32, #tpu.memory_space<vmem>>, vector<16xf32>,
        %add3A_245 = arith.constant 48 : i32
        %add3A_246 = arith.addi %mul3A_220, %add3A_245 : i32
        %add3A_247 = arith.constant 14336 : i32
        %add3A_248 = arith.addi %add3A_247, %add3A_246 : i32
        %get3A_249 = arith.index_cast %add3A_248 : i32 to index
        %get3A_250 = tpu.vector_load %arg6[%get3A_249] {strides = array<i32>} : memref<16384xi32, #tpu.memory_space<vmem>>, vector<16xi32>,
        %gather3A_251 = tpu.vector_load_idx %arg5[%get3A_250] : memref<100000xf32, #tpu.memory_space<vmem>>[vector<16xi32>], vector<16xf32>,
        %swap3A_252 = arith.index_cast %add3A_246 : i32 to index
        %swap3A_253 = tpu.vector_load %arg8[%swap3A_252] {strides = array<i32>} : memref<2048xf32, #tpu.memory_space<vmem>>, vector<16xf32>,
        tpu.vector_store %arg8[%swap3A_252], %gather3A_251 {strides = array<i32>} : memref<2048xf32, #tpu.memory_space<vmem>>, vector<16xf32>,
        %add3A_254 = arith.constant 64 : i32
        %add3A_255 = arith.addi %mul3A_220, %add3A_254 : i32
        %add3A_256 = arith.constant 14336 : i32
        %add3A_257 = arith.addi %add3A_256, %add3A_255 : i32
        %get3A_258 = arith.index_cast %add3A_257 : i32 to index
        %get3A_259 = tpu.vector_load %arg6[%get3A_258] {strides = array<i32>} : memref<16384xi32, #tpu.memory_space<vmem>>, vector<16xi32>,
        %gather3A_260 = tpu.vector_load_idx %arg5[%get3A_259] : memref<100000xf32, #tpu.memory_space<vmem>>[vector<16xi32>], vector<16xf32>,
        %swap3A_261 = arith.index_cast %add3A_255 : i32 to index
        %swap3A_262 = tpu.vector_load %arg8[%swap3A_261] {strides = array<i32>} : memref<2048xf32, #tpu.memory_space<vmem>>, vector<16xf32>,
        tpu.vector_store %arg8[%swap3A_261], %gather3A_260 {strides = array<i32>} : memref<2048xf32, #tpu.memory_space<vmem>>, vector<16xf32>,
        %add3A_263 = arith.constant 80 : i32
        %add3A_264 = arith.addi %mul3A_220, %add3A_263 : i32
        %add3A_265 = arith.constant 14336 : i32
        %add3A_266 = arith.addi %add3A_265, %add3A_264 : i32
        %get3A_267 = arith.index_cast %add3A_266 : i32 to index
        %get3A_268 = tpu.vector_load %arg6[%get3A_267] {strides = array<i32>} : memref<16384xi32, #tpu.memory_space<vmem>>, vector<16xi32>,
        %gather3A_269 = tpu.vector_load_idx %arg5[%get3A_268] : memref<100000xf32, #tpu.memory_space<vmem>>[vector<16xi32>], vector<16xf32>,
        %swap3A_270 = arith.index_cast %add3A_264 : i32 to index
        %swap3A_271 = tpu.vector_load %arg8[%swap3A_270] {strides = array<i32>} : memref<2048xf32, #tpu.memory_space<vmem>>, vector<16xf32>,
        tpu.vector_store %arg8[%swap3A_270], %gather3A_269 {strides = array<i32>} : memref<2048xf32, #tpu.memory_space<vmem>>, vector<16xf32>,
        %add3A_272 = arith.constant 96 : i32
        %add3A_273 = arith.addi %mul3A_220, %add3A_272 : i32
        %add3A_274 = arith.constant 14336 : i32
        %add3A_275 = arith.addi %add3A_274, %add3A_273 : i32
        %get3A_276 = arith.index_cast %add3A_275 : i32 to index
        %get3A_277 = tpu.vector_load %arg6[%get3A_276] {strides = array<i32>} : memref<16384xi32, #tpu.memory_space<vmem>>, vector<16xi32>,
        %gather3A_278 = tpu.vector_load_idx %arg5[%get3A_277] : memref<100000xf32, #tpu.memory_space<vmem>>[vector<16xi32>], vector<16xf32>,
        %swap3A_279 = arith.index_cast %add3A_273 : i32 to index
        %swap3A_280 = tpu.vector_load %arg8[%swap3A_279] {strides = array<i32>} : memref<2048xf32, #tpu.memory_space<vmem>>, vector<16xf32>,
        tpu.vector_store %arg8[%swap3A_279], %gather3A_278 {strides = array<i32>} : memref<2048xf32, #tpu.memory_space<vmem>>, vector<16xf32>,
        %add3A_281 = arith.constant 112 : i32
        %add3A_282 = arith.addi %mul3A_220, %add3A_281 : i32
        %add3A_283 = arith.constant 14336 : i32
        %add3A_284 = arith.addi %add3A_283, %add3A_282 : i32
        %get3A_285 = arith.index_cast %add3A_284 : i32 to index
        %get3A_286 = tpu.vector_load %arg6[%get3A_285] {strides = array<i32>} : memref<16384xi32, #tpu.memory_space<vmem>>, vector<16xi32>,
        %gather3A_287 = tpu.vector_load_idx %arg5[%get3A_286] : memref<100000xf32, #tpu.memory_space<vmem>>[vector<16xi32>], vector<16xf32>,
        %swap3A_288 = arith.index_cast %add3A_282 : i32 to index
        %swap3A_289 = tpu.vector_load %arg8[%swap3A_288] {strides = array<i32>} : memref<2048xf32, #tpu.memory_space<vmem>>, vector<16xf32>,
        tpu.vector_store %arg8[%swap3A_288], %gather3A_287 {strides = array<i32>} : memref<2048xf32, #tpu.memory_space<vmem>>, vector<16xf32>,
        %add3A_290 = arith.constant 128 : i32
        %add3A_291 = arith.addi %mul3A_220, %add3A_290 : i32
        %add3A_292 = arith.constant 14336 : i32
        %add3A_293 = arith.addi %add3A_292, %add3A_291 : i32
        %get3A_294 = arith.index_cast %add3A_293 : i32 to index
        %get3A_295 = tpu.vector_load %arg6[%get3A_294] {strides = array<i32>} : memref<16384xi32, #tpu.memory_space<vmem>>, vector<16xi32>,
        %gather3A_296 = tpu.vector_load_idx %arg5[%get3A_295] : memref<100000xf32, #tpu.memory_space<vmem>>[vector<16xi32>], vector<16xf32>,
        %swap3A_297 = arith.index_cast %add3A_291 : i32 to index
        %swap3A_298 = tpu.vector_load %arg8[%swap3A_297] {strides = array<i32>} : memref<2048xf32, #tpu.memory_space<vmem>>, vector<16xf32>,
        tpu.vector_store %arg8[%swap3A_297], %gather3A_296 {strides = array<i32>} : memref<2048xf32, #tpu.memory_space<vmem>>, vector<16xf32>,
        %add3A_299 = arith.constant 144 : i32
        %add3A_300 = arith.addi %mul3A_220, %add3A_299 : i32
        %add3A_301 = arith.constant 14336 : i32
        %add3A_302 = arith.addi %add3A_301, %add3A_300 : i32
        %get3A_303 = arith.index_cast %add3A_302 : i32 to index
        %get3A_304 = tpu.vector_load %arg6[%get3A_303] {strides = array<i32>} : memref<16384xi32, #tpu.memory_space<vmem>>, vector<16xi32>,
        %gather3A_305 = tpu.vector_load_idx %arg5[%get3A_304] : memref<100000xf32, #tpu.memory_space<vmem>>[vector<16xi32>], vector<16xf32>,
        %swap3A_306 = arith.index_cast %add3A_300 : i32 to index
        %swap3A_307 = tpu.vector_load %arg8[%swap3A_306] {strides = array<i32>} : memref<2048xf32, #tpu.memory_space<vmem>>, vector<16xf32>,
        tpu.vector_store %arg8[%swap3A_306], %gather3A_305 {strides = array<i32>} : memref<2048xf32, #tpu.memory_space<vmem>>, vector<16xf32>,
        %add3A_308 = arith.constant 160 : i32
        %add3A_309 = arith.addi %mul3A_220, %add3A_308 : i32
        %add3A_310 = arith.constant 14336 : i32
        %add3A_311 = arith.addi %add3A_310, %add3A_309 : i32
        %get3A_312 = arith.index_cast %add3A_311 : i32 to index
        %get3A_313 = tpu.vector_load %arg6[%get3A_312] {strides = array<i32>} : memref<16384xi32, #tpu.memory_space<vmem>>, vector<16xi32>,
        %gather3A_314 = tpu.vector_load_idx %arg5[%get3A_313] : memref<100000xf32, #tpu.memory_space<vmem>>[vector<16xi32>], vector<16xf32>,
        %swap3A_315 = arith.index_cast %add3A_309 : i32 to index
        %swap3A_316 = tpu.vector_load %arg8[%swap3A_315] {strides = array<i32>} : memref<2048xf32, #tpu.memory_space<vmem>>, vector<16xf32>,
        tpu.vector_store %arg8[%swap3A_315], %gather3A_314 {strides = array<i32>} : memref<2048xf32, #tpu.memory_space<vmem>>, vector<16xf32>,
        %add3A_317 = arith.constant 176 : i32
        %add3A_318 = arith.addi %mul3A_220, %add3A_317 : i32
        %add3A_319 = arith.constant 14336 : i32
        %add3A_320 = arith.addi %add3A_319, %add3A_318 : i32
        %get3A_321 = arith.index_cast %add3A_320 : i32 to index
        %get3A_322 = tpu.vector_load %arg6[%get3A_321] {strides = array<i32>} : memref<16384xi32, #tpu.memory_space<vmem>>, vector<16xi32>,
        %gather3A_323 = tpu.vector_load_idx %arg5[%get3A_322] : memref<100000xf32, #tpu.memory_space<vmem>>[vector<16xi32>], vector<16xf32>,
        %swap3A_324 = arith.index_cast %add3A_318 : i32 to index
        %swap3A_325 = tpu.vector_load %arg8[%swap3A_324] {strides = array<i32>} : memref<2048xf32, #tpu.memory_space<vmem>>, vector<16xf32>,
        tpu.vector_store %arg8[%swap3A_324], %gather3A_323 {strides = array<i32>} : memref<2048xf32, #tpu.memory_space<vmem>>, vector<16xf32>,
        %add3A_326 = arith.constant 192 : i32
        %add3A_327 = arith.addi %mul3A_220, %add3A_326 : i32
        %add3A_328 = arith.constant 14336 : i32
        %add3A_329 = arith.addi %add3A_328, %add3A_327 : i32
        %get3A_330 = arith.index_cast %add3A_329 : i32 to index
        %get3A_331 = tpu.vector_load %arg6[%get3A_330] {strides = array<i32>} : memref<16384xi32, #tpu.memory_space<vmem>>, vector<16xi32>,
        %gather3A_332 = tpu.vector_load_idx %arg5[%get3A_331] : memref<100000xf32, #tpu.memory_space<vmem>>[vector<16xi32>], vector<16xf32>,
        %swap3A_333 = arith.index_cast %add3A_327 : i32 to index
        %swap3A_334 = tpu.vector_load %arg8[%swap3A_333] {strides = array<i32>} : memref<2048xf32, #tpu.memory_space<vmem>>, vector<16xf32>,
        tpu.vector_store %arg8[%swap3A_333], %gather3A_332 {strides = array<i32>} : memref<2048xf32, #tpu.memory_space<vmem>>, vector<16xf32>,
        %add3A_335 = arith.constant 208 : i32
        %add3A_336 = arith.addi %mul3A_220, %add3A_335 : i32
        %add3A_337 = arith.constant 14336 : i32
        %add3A_338 = arith.addi %add3A_337, %add3A_336 : i32
        %get3A_339 = arith.index_cast %add3A_338 : i32 to index
        %get3A_340 = tpu.vector_load %arg6[%get3A_339] {strides = array<i32>} : memref<16384xi32, #tpu.memory_space<vmem>>, vector<16xi32>,
        %gather3A_341 = tpu.vector_load_idx %arg5[%get3A_340] : memref<100000xf32, #tpu.memory_space<vmem>>[vector<16xi32>], vector<16xf32>,
        %swap3A_342 = arith.index_cast %add3A_336 : i32 to index
        %swap3A_343 = tpu.vector_load %arg8[%swap3A_342] {strides = array<i32>} : memref<2048xf32, #tpu.memory_space<vmem>>, vector<16xf32>,
        tpu.vector_store %arg8[%swap3A_342], %gather3A_341 {strides = array<i32>} : memref<2048xf32, #tpu.memory_space<vmem>>, vector<16xf32>,
        %add3A_344 = arith.constant 224 : i32
        %add3A_345 = arith.addi %mul3A_220, %add3A_344 : i32
        %add3A_346 = arith.constant 14336 : i32
        %add3A_347 = arith.addi %add3A_346, %add3A_345 : i32
        %get3A_348 = arith.index_cast %add3A_347 : i32 to index
        %get3A_349 = tpu.vector_load %arg6[%get3A_348] {strides = array<i32>} : memref<16384xi32, #tpu.memory_space<vmem>>, vector<16xi32>,
        %gather3A_350 = tpu.vector_load_idx %arg5[%get3A_349] : memref<100000xf32, #tpu.memory_space<vmem>>[vector<16xi32>], vector<16xf32>,
        %swap3A_351 = arith.index_cast %add3A_345 : i32 to index
        %swap3A_352 = tpu.vector_load %arg8[%swap3A_351] {strides = array<i32>} : memref<2048xf32, #tpu.memory_space<vmem>>, vector<16xf32>,
        tpu.vector_store %arg8[%swap3A_351], %gather3A_350 {strides = array<i32>} : memref<2048xf32, #tpu.memory_space<vmem>>, vector<16xf32>,
        %add3A_353 = arith.constant 240 : i32
        %add3A_354 = arith.addi %mul3A_220, %add3A_353 : i32
        %add3A_355 = arith.constant 14336 : i32
        %add3A_356 = arith.addi %add3A_355, %add3A_354 : i32
        %get3A_357 = arith.index_cast %add3A_356 : i32 to index
        %get3A_358 = tpu.vector_load %arg6[%get3A_357] {strides = array<i32>} : memref<16384xi32, #tpu.memory_space<vmem>>, vector<16xi32>,
        %gather3A_359 = tpu.vector_load_idx %arg5[%get3A_358] : memref<100000xf32, #tpu.memory_space<vmem>>[vector<16xi32>], vector<16xf32>,
        %swap3A_360 = arith.index_cast %add3A_354 : i32 to index
        %swap3A_361 = tpu.vector_load %arg8[%swap3A_360] {strides = array<i32>} : memref<2048xf32, #tpu.memory_space<vmem>>, vector<16xf32>,
        tpu.vector_store %arg8[%swap3A_360], %gather3A_359 {strides = array<i32>} : memref<2048xf32, #tpu.memory_space<vmem>>, vector<16xf32>,
      }
      %scan3A_211 = arith.constant 8 : i32
      %dma_start3A_212 = arith.constant 14336 : i32
      %dma_start3A_213 = tpu.memref_slice %arg4[%add3A_22, %dma_start3A_212] : memref<832x16384xf32, #tpu.memory_space<hbm>> -> memref<1x2048xf32, #tpu.memory_space<hbm>>
      %dma_start3A_214 = tpu.memref_squeeze %dma_start3A_213 : memref<1x2048xf32, #tpu.memory_space<hbm>> -> memref<2048xf32, #tpu.memory_space<hbm>>
      %dma_start3A_215 = arith.constant 14336 : i32
      %dma_start3A_216 = tpu.memref_slice %arg4[%add3A_22, %dma_start3A_215] : memref<832x16384xf32, #tpu.memory_space<hbm>> -> memref<1x2048xf32, #tpu.memory_space<hbm>>
      %dma_start3A_217 = tpu.memref_squeeze %dma_start3A_216 : memref<1x2048xf32, #tpu.memory_space<hbm>> -> memref<2048xf32, #tpu.memory_space<hbm>>
      tpu.enqueue_dma source(%arg8 : memref<2048xf32, #tpu.memory_space<vmem>>) target(%dma_start3A_217 : memref<2048xf32, #tpu.memory_space<hbm>>) target_semaphore(%arg12 : memref<!tpu.dma_semaphore, #tpu.memory_space<semaphore_mem>>)
    }
    %scan3A_7 = arith.constant 26 : i32
    %dma_wait3A = arith.constant 0 : i32
    %dma_wait3A_8 = arith.constant 0 : i32
    %dma_wait3A_9 = tpu.memref_slice %arg4[%dma_wait3A, %dma_wait3A_8] : memref<832x16384xf32, #tpu.memory_space<hbm>> -> memref<1x2048xf32, #tpu.memory_space<hbm>>
    %dma_wait3A_10 = tpu.memref_squeeze %dma_wait3A_9 : memref<1x2048xf32, #tpu.memory_space<hbm>> -> memref<2048xf32, #tpu.memory_space<hbm>>
    %dma_wait3A_11 = arith.constant 0 : i32
    %dma_wait3A_12 = tpu.memref_slice %arg4[%dma_wait3A, %dma_wait3A_11] : memref<832x16384xf32, #tpu.memory_space<hbm>> -> memref<1x2048xf32, #tpu.memory_space<hbm>>
    %dma_wait3A_13 = tpu.memref_squeeze %dma_wait3A_12 : memref<1x2048xf32, #tpu.memory_space<hbm>> -> memref<2048xf32, #tpu.memory_space<hbm>>
    tpu.wait_dma2 semaphore(%arg11 : memref<!tpu.dma_semaphore, #tpu.memory_space<semaphore_mem>>) src(%arg7 : memref<2048xf32, #tpu.memory_space<vmem>>) dst(%dma_wait3A_13 : memref<2048xf32, #tpu.memory_space<hbm>>)
    %dma_wait3A_14 = arith.constant 0 : i32
    %dma_wait3A_15 = arith.constant 0 : i32
    %dma_wait3A_16 = tpu.memref_slice %arg4[%dma_wait3A_14, %dma_wait3A_15] : memref<832x16384xf32, #tpu.memory_space<hbm>> -> memref<1x2048xf32, #tpu.memory_space<hbm>>
    %dma_wait3A_17 = tpu.memref_squeeze %dma_wait3A_16 : memref<1x2048xf32, #tpu.memory_space<hbm>> -> memref<2048xf32, #tpu.memory_space<hbm>>
    %dma_wait3A_18 = arith.constant 0 : i32
    %dma_wait3A_19 = tpu.memref_slice %arg4[%dma_wait3A_14, %dma_wait3A_18] : memref<832x16384xf32, #tpu.memory_space<hbm>> -> memref<1x2048xf32, #tpu.memory_space<hbm>>
    %dma_wait3A_20 = tpu.memref_squeeze %dma_wait3A_19 : memref<1x2048xf32, #tpu.memory_space<hbm>> -> memref<2048xf32, #tpu.memory_space<hbm>>
    tpu.wait_dma2 semaphore(%arg12 : memref<!tpu.dma_semaphore, #tpu.memory_space<semaphore_mem>>) src(%arg8 : memref<2048xf32, #tpu.memory_space<vmem>>) dst(%dma_wait3A_20 : memref<2048xf32, #tpu.memory_space<hbm>>)
    return
  }
}

</mosaic_0001>

<sc_bundles>
// kernel: kernel.3.cloned.1.call-start
scs
__scs_entry_jumppad:
0x0: {  	(pc) =	sbr.rel $0x88, $3  }
0x1: {  	(tag) =	ssettag $0x0;
	lr =	simm.s32 $0x1  }
0x2: {  	[smem:$0x3F9F] =	sst lr;
	_ =	strace $0xD0000000  }
0x3: {  	_ = 	snop  }
0x4: {  	_ = 	snop  }
0x5: {  	_ = 	snop  }
0x6: {  	_ = 	snop  }
0x7: {  	_ = 	snop  }
__scs_overlays_trampoline_lowered:
0x8: {  	[smem:$0x3FAE] =	sst s0  }
0x9: {  	[smem:$0x3FAF] =	sst s1  }
0xa: {  	[smem:$0x3FB0] =	sst s2  }
0xb: {  	[smem:$0x3FB1] =	sst s3  }
0xc: {  	[smem:$0x3FB2] =	sst s4  }
0xd: {  	[smem:$0x3FB3] =	sst s5  }
0xe: {  	[smem:$0x3FB4] =	sst s6  }
0xf: {  	[smem:$0x3FB5] =	sst s7  }
0x10: {  	[smem:$0x3FB6] =	sst s8  }
0x11: {  	[smem:$0x3FB7] =	sst s9;
	s0 =	simm.s32 @!p0 $0x0  }
0x12: {  	s1 =	sld [smem:$0x3F9D];
	s0 =	simm.s32 @p0 $0x1  }
0x13: {  	[smem:$0x3FB8] =	sst s0;
	s0 =	simm.s32 @!p1 $0x0  }
0x14: {  	s2 =	sld [smem:$0x3F9C];
	s0 =	simm.s32 @p1 $0x1  }
0x15: {  	[smem:$0x3FB9] =	sst s0;
	s0 =	simm.s32 @!p2 $0x0  }
0x16: {  	s3 =	sld [smem:$0x3FDB];
	s0 =	simm.s32 @p2 $0x1  }
0x17: {  	s4 =	simm.s32 $0x1BF5;
	[smem:$0x3FBB] =	sst s0  }
0x18: {  	s0 =	sld [smem:$0x3F9E];
	_ =	swait.ge [sflag:s4], $0x0  }
0x19: {  	s7 =	sld [smem:$0x3F9F]  }
0x1a: {  	s8 =	sadd.s32 $0xFFFFE003, lr  }
0x1b: {  	s9 =	sadd.s32 $0xFFFFFEF7, lr;
	s5 =	simm.s32 $0xFFFFFFFF;
	p2 =	slt.u32 s8, $0xFFFFF086  }
0x1c: {  	p1 =	slt.u32 s9, $0xF7A;
	s5 =	simm.s32 @!p2 $0x0  }
0x1d: {  	s5 =	simm.s32 @p1 $0x1;
	p0 =	seq.s32 s7, s2  }
0x1e: {  	s7 =	smul.u32 @!p0 $0xF7A, s2;
	p2 =	seq.s32 @!p0 s5, $0x0  }
0x1f: {  	s9 =	smul.u32 $0xF7A, s1;
	s8 =	simm.s32 @!p0 $0x1BF5;
	p2 =	por !p2, p0  }
0x20: {  	[sflag:s8] =	ssyncset.s32 @!p0 $0xFFFFF086;
	s6 =	sadd.s32 @!p0 s3, s7;
	s7 =	simm.s32 @!p0 $0x108  }
0x21: {  	s3 =	sadd.s32 s3, s9;
	s6 =	sadd.s32 @!p0 $0x88, s6;
	s7 =	simm.s32 @p2 $0x1082  }
0x22: {  	[simem:s7], [sflag:s8] =	dma.local @!p0 [hbm:s6], $0xF7A  }
0x23: {  	s9 =	sor.u32 $0xD0000000, s2;
	s6 =	simm.s32 $0x108;
	_ =	swait.ge @!p0 [sflag:s8], $0x0  }
0x24: {  	s3 =	sadd.s32 $0x88, s3;
	s6 =	simm.s32 @!p1 $0x1082;
	[sflag:s4] =	ssyncset.s32 $0xFFFFF086  }
0x25: {  	[simem:s6], [sflag:s4] =	dma.local [hbm:s3], $0xF7A  }
0x26: {  	[smem:$0x3F9F] =	sst s1;
	(tag) =	ssettag s2;
	_ =	strace s9  }
0x27: {  	s1 =	sld [smem:$0x3FAF]  }
0x28: {  	s2 =	sld [smem:$0x3FB0]  }
0x29: {  	s4 =	sld [smem:$0x3FB2]  }
0x2a: {  	p0 =	seq.s32 s5, $0x0;
	s5 =	sld [smem:$0x3FB3]  }
0x2b: {  	s6 =	sld [smem:$0x3FB4]  }
0x2c: {  	s7 =	sld [smem:$0x3FB5]  }
0x2d: {  	s3 =	simm.s32 $0x108;
	s8 =	sld [smem:$0x3FB6]  }
0x2e: {  	s3 =	simm.s32 @!p0 $0x1082;
	s9 =	sld [smem:$0x3FB7]  }
0x2f: {  	lr =	sadd.s32 s0, s3;
	s0 =	sld [smem:$0x3FAE]  }
0x30: {  	s3 =	sld [smem:$0x3FB1]  }
0x31: {  	[smem:$0x3FBA] =	sst s10  }
0x32: {  	s10 =	sld [smem:$0x3FB8];
	_ =	sdelay $0x3  }
0x33: {  	p0 =	seq.s32 s10, $0x1;
	s10 =	sld [smem:$0x3FBA];
	_ =	sdelay $0x3  }
0x34: {  	[smem:$0x3FBA] =	sst s10  }
0x35: {  	s10 =	sld [smem:$0x3FB9];
	_ =	sdelay $0x3  }
0x36: {  	p1 =	seq.s32 s10, $0x1;
	s10 =	sld [smem:$0x3FBA];
	_ =	sdelay $0x3  }
0x37: {  	[smem:$0x3FBA] =	sst s10  }
0x38: {  	s10 =	sld [smem:$0x3FBB]  }
0x39: {  	_ = 	snop;
	(pc) =	sbr.ind lr, $3  }
0x3a: {  	_ = 	snop  }
0x3b: {  	_ = 	snop  }
0x3c: {  	p2 =	seq.s32 s10, $0x1;
	s10 =	sld [smem:$0x3FBA]  }
0x3d: {  	_ =	shalt  }
0x3e: {  	_ =	shalt  }
0x3f: {  	_ =	shalt  }
0x40: {  	_ =	shalt  }
0x41: {  	_ =	shalt  }
0x42: {  	_ =	shalt  }
0x43: {  	_ =	shalt  }
0x44: {  	_ =	shalt  }
0x45: {  	_ =	shalt  }
0x46: {  	_ =	shalt  }
0x47: {  	_ =	shalt  }
0x48: {  	_ =	shalt  }
0x49: {  	_ =	shalt  }
0x4a: {  	_ =	shalt  }
0x4b: {  	_ =	shalt  }
0x4c: {  	_ =	shalt  }
0x4d: {  	_ =	shalt  }
0x4e: {  	_ =	shalt  }
0x4f: {  	_ =	shalt  }
0x50: {  	_ =	shalt  }
0x51: {  	_ =	shalt  }
0x52: {  	_ =	shalt  }
0x53: {  	_ =	shalt  }
0x54: {  	_ =	shalt  }
0x55: {  	_ =	shalt  }
0x56: {  	_ =	shalt  }
0x57: {  	_ =	shalt  }
0x58: {  	_ =	shalt  }
0x59: {  	_ =	shalt  }
0x5a: {  	_ =	shalt  }
0x5b: {  	_ =	shalt  }
0x5c: {  	_ =	shalt  }
0x5d: {  	_ =	shalt  }
0x5e: {  	_ =	shalt  }
0x5f: {  	_ =	shalt  }
0x60: {  	_ =	shalt  }
0x61: {  	_ =	shalt  }
0x62: {  	_ =	shalt  }
0x63: {  	_ =	shalt  }
0x64: {  	_ =	shalt  }
0x65: {  	_ =	shalt  }
0x66: {  	_ =	shalt  }
0x67: {  	_ =	shalt  }
0x68: {  	_ =	shalt  }
0x69: {  	_ =	shalt  }
0x6a: {  	_ =	shalt  }
0x6b: {  	_ =	shalt  }
0x6c: {  	_ =	shalt  }
0x6d: {  	_ =	shalt  }
0x6e: {  	_ =	shalt  }
0x6f: {  	_ =	shalt  }
0x70: {  	_ =	shalt  }
0x71: {  	_ =	shalt  }
0x72: {  	_ =	shalt  }
0x73: {  	_ =	shalt  }
0x74: {  	_ =	shalt  }
0x75: {  	_ =	shalt  }
0x76: {  	_ =	shalt  }
0x77: {  	_ =	shalt  }
0x78: {  	_ =	shalt  }
0x79: {  	_ =	shalt  }
0x7a: {  	_ =	shalt  }
0x7b: {  	_ =	shalt  }
0x7c: {  	_ =	shalt  }
0x7d: {  	_ =	shalt  }
0x7e: {  	_ =	shalt  }
0x7f: {  	_ =	shalt  }
0x80: {  	_ =	shalt  }
0x81: {  	_ =	shalt  }
0x82: {  	_ =	shalt  }
0x83: {  	_ =	shalt  }
0x84: {  	_ =	shalt  }
0x85: {  	_ =	shalt  }
0x86: {  	_ =	shalt  }
0x87: {  	_ =	shalt  }
.Lfunc_end0:
.L_simem_size_0:
called_computation_lowered:
.L_overlay_start_0:
0x88: {  	s2 =	sld [smem:$0x3FD9]  }
0x89: {  	s3 =	sld [smem:$0x3FFE];
	_ =	sdelay $0x1  }
0x8a: {  	s1 =	srdreg.scid  }
0x8b: {  	s0 =	sand.u32 $0x1, s1  }
0x8c: {  	s18 =	sshll.u32 s0, $0xA;
	s2 =	sadd.s32 s3, s2  }
0x8d: {  	s2 =	sadd.s32 s2, s18  }
0x8e: {  	[smem:$0x3FC6] =	sst s2  }
0x8f: {  	_ = 	snop  }
0x90: {  	s2 =	sld [smem:$0x3FC9]  }
0x91: {  	s19 =	sld [smem:$0x3FC8]  }
0x92: {  	s4 =	sld [smem:$0x3FD0];
	(tm) =	ssettm $0x1  }
0x93: {  	s5 =	sld [smem:$0x3FFB];
	_ =	sdelay $0x3  }
0x94: {  	_ =	strace s5  }
0x95: {  	s5 =	sld [smem:$0x3FFC];
	_ =	sdelay $0x3  }
0x96: {  	_ =	strace s5  }
0x97: {  	s5 =	sld [smem:$0x3FFD];
	_ =	sdelay $0x3  }
0x98: {  	_ =	strace s5  }
0x99: {  	_ =	strace $0x8FFFFFFF  }
0x9a: {  	s20 =	sld [smem:$0x3FDB];
	_ =	sdelay $0x1  }
0x9b: {  	s6 =	simm.s32 $_scs_section_size  }
0x9c: {  	s7 =	simm.s32 $_size__tile_overlayer_lowered;
	s8 =	simm.s32 $_tile_overlayer_lowered  }
0x9d: {  	s23 =	simm.s32 $0x1BFF;
	s22 =	sshll.u32 s8, $0x1;
	s5 =	sadd.s32 s6, s20  }
0x9e: {  	s9 =	simm.s32 $0x0;
	s21 =	sshll.u32 s7, $0x1;
	s7 =	sadd.s32 s22, s5  }
0x9f: {  	[timem:s9], [sflag:s23] =	dma.local [hbm:s7], s21  }
0xa0: {  	_ =	swait.ge [sflag:s23], s21  }
0xa1: {  	s6 =	ssub.s32 $0x0, s21;
	[sflag:s23] =	ssyncset.done $0x0  }
0xa2: {  	[sflag:s23] =	ssyncadd.s32 s6;
	_ =	sdelay $0x1  }
0xa3: {  	s24 =	simm.s32 $0x1B8B  }
0xa4: {  	_ =	swait.ge [sflag:s24], $0x1  }
0xa5: {  	[sflag:s24] =	ssyncset.done $0x0  }
0xa6: {  	s25 =	simm.s32 $0x1B8E;
	[sflag:s24] =	ssyncadd.s32 $0xFFFFFFFF  }
0xa7: {  	s26 =	simm.s32 $execute0_lowered;
	[smem:$0x3FD2] =	sst s25  }
0xa8: {  	s6 =	sshll.u32 s26, $0x1;
	_ =	strace $0x80000046;
	[dreg:$0x1] =	wrdreg $0xFFFFFFFF  }
0xa9: {  	s28 =	simm.s32 $_size_execute0_lowered;
	s5 =	sadd.s32 s5, s6;
	[dreg:$0x0] =	wrdreg $0x0  }
0xaa: {  	s6 =	sshll.u32 s28, $0x1;
	[dreg:$0x2] =	wrdreg s5  }
0xab: {  	[dreg:$0x3] =	wrdreg s6  }
0xac: {  	[dreg:$0x4] =	wrdreg $0xC0  }
0xad: {  	_ =	task [dreg:s9], $0x5FFFF  }
0xae: {  	[dreg:$0x1] =	wrdreg $0xFFFFFFFF  }
0xaf: {  	[dreg:$0x0] =	wrdreg $0x60  }
0xb0: {  	[dreg:$0x2] =	wrdreg s2  }
0xb1: {  	[dreg:$0x3] =	wrdreg s19  }
0xb2: {  	[dreg:$0x4] =	wrdreg s4  }
0xb3: {  	[dreg:$0x5] =	wrdreg $0x9  }
0xb4: {  	_ =	task.clear_ibuf [dreg:s9], $0x6FFFF;
	_ =	strace $0x90000046  }
0xb5: {  	s29 =	simm.s32 $0x9;
	_ =	strace $0x80000048  }
0xb6: {  	_ =	swait.ge [sflag:s29], $0x1  }
0xb7: {  	[sflag:s29] =	ssyncadd.s32 $0xFFFFFFFF  }
0xb8: {  	_ =	strace $0x90000048  }
0xb9: {  	_ =	sfence  }
0xba: {  	s30 =	sld [smem:$0x0];
	_ =	sdelay $0x2  }
0xbb: {  	s31 =	sshll.u32 s1, $0xD;
	s1 =	sshrl.u32 s1, $0x2  }
0xbc: {  	s3 =	sand.u32 $0x4000, s31;
	s1 =	sadd.s32 s1, s30  }
0xbd: {  	s0 =	sor.u32 s3, s0;
	s1 =	sshll.u32 s1, $0x11  }
0xbe: {  	s0 =	sor.u32 s1, s0  }
0xbf: {  	s0 =	sadd.s32 $0x8F2B, s0  }
0xc0: {  	[sflag:s0] =	ssyncadd.remote.s32 $0x1  }
0xc1: {  	_ =	sfence.sel $0xFFFF  }
0xc2: {  	[dreg:$0x0] =	wrdreg $0xFFFFFFFF;
	(pc) =	sbr.abs _section_cstart, $3  }
0xc3: {  	[dreg:$0x1] =	wrdreg $0xFFFFFFFF  }
0xc4: {  	_ =	task.clear_ibuf [dreg:s9], $0x2FFFF;
	_ =	strace $0x9FFFFFFF  }
0xc5: {  	(tm) =	ssettm $0x7FFFFFFF  }
tec
execute0_lowered:
.L_overlay_start_1:
0x0: {  	(tag) =	ssettag $0x1  }
0x1: {  	s1 =	rddreg [dreg:$0x0]  }
0x2: {  	s2 =	rddreg [dreg:$0x1]  }
0x3: {  	s3 =	rddreg [dreg:$0x2]  }
0x4: {  	s4 =	srdreg.scid;
	s0 =	rddreg [dreg:$0x3];
	s5 =	simm.s32 $0x0  }
0x5: {  	s14 =	simm.s32 $0x80;
	s15 =	simm.s32 $0x400;
	s16 =	simm.s32 $0x18700  }
0x6: {  	s17 =	simm.s32 $0x2;
	s18 =	simm.s32 $0x1;
	s19 =	simm.s32 $0x1C700  }
0x7: {  	s20 =	simm.s32 $0x1CF00;
	s21 =	simm.s32 $0x3;
	s22 =	simm.s32 $0x4  }
0x8: {  	s23 =	simm.s32 $0x0;
	s6 =	sand.u32 $0x1, s4;
	[smem:$0x7FF] =	sst s5  }
0x9: {  	s4 =	stileid.u32;
	s9 =	sadd.s32 $0x1800, s3;
	s10 =	sadd.s32 $0x2000, s3  }
0xa: {  	s11 =	sadd.s32 $0x2800, s3;
	s7 =	ssub.s32 $0x2, s6;
	s6 =	sshll.u32 s6, $0x4  }
0xb: {  	s12 =	sadd.s32 $0x3000, s3;
	s8 =	sshrl.u32 s7, $0x1;
	s6 =	sor.u32 s4, s6  }
0xc: {  	_ =	strace $0x80000047;
	s13 =	ssub.s32 s7, s8;
	s6 =	smul.u32 $0x1A, s6  }
0xd: {  	s7 =	sadd.s32 $0x800, s3;
	s8 =	sadd.s32 $0x1000, s3;
	s13 =	smax.u32 s13, $0x1  }
.LBB2_1:
0xe: {  	s24 =	simm.s32 $0x0  }
.LBB2_2:
0xf: {  	s26 =	sadd.s32 s6, s24  }
0x10: {  	s28 =	sshrl.u32 s26, $0x5;
	s29 =	sand.u32 $0x1F, s26  }
0x11: {  	p0 =	seq.s32 s24, $0x0;
	s25 =	smul.u32 $0x30E000, s28;
	s30 =	sshrl.u32 s29, $0x3  }
0x12: {  	p1 =	seq.s32 @!p0 s29, $0x0;
	s30 =	smul.u32 $0xC3800, s30  }
0x13: {  	s31 =	sshll.u32 s26, $0x7;
	p1 =	por p0, p1  }
.Ltmp0:
0x14: {  	s30 =	sadd.s32 s25, s30;
	s25 =	sand.u32 $0x380, s31;
	(pc) =	sbr.rel @p1 .LBB2_4-.Ltmp0, $4  }
0x15: {  	s30 =	sor.u32 s25, s30  }
0x16: {  	s30 =	sshrl.u32 s30, $0x3  }
0x17: {  	s30 =	sadd.s32 s2, s30  }
0x18: {  	[tilespmem:s5], [sflag:$0x1] =	stream.strided.gather [hbm4b:s30+s14], $0x18700, s15, s14, $0x38;
	[tilespmem:$0x1D700] =	vst v63  }
.Ltmp1:
0x19: {  	(pc) =	sbr.rel .LBB2_5-.Ltmp1, $4  }
0x1a: {  	_ = 	snop  }
0x1b: {  	_ =	swait.ge [sflag:s18], $0x18700  }
0x1c: {  	[sflag:s18] =	ssyncset.done $0x0  }
0x1d: {  	[sflag:s18] =	ssyncadd.s32 $0xFFFE7900  }
.LBB2_4:
0x1e: {  	s29 =	sshll.u32 s28, $0x4  }
0x1f: {  	s31 =	sshll.u32 s28, $0xB;
	s29 =	sand.u32 $0x70, s29  }
0x20: {  	s28 =	sand.u32 $0xFFFC000, s31;
	s29 =	sadd.s32 s1, s29  }
0x21: {  	s28 =	sadd.s32 s28, s29  }
0x22: {  	[tilespmem:s16], [sflag:$0x2] =	stream.strided.gather [hbm4b:s28+s14], $0x4000, s15, s14, $0x38;
	[tilespmem:$0x1D700] =	vst v63  }
0x23: {  	_ =	swait.ge [sflag:s17], $0x4000  }
.Ltmp2:
0x24: {  	[sflag:s17] =	ssyncset.done $0x0;
	(pc) =	sbr.rel @p0 .LBB2_6-.Ltmp2, $4  }
0x25: {  	[sflag:s17] =	ssyncadd.s32 $0xFFFFC000  }
0x26: {  	_ =	swait.ge [sflag:s18], $0x18700  }
0x27: {  	[sflag:s18] =	ssyncset.done $0x0  }
0x28: {  	[sflag:s18] =	ssyncadd.s32 $0xFFFE7900  }
.LBB2_5:
0x29: {  	_ =	swait.ge [sflag:s21], $0x800  }
0x2a: {  	[sflag:s21] =	ssyncset.done $0x0  }
0x2b: {  	[sflag:s21] =	ssyncadd.s32 $0xFFFFF800  }
.LBB2_6:
0x2c: {  	s28 =	simm.s32 $0x0  }
0x2d: {  	v0 =	vld [tilespmem:s28+$0x18700];
	_ =	sdelay $0x5  }
0x2e: {  	v1 =	vld [tilespmem:s28+$0x18710];
	_ =	sdelay $0x1  }
0x2f: {  	v0 =	vld.idx.msk [tilespmem:v0+s5+$0x0], $0xffff;
	_ =	sdelay $0x4  }
0x30: {  	[tilespmem:s28+$0x1C700] =	vst v0;
	v0 =	vld [tilespmem:s28+$0x18720]  }
0x31: {  	v1 =	vld.idx.msk [tilespmem:v1+s5+$0x0], $0xffff;
	_ =	sdelay $0x4  }
0x32: {  	[tilespmem:s28+$0x1C710] =	vst v1;
	v1 =	vld [tilespmem:s28+$0x18730];
	_ =	sdelay $0x1  }
0x33: {  	v0 =	vld.idx.msk [tilespmem:v0+s5+$0x0], $0xffff;
	_ =	sdelay $0x4  }
0x34: {  	[tilespmem:s28+$0x1C720] =	vst v0;
	v0 =	vld [tilespmem:s28+$0x18740]  }
0x35: {  	v1 =	vld.idx.msk [tilespmem:v1+s5+$0x0], $0xffff;
	_ =	sdelay $0x4  }
0x36: {  	[tilespmem:s28+$0x1C730] =	vst v1;
	v1 =	vld [tilespmem:s28+$0x18750];
	_ =	sdelay $0x1  }
0x37: {  	v0 =	vld.idx.msk [tilespmem:v0+s5+$0x0], $0xffff;
	_ =	sdelay $0x4  }
0x38: {  	[tilespmem:s28+$0x1C740] =	vst v0;
	v0 =	vld [tilespmem:s28+$0x18760]  }
0x39: {  	v1 =	vld.idx.msk [tilespmem:v1+s5+$0x0], $0xffff;
	_ =	sdelay $0x4  }
0x3a: {  	[tilespmem:s28+$0x1C750] =	vst v1;
	v1 =	vld [tilespmem:s28+$0x18770];
	_ =	sdelay $0x1  }
0x3b: {  	v0 =	vld.idx.msk [tilespmem:v0+s5+$0x0], $0xffff;
	_ =	sdelay $0x4  }
0x3c: {  	[tilespmem:s28+$0x1C760] =	vst v0;
	v0 =	vld [tilespmem:s28+$0x18780]  }
0x3d: {  	v1 =	vld.idx.msk [tilespmem:v1+s5+$0x0], $0xffff;
	_ =	sdelay $0x4  }
0x3e: {  	[tilespmem:s28+$0x1C770] =	vst v1;
	v1 =	vld [tilespmem:s28+$0x18790];
	_ =	sdelay $0x1  }
0x3f: {  	v0 =	vld.idx.msk [tilespmem:v0+s5+$0x0], $0xffff;
	_ =	sdelay $0x4  }
0x40: {  	[tilespmem:s28+$0x1C780] =	vst v0;
	v0 =	vld [tilespmem:s28+$0x187A0]  }
0x41: {  	v1 =	vld.idx.msk [tilespmem:v1+s5+$0x0], $0xffff;
	_ =	sdelay $0x4  }
0x42: {  	[tilespmem:s28+$0x1C790] =	vst v1;
	v1 =	vld [tilespmem:s28+$0x187B0];
	_ =	sdelay $0x1  }
0x43: {  	v0 =	vld.idx.msk [tilespmem:v0+s5+$0x0], $0xffff;
	_ =	sdelay $0x4  }
0x44: {  	[tilespmem:s28+$0x1C7A0] =	vst v0;
	v0 =	vld [tilespmem:s28+$0x187C0]  }
0x45: {  	v1 =	vld.idx.msk [tilespmem:v1+s5+$0x0], $0xffff;
	_ =	sdelay $0x4  }
0x46: {  	[tilespmem:s28+$0x1C7B0] =	vst v1;
	v1 =	vld [tilespmem:s28+$0x187D0];
	_ =	sdelay $0x1  }
0x47: {  	v0 =	vld.idx.msk [tilespmem:v0+s5+$0x0], $0xffff;
	_ =	sdelay $0x4  }
0x48: {  	v2 =	vld [tilespmem:s28+$0x187E0];
	[tilespmem:s28+$0x1C7C0] =	vst v0  }
0x49: {  	v0 =	vld.idx.msk [tilespmem:v1+s5+$0x0], $0xffff;
	_ =	sdelay $0x4  }
0x4a: {  	[tilespmem:s28+$0x1C7D0] =	vst v0;
	v0 =	vld [tilespmem:s28+$0x187F0];
	_ =	sdelay $0x1  }
0x4b: {  	v1 =	vld.idx.msk [tilespmem:v2+s5+$0x0], $0xffff;
	_ =	sdelay $0x3  }
0x4c: {  	s30 =	simm.s32 $0x100;
	s29 =	simm.s32 $0x800  }
.LBB2_7:
0x4d: {  	p1 =	sne.s32 s29, $0x1C00;
	v2 =	vld [tilespmem:s30+$0x18700];
	[tilespmem:s28+$0x1C7E0] =	vst v1  }
0x4e: {  	v0 =	vld.idx.msk [tilespmem:v0+s5+$0x0], $0xffff;
	_ =	sdelay $0x5  }
0x4f: {  	v1 =	vld [tilespmem:s30+$0x18710];
	[tilespmem:s28+$0x1C7F0] =	vst v0;
	s28 =	smov.u32 s30  }
0x50: {  	v0 =	vld.idx.msk [tilespmem:v2+s5+$0x0], $0xffff;
	_ =	sdelay $0x5  }
0x51: {  	[tilespmem:s28+$0x1C700] =	vst v0;
	v0 =	vld [tilespmem:s28+$0x18720]  }
0x52: {  	v1 =	vld.idx.msk [tilespmem:v1+s5+$0x0], $0xffff;
	_ =	sdelay $0x5  }
0x53: {  	[tilespmem:s28+$0x1C710] =	vst v1;
	v1 =	vld [tilespmem:s28+$0x18730]  }
0x54: {  	v0 =	vld.idx.msk [tilespmem:v0+s5+$0x0], $0xffff;
	_ =	sdelay $0x5  }
0x55: {  	[tilespmem:s28+$0x1C720] =	vst v0;
	v0 =	vld [tilespmem:s28+$0x18740]  }
0x56: {  	v1 =	vld.idx.msk [tilespmem:v1+s5+$0x0], $0xffff;
	_ =	sdelay $0x5  }
0x57: {  	[tilespmem:s28+$0x1C730] =	vst v1;
	v1 =	vld [tilespmem:s28+$0x18750]  }
0x58: {  	v0 =	vld.idx.msk [tilespmem:v0+s5+$0x0], $0xffff;
	_ =	sdelay $0x5  }
0x59: {  	[tilespmem:s28+$0x1C740] =	vst v0;
	v0 =	vld [tilespmem:s28+$0x18760]  }
0x5a: {  	v1 =	vld.idx.msk [tilespmem:v1+s5+$0x0], $0xffff;
	_ =	sdelay $0x5  }
0x5b: {  	[tilespmem:s28+$0x1C750] =	vst v1;
	v1 =	vld [tilespmem:s28+$0x18770]  }
0x5c: {  	v0 =	vld.idx.msk [tilespmem:v0+s5+$0x0], $0xffff;
	_ =	sdelay $0x5  }
0x5d: {  	[tilespmem:s28+$0x1C760] =	vst v0;
	v0 =	vld [tilespmem:s28+$0x18780]  }
0x5e: {  	v1 =	vld.idx.msk [tilespmem:v1+s5+$0x0], $0xffff;
	_ =	sdelay $0x5  }
0x5f: {  	[tilespmem:s28+$0x1C770] =	vst v1;
	v1 =	vld [tilespmem:s28+$0x18790]  }
0x60: {  	v0 =	vld.idx.msk [tilespmem:v0+s5+$0x0], $0xffff;
	_ =	sdelay $0x5  }
0x61: {  	[tilespmem:s28+$0x1C780] =	vst v0;
	v0 =	vld [tilespmem:s28+$0x187A0]  }
0x62: {  	v1 =	vld.idx.msk [tilespmem:v1+s5+$0x0], $0xffff;
	_ =	sdelay $0x5  }
0x63: {  	[tilespmem:s28+$0x1C790] =	vst v1;
	v1 =	vld [tilespmem:s28+$0x187B0]  }
0x64: {  	v0 =	vld.idx.msk [tilespmem:v0+s5+$0x0], $0xffff;
	_ =	sdelay $0x5  }
0x65: {  	[tilespmem:s28+$0x1C7A0] =	vst v0;
	v0 =	vld [tilespmem:s28+$0x187C0]  }
0x66: {  	v1 =	vld.idx.msk [tilespmem:v1+s5+$0x0], $0xffff;
	_ =	sdelay $0x5  }
0x67: {  	[tilespmem:s28+$0x1C7B0] =	vst v1;
	v1 =	vld [tilespmem:s28+$0x187D0]  }
0x68: {  	v0 =	vld.idx.msk [tilespmem:v0+s5+$0x0], $0xffff;
	_ =	sdelay $0x5  }
0x69: {  	[tilespmem:s28+$0x1C7C0] =	vst v0;
	v2 =	vld [tilespmem:s28+$0x187E0]  }
0x6a: {  	v0 =	vld.idx.msk [tilespmem:v1+s5+$0x0], $0xffff;
	_ =	sdelay $0x5  }
0x6b: {  	[tilespmem:s28+$0x1C7D0] =	vst v0;
	v0 =	vld [tilespmem:s28+$0x187F0]  }
0x6c: {  	v1 =	vld.idx.msk [tilespmem:v2+s5+$0x0], $0xffff  }
.Ltmp3:
0x6d: {  	(pc) =	sbr.rel @p1 .LBB2_7-.Ltmp3, $2  }
0x6e: {  	_ =	sdelay $0x2  }
0x6f: {  	s30 =	sshra.s32 s29, $0x2;
	s29 =	sadd.s32 $0x400, s29  }
0x70: {  	_ =	sdelay $0x1  }
0x71: {  	v2 =	vld [tilespmem:s30+$0x18700]  }
0x72: {  	[tilespmem:s28+$0x1C7E0] =	vst v1  }
0x73: {  	v0 =	vld.idx.msk [tilespmem:v0+s5+$0x0], $0xffff;
	_ =	sdelay $0x3  }
0x74: {  	v1 =	vld [tilespmem:s30+$0x18710]  }
0x75: {  	[tilespmem:s28+$0x1C7F0] =	vst v0  }
0x76: {  	v0 =	vld.idx.msk [tilespmem:v2+s5+$0x0], $0xffff;
	_ =	sdelay $0x4  }
0x77: {  	[tilespmem:s30+$0x1C700] =	vst v0;
	v0 =	vld [tilespmem:s30+$0x18720]  }
0x78: {  	v1 =	vld.idx.msk [tilespmem:v1+s5+$0x0], $0xffff;
	_ =	sdelay $0x4  }
0x79: {  	[tilespmem:s30+$0x1C710] =	vst v1;
	v1 =	vld [tilespmem:s30+$0x18730];
	_ =	sdelay $0x1  }
0x7a: {  	v0 =	vld.idx.msk [tilespmem:v0+s5+$0x0], $0xffff;
	_ =	sdelay $0x4  }
0x7b: {  	[tilespmem:s30+$0x1C720] =	vst v0;
	v0 =	vld [tilespmem:s30+$0x18740]  }
0x7c: {  	v1 =	vld.idx.msk [tilespmem:v1+s5+$0x0], $0xffff;
	_ =	sdelay $0x4  }
0x7d: {  	[tilespmem:s30+$0x1C730] =	vst v1;
	v1 =	vld [tilespmem:s30+$0x18750];
	_ =	sdelay $0x1  }
0x7e: {  	v0 =	vld.idx.msk [tilespmem:v0+s5+$0x0], $0xffff;
	_ =	sdelay $0x4  }
0x7f: {  	[tilespmem:s30+$0x1C740] =	vst v0;
	v0 =	vld [tilespmem:s30+$0x18760]  }
0x80: {  	v1 =	vld.idx.msk [tilespmem:v1+s5+$0x0], $0xffff;
	_ =	sdelay $0x4  }
0x81: {  	[tilespmem:s30+$0x1C750] =	vst v1;
	v1 =	vld [tilespmem:s30+$0x18770];
	_ =	sdelay $0x1  }
0x82: {  	v0 =	vld.idx.msk [tilespmem:v0+s5+$0x0], $0xffff;
	_ =	sdelay $0x4  }
0x83: {  	[tilespmem:s30+$0x1C760] =	vst v0;
	v0 =	vld [tilespmem:s30+$0x18780]  }
0x84: {  	v1 =	vld.idx.msk [tilespmem:v1+s5+$0x0], $0xffff;
	_ =	sdelay $0x4  }
0x85: {  	[tilespmem:s30+$0x1C770] =	vst v1;
	v1 =	vld [tilespmem:s30+$0x18790];
	_ =	sdelay $0x1  }
0x86: {  	v0 =	vld.idx.msk [tilespmem:v0+s5+$0x0], $0xffff;
	_ =	sdelay $0x4  }
0x87: {  	[tilespmem:s30+$0x1C780] =	vst v0;
	v0 =	vld [tilespmem:s30+$0x187A0]  }
0x88: {  	v1 =	vld.idx.msk [tilespmem:v1+s5+$0x0], $0xffff;
	_ =	sdelay $0x4  }
0x89: {  	[tilespmem:s30+$0x1C790] =	vst v1;
	v1 =	vld [tilespmem:s30+$0x187B0];
	_ =	sdelay $0x1  }
0x8a: {  	v0 =	vld.idx.msk [tilespmem:v0+s5+$0x0], $0xffff;
	_ =	sdelay $0x4  }
0x8b: {  	[tilespmem:s30+$0x1C7A0] =	vst v0;
	v0 =	vld [tilespmem:s30+$0x187C0]  }
0x8c: {  	v1 =	vld.idx.msk [tilespmem:v1+s5+$0x0], $0xffff;
	_ =	sdelay $0x4  }
0x8d: {  	[tilespmem:s30+$0x1C7B0] =	vst v1;
	v1 =	vld [tilespmem:s30+$0x187D0];
	_ =	sdelay $0x1  }
0x8e: {  	v0 =	vld.idx.msk [tilespmem:v0+s5+$0x0], $0xffff;
	_ =	sdelay $0x4  }
0x8f: {  	[tilespmem:s30+$0x1C7C0] =	vst v0;
	v0 =	vld [tilespmem:s30+$0x187E0]  }
0x90: {  	v1 =	vld.idx.msk [tilespmem:v1+s5+$0x0], $0xffff;
	_ =	sdelay $0x4  }
0x91: {  	[tilespmem:s30+$0x1C7D0] =	vst v1;
	v1 =	vld [tilespmem:s30+$0x187F0];
	_ =	sdelay $0x1  }
0x92: {  	v0 =	vld.idx.msk [tilespmem:v0+s5+$0x0], $0xffff;
	_ =	sdelay $0x4  }
0x93: {  	[tilespmem:s30+$0x1C7E0] =	vst v0  }
0x94: {  	v0 =	vld.idx.msk [tilespmem:v1+s5+$0x0], $0xffff  }
0x95: {  	s26 =	sshll.u32 s26, $0xE  }
0x96: {  	s28 =	sand.u32 $0x7FFE0000, s26  }
0x97: {  	s28 =	sor.u32 s25, s28  }
0x98: {  	s28 =	sshrl.u32 s28, $0x3  }
0x99: {  	s29 =	sadd.s32 s3, s28;
	[tilespmem:s30+$0x1C7F0] =	vst v0  }
0x9a: {  	[hbm4b:s29+s14] =	stream.strided.scatter [tilespmem:s19], [sflag:$0x3], $0x800, s15, s14, $0x38;
	[tilespmem:$0x1D700] =	vst v63  }
0x9b: {  	s29 =	simm.s32 @!p0 $0x4  }
0x9c: {  	_ =	swait.ge @!p0 [sflag:s29], $0x800  }
0x9d: {  	[sflag:s29] =	ssyncset.done @!p0 $0x0  }
0x9e: {  	[sflag:s29] =	ssyncadd.s32 @!p0 $0xFFFFF800;
	s29 =	simm.s32 $0x0  }
0x9f: {  	v0 =	vld [tilespmem:s29+$0x18F00];
	_ =	sdelay $0x5  }
0xa0: {  	v1 =	vld [tilespmem:s29+$0x18F10];
	_ =	sdelay $0x1  }
0xa1: {  	v0 =	vld.idx.msk [tilespmem:v0+s5+$0x0], $0xffff;
	_ =	sdelay $0x4  }
0xa2: {  	[tilespmem:s29+$0x1CF00] =	vst v0;
	v0 =	vld [tilespmem:s29+$0x18F20]  }
0xa3: {  	v1 =	vld.idx.msk [tilespmem:v1+s5+$0x0], $0xffff;
	_ =	sdelay $0x4  }
0xa4: {  	[tilespmem:s29+$0x1CF10] =	vst v1;
	v1 =	vld [tilespmem:s29+$0x18F30];
	_ =	sdelay $0x1  }
0xa5: {  	v0 =	vld.idx.msk [tilespmem:v0+s5+$0x0], $0xffff;
	_ =	sdelay $0x4  }
0xa6: {  	[tilespmem:s29+$0x1CF20] =	vst v0;
	v0 =	vld [tilespmem:s29+$0x18F40]  }
0xa7: {  	v1 =	vld.idx.msk [tilespmem:v1+s5+$0x0], $0xffff;
	_ =	sdelay $0x4  }
0xa8: {  	[tilespmem:s29+$0x1CF30] =	vst v1;
	v1 =	vld [tilespmem:s29+$0x18F50];
	_ =	sdelay $0x1  }
0xa9: {  	v0 =	vld.idx.msk [tilespmem:v0+s5+$0x0], $0xffff;
	_ =	sdelay $0x4  }
0xaa: {  	[tilespmem:s29+$0x1CF40] =	vst v0;
	v0 =	vld [tilespmem:s29+$0x18F60]  }
0xab: {  	v1 =	vld.idx.msk [tilespmem:v1+s5+$0x0], $0xffff;
	_ =	sdelay $0x4  }
0xac: {  	[tilespmem:s29+$0x1CF50] =	vst v1;
	v1 =	vld [tilespmem:s29+$0x18F70];
	_ =	sdelay $0x1  }
0xad: {  	v0 =	vld.idx.msk [tilespmem:v0+s5+$0x0], $0xffff;
	_ =	sdelay $0x4  }
0xae: {  	[tilespmem:s29+$0x1CF60] =	vst v0;
	v0 =	vld [tilespmem:s29+$0x18F80]  }
0xaf: {  	v1 =	vld.idx.msk [tilespmem:v1+s5+$0x0], $0xffff;
	_ =	sdelay $0x4  }
0xb0: {  	[tilespmem:s29+$0x1CF70] =	vst v1;
	v1 =	vld [tilespmem:s29+$0x18F90];
	_ =	sdelay $0x1  }
0xb1: {  	v0 =	vld.idx.msk [tilespmem:v0+s5+$0x0], $0xffff;
	_ =	sdelay $0x4  }
0xb2: {  	[tilespmem:s29+$0x1CF80] =	vst v0;
	v0 =	vld [tilespmem:s29+$0x18FA0]  }
0xb3: {  	v1 =	vld.idx.msk [tilespmem:v1+s5+$0x0], $0xffff;
	_ =	sdelay $0x4  }
0xb4: {  	[tilespmem:s29+$0x1CF90] =	vst v1;
	v1 =	vld [tilespmem:s29+$0x18FB0];
	_ =	sdelay $0x1  }
0xb5: {  	v0 =	vld.idx.msk [tilespmem:v0+s5+$0x0], $0xffff;
	_ =	sdelay $0x4  }
0xb6: {  	[tilespmem:s29+$0x1CFA0] =	vst v0;
	v0 =	vld [tilespmem:s29+$0x18FC0]  }
0xb7: {  	v1 =	vld.idx.msk [tilespmem:v1+s5+$0x0], $0xffff;
	_ =	sdelay $0x4  }
0xb8: {  	[tilespmem:s29+$0x1CFB0] =	vst v1;
	v1 =	vld [tilespmem:s29+$0x18FD0];
	_ =	sdelay $0x1  }
0xb9: {  	v0 =	vld.idx.msk [tilespmem:v0+s5+$0x0], $0xffff;
	_ =	sdelay $0x4  }
0xba: {  	v2 =	vld [tilespmem:s29+$0x18FE0];
	[tilespmem:s29+$0x1CFC0] =	vst v0  }
0xbb: {  	v0 =	vld.idx.msk [tilespmem:v1+s5+$0x0], $0xffff;
	_ =	sdelay $0x4  }
0xbc: {  	[tilespmem:s29+$0x1CFD0] =	vst v0;
	v0 =	vld [tilespmem:s29+$0x18FF0];
	_ =	sdelay $0x1  }
0xbd: {  	v1 =	vld.idx.msk [tilespmem:v2+s5+$0x0], $0xffff;
	_ =	sdelay $0x3  }
0xbe: {  	s31 =	simm.s32 $0x100;
	s30 =	simm.s32 $0x800  }
.LBB2_9:
0xbf: {  	p0 =	sne.s32 s30, $0x1C00;
	v2 =	vld [tilespmem:s31+$0x18F00];
	[tilespmem:s29+$0x1CFE0] =	vst v1  }
0xc0: {  	v0 =	vld.idx.msk [tilespmem:v0+s5+$0x0], $0xffff;
	_ =	sdelay $0x5  }
0xc1: {  	v1 =	vld [tilespmem:s31+$0x18F10];
	[tilespmem:s29+$0x1CFF0] =	vst v0;
	s29 =	smov.u32 s31  }
0xc2: {  	v0 =	vld.idx.msk [tilespmem:v2+s5+$0x0], $0xffff;
	_ =	sdelay $0x5  }
0xc3: {  	[tilespmem:s29+$0x1CF00] =	vst v0;
	v0 =	vld [tilespmem:s29+$0x18F20]  }
0xc4: {  	v1 =	vld.idx.msk [tilespmem:v1+s5+$0x0], $0xffff;
	_ =	sdelay $0x5  }
0xc5: {  	[tilespmem:s29+$0x1CF10] =	vst v1;
	v1 =	vld [tilespmem:s29+$0x18F30]  }
0xc6: {  	v0 =	vld.idx.msk [tilespmem:v0+s5+$0x0], $0xffff;
	_ =	sdelay $0x5  }
0xc7: {  	[tilespmem:s29+$0x1CF20] =	vst v0;
	v0 =	vld [tilespmem:s29+$0x18F40]  }
0xc8: {  	v1 =	vld.idx.msk [tilespmem:v1+s5+$0x0], $0xffff;
	_ =	sdelay $0x5  }
0xc9: {  	[tilespmem:s29+$0x1CF30] =	vst v1;
	v1 =	vld [tilespmem:s29+$0x18F50]  }
0xca: {  	v0 =	vld.idx.msk [tilespmem:v0+s5+$0x0], $0xffff;
	_ =	sdelay $0x5  }
0xcb: {  	[tilespmem:s29+$0x1CF40] =	vst v0;
	v0 =	vld [tilespmem:s29+$0x18F60]  }
0xcc: {  	v1 =	vld.idx.msk [tilespmem:v1+s5+$0x0], $0xffff;
	_ =	sdelay $0x5  }
0xcd: {  	[tilespmem:s29+$0x1CF50] =	vst v1;
	v1 =	vld [tilespmem:s29+$0x18F70]  }
0xce: {  	v0 =	vld.idx.msk [tilespmem:v0+s5+$0x0], $0xffff;
	_ =	sdelay $0x5  }
0xcf: {  	[tilespmem:s29+$0x1CF60] =	vst v0;
	v0 =	vld [tilespmem:s29+$0x18F80]  }
0xd0: {  	v1 =	vld.idx.msk [tilespmem:v1+s5+$0x0], $0xffff;
	_ =	sdelay $0x5  }
0xd1: {  	[tilespmem:s29+$0x1CF70] =	vst v1;
	v1 =	vld [tilespmem:s29+$0x18F90]  }
0xd2: {  	v0 =	vld.idx.msk [tilespmem:v0+s5+$0x0], $0xffff;
	_ =	sdelay $0x5  }
0xd3: {  	[tilespmem:s29+$0x1CF80] =	vst v0;
	v0 =	vld [tilespmem:s29+$0x18FA0]  }
0xd4: {  	v1 =	vld.idx.msk [tilespmem:v1+s5+$0x0], $0xffff;
	_ =	sdelay $0x5  }
0xd5: {  	[tilespmem:s29+$0x1CF90] =	vst v1;
	v1 =	vld [tilespmem:s29+$0x18FB0]  }
0xd6: {  	v0 =	vld.idx.msk [tilespmem:v0+s5+$0x0], $0xffff;
	_ =	sdelay $0x5  }
0xd7: {  	[tilespmem:s29+$0x1CFA0] =	vst v0;
	v0 =	vld [tilespmem:s29+$0x18FC0]  }
0xd8: {  	v1 =	vld.idx.msk [tilespmem:v1+s5+$0x0], $0xffff;
	_ =	sdelay $0x5  }
0xd9: {  	[tilespmem:s29+$0x1CFB0] =	vst v1;
	v1 =	vld [tilespmem:s29+$0x18FD0]  }
0xda: {  	v0 =	vld.idx.msk [tilespmem:v0+s5+$0x0], $0xffff;
	_ =	sdelay $0x5  }
0xdb: {  	[tilespmem:s29+$0x1CFC0] =	vst v0;
	v2 =	vld [tilespmem:s29+$0x18FE0]  }
0xdc: {  	v0 =	vld.idx.msk [tilespmem:v1+s5+$0x0], $0xffff;
	_ =	sdelay $0x5  }
0xdd: {  	[tilespmem:s29+$0x1CFD0] =	vst v0;
	v0 =	vld [tilespmem:s29+$0x18FF0]  }
0xde: {  	v1 =	vld.idx.msk [tilespmem:v2+s5+$0x0], $0xffff  }
.Ltmp4:
0xdf: {  	(pc) =	sbr.rel @p0 .LBB2_9-.Ltmp4, $2  }
0xe0: {  	_ =	sdelay $0x2  }
0xe1: {  	s31 =	sshra.s32 s30, $0x2;
	s30 =	sadd.s32 $0x400, s30  }
0xe2: {  	_ =	sdelay $0x1  }
0xe3: {  	v2 =	vld [tilespmem:s31+$0x18F00]  }
0xe4: {  	[tilespmem:s29+$0x1CFE0] =	vst v1  }
0xe5: {  	v0 =	vld.idx.msk [tilespmem:v0+s5+$0x0], $0xffff;
	_ =	sdelay $0x3  }
0xe6: {  	v1 =	vld [tilespmem:s31+$0x18F10]  }
0xe7: {  	[tilespmem:s29+$0x1CFF0] =	vst v0  }
0xe8: {  	v0 =	vld.idx.msk [tilespmem:v2+s5+$0x0], $0xffff;
	_ =	sdelay $0x4  }
0xe9: {  	[tilespmem:s31+$0x1CF00] =	vst v0;
	v0 =	vld [tilespmem:s31+$0x18F20]  }
0xea: {  	v1 =	vld.idx.msk [tilespmem:v1+s5+$0x0], $0xffff;
	_ =	sdelay $0x4  }
0xeb: {  	[tilespmem:s31+$0x1CF10] =	vst v1;
	v1 =	vld [tilespmem:s31+$0x18F30];
	_ =	sdelay $0x1  }
0xec: {  	v0 =	vld.idx.msk [tilespmem:v0+s5+$0x0], $0xffff;
	_ =	sdelay $0x4  }
0xed: {  	[tilespmem:s31+$0x1CF20] =	vst v0;
	v0 =	vld [tilespmem:s31+$0x18F40]  }
0xee: {  	v1 =	vld.idx.msk [tilespmem:v1+s5+$0x0], $0xffff;
	_ =	sdelay $0x4  }
0xef: {  	[tilespmem:s31+$0x1CF30] =	vst v1;
	v1 =	vld [tilespmem:s31+$0x18F50];
	_ =	sdelay $0x1  }
0xf0: {  	v0 =	vld.idx.msk [tilespmem:v0+s5+$0x0], $0xffff;
	_ =	sdelay $0x4  }
0xf1: {  	[tilespmem:s31+$0x1CF40] =	vst v0;
	v0 =	vld [tilespmem:s31+$0x18F60]  }
0xf2: {  	v1 =	vld.idx.msk [tilespmem:v1+s5+$0x0], $0xffff;
	_ =	sdelay $0x4  }
0xf3: {  	[tilespmem:s31+$0x1CF50] =	vst v1;
	v1 =	vld [tilespmem:s31+$0x18F70];
	_ =	sdelay $0x1  }
0xf4: {  	v0 =	vld.idx.msk [tilespmem:v0+s5+$0x0], $0xffff;
	_ =	sdelay $0x4  }
0xf5: {  	[tilespmem:s31+$0x1CF60] =	vst v0;
	v0 =	vld [tilespmem:s31+$0x18F80]  }
0xf6: {  	v1 =	vld.idx.msk [tilespmem:v1+s5+$0x0], $0xffff;
	_ =	sdelay $0x4  }
0xf7: {  	[tilespmem:s31+$0x1CF70] =	vst v1;
	v1 =	vld [tilespmem:s31+$0x18F90];
	_ =	sdelay $0x1  }
0xf8: {  	v0 =	vld.idx.msk [tilespmem:v0+s5+$0x0], $0xffff;
	_ =	sdelay $0x4  }
0xf9: {  	[tilespmem:s31+$0x1CF80] =	vst v0;
	v0 =	vld [tilespmem:s31+$0x18FA0]  }
0xfa: {  	v1 =	vld.idx.msk [tilespmem:v1+s5+$0x0], $0xffff;
	_ =	sdelay $0x4  }
0xfb: {  	[tilespmem:s31+$0x1CF90] =	vst v1;
	v1 =	vld [tilespmem:s31+$0x18FB0];
	_ =	sdelay $0x1  }
0xfc: {  	v0 =	vld.idx.msk [tilespmem:v0+s5+$0x0], $0xffff;
	_ =	sdelay $0x4  }
0xfd: {  	[tilespmem:s31+$0x1CFA0] =	vst v0;
	v0 =	vld [tilespmem:s31+$0x18FC0]  }
0xfe: {  	v1 =	vld.idx.msk [tilespmem:v1+s5+$0x0], $0xffff;
	_ =	sdelay $0x4  }
0xff: {  	[tilespmem:s31+$0x1CFB0] =	vst v1;
	v1 =	vld [tilespmem:s31+$0x18FD0];
	_ =	sdelay $0x1  }
0x100: {  	v0 =	vld.idx.msk [tilespmem:v0+s5+$0x0], $0xffff;
	_ =	sdelay $0x4  }
0x101: {  	[tilespmem:s31+$0x1CFC0] =	vst v0;
	v0 =	vld [tilespmem:s31+$0x18FE0]  }
0x102: {  	v1 =	vld.idx.msk [tilespmem:v1+s5+$0x0], $0xffff;
	_ =	sdelay $0x4  }
0x103: {  	[tilespmem:s31+$0x1CFD0] =	vst v1;
	v1 =	vld [tilespmem:s31+$0x18FF0];
	_ =	sdelay $0x1  }
0x104: {  	v0 =	vld.idx.msk [tilespmem:v0+s5+$0x0], $0xffff;
	_ =	sdelay $0x4  }
0x105: {  	[tilespmem:s31+$0x1CFE0] =	vst v0  }
0x106: {  	v0 =	vld.idx.msk [tilespmem:v1+s5+$0x0], $0xffff;
	_ =	sdelay $0x4  }
0x107: {  	s29 =	sadd.s32 s28, s7;
	[tilespmem:s31+$0x1CFF0] =	vst v0  }
0x108: {  	[hbm4b:s29+s14] =	stream.strided.scatter [tilespmem:s20], [sflag:$0x4], $0x800, s15, s14, $0x38;
	[tilespmem:$0x1D700] =	vst v63  }
0x109: {  	_ =	swait.ge [sflag:s21], $0x800  }
0x10a: {  	[sflag:s21] =	ssyncset.done $0x0  }
0x10b: {  	s29 =	simm.s32 $0x0;
	[sflag:s21] =	ssyncadd.s32 $0xFFFFF800  }
0x10c: {  	v0 =	vld [tilespmem:s29+$0x19700];
	_ =	sdelay $0x5  }
0x10d: {  	v1 =	vld [tilespmem:s29+$0x19710];
	_ =	sdelay $0x1  }
0x10e: {  	v0 =	vld.idx.msk [tilespmem:v0+s5+$0x0], $0xffff;
	_ =	sdelay $0x4  }
0x10f: {  	[tilespmem:s29+$0x1C700] =	vst v0;
	v0 =	vld [tilespmem:s29+$0x19720]  }
0x110: {  	v1 =	vld.idx.msk [tilespmem:v1+s5+$0x0], $0xffff;
	_ =	sdelay $0x4  }
0x111: {  	[tilespmem:s29+$0x1C710] =	vst v1;
	v1 =	vld [tilespmem:s29+$0x19730];
	_ =	sdelay $0x1  }
0x112: {  	v0 =	vld.idx.msk [tilespmem:v0+s5+$0x0], $0xffff;
	_ =	sdelay $0x4  }
0x113: {  	[tilespmem:s29+$0x1C720] =	vst v0;
	v0 =	vld [tilespmem:s29+$0x19740]  }
0x114: {  	v1 =	vld.idx.msk [tilespmem:v1+s5+$0x0], $0xffff;
	_ =	sdelay $0x4  }
0x115: {  	[tilespmem:s29+$0x1C730] =	vst v1;
	v1 =	vld [tilespmem:s29+$0x19750];
	_ =	sdelay $0x1  }
0x116: {  	v0 =	vld.idx.msk [tilespmem:v0+s5+$0x0], $0xffff;
	_ =	sdelay $0x4  }
0x117: {  	[tilespmem:s29+$0x1C740] =	vst v0;
	v0 =	vld [tilespmem:s29+$0x19760]  }
0x118: {  	v1 =	vld.idx.msk [tilespmem:v1+s5+$0x0], $0xffff;
	_ =	sdelay $0x4  }
0x119: {  	[tilespmem:s29+$0x1C750] =	vst v1;
	v1 =	vld [tilespmem:s29+$0x19770];
	_ =	sdelay $0x1  }
0x11a: {  	v0 =	vld.idx.msk [tilespmem:v0+s5+$0x0], $0xffff;
	_ =	sdelay $0x4  }
0x11b: {  	[tilespmem:s29+$0x1C760] =	vst v0;
	v0 =	vld [tilespmem:s29+$0x19780]  }
0x11c: {  	v1 =	vld.idx.msk [tilespmem:v1+s5+$0x0], $0xffff;
	_ =	sdelay $0x4  }
0x11d: {  	[tilespmem:s29+$0x1C770] =	vst v1;
	v1 =	vld [tilespmem:s29+$0x19790];
	_ =	sdelay $0x1  }
0x11e: {  	v0 =	vld.idx.msk [tilespmem:v0+s5+$0x0], $0xffff;
	_ =	sdelay $0x4  }
0x11f: {  	[tilespmem:s29+$0x1C780] =	vst v0;
	v0 =	vld [tilespmem:s29+$0x197A0]  }
0x120: {  	v1 =	vld.idx.msk [tilespmem:v1+s5+$0x0], $0xffff;
	_ =	sdelay $0x4  }
0x121: {  	[tilespmem:s29+$0x1C790] =	vst v1;
	v1 =	vld [tilespmem:s29+$0x197B0];
	_ =	sdelay $0x1  }
0x122: {  	v0 =	vld.idx.msk [tilespmem:v0+s5+$0x0], $0xffff;
	_ =	sdelay $0x4  }
0x123: {  	[tilespmem:s29+$0x1C7A0] =	vst v0;
	v0 =	vld [tilespmem:s29+$0x197C0]  }
0x124: {  	v1 =	vld.idx.msk [tilespmem:v1+s5+$0x0], $0xffff;
	_ =	sdelay $0x4  }
0x125: {  	[tilespmem:s29+$0x1C7B0] =	vst v1;
	v1 =	vld [tilespmem:s29+$0x197D0];
	_ =	sdelay $0x1  }
0x126: {  	v0 =	vld.idx.msk [tilespmem:v0+s5+$0x0], $0xffff;
	_ =	sdelay $0x4  }
0x127: {  	v2 =	vld [tilespmem:s29+$0x197E0];
	[tilespmem:s29+$0x1C7C0] =	vst v0  }
0x128: {  	v0 =	vld.idx.msk [tilespmem:v1+s5+$0x0], $0xffff;
	_ =	sdelay $0x4  }
0x129: {  	[tilespmem:s29+$0x1C7D0] =	vst v0;
	v0 =	vld [tilespmem:s29+$0x197F0];
	_ =	sdelay $0x1  }
0x12a: {  	v1 =	vld.idx.msk [tilespmem:v2+s5+$0x0], $0xffff;
	_ =	sdelay $0x3  }
0x12b: {  	s30 =	simm.s32 $0x800;
	s31 =	simm.s32 $0x100  }
.LBB2_11:
0x12c: {  	p0 =	sne.s32 s30, $0x1C00;
	v2 =	vld [tilespmem:s31+$0x19700];
	[tilespmem:s29+$0x1C7E0] =	vst v1  }
0x12d: {  	v0 =	vld.idx.msk [tilespmem:v0+s5+$0x0], $0xffff;
	_ =	sdelay $0x5  }
0x12e: {  	v1 =	vld [tilespmem:s31+$0x19710];
	[tilespmem:s29+$0x1C7F0] =	vst v0;
	s29 =	smov.u32 s31  }
0x12f: {  	v0 =	vld.idx.msk [tilespmem:v2+s5+$0x0], $0xffff;
	_ =	sdelay $0x5  }
0x130: {  	[tilespmem:s29+$0x1C700] =	vst v0;
	v0 =	vld [tilespmem:s29+$0x19720]  }
0x131: {  	v1 =	vld.idx.msk [tilespmem:v1+s5+$0x0], $0xffff;
	_ =	sdelay $0x5  }
0x132: {  	[tilespmem:s29+$0x1C710] =	vst v1;
	v1 =	vld [tilespmem:s29+$0x19730]  }
0x133: {  	v0 =	vld.idx.msk [tilespmem:v0+s5+$0x0], $0xffff;
	_ =	sdelay $0x5  }
0x134: {  	[tilespmem:s29+$0x1C720] =	vst v0;
	v0 =	vld [tilespmem:s29+$0x19740]  }
0x135: {  	v1 =	vld.idx.msk [tilespmem:v1+s5+$0x0], $0xffff;
	_ =	sdelay $0x5  }
0x136: {  	[tilespmem:s29+$0x1C730] =	vst v1;
	v1 =	vld [tilespmem:s29+$0x19750]  }
0x137: {  	v0 =	vld.idx.msk [tilespmem:v0+s5+$0x0], $0xffff;
	_ =	sdelay $0x5  }
0x138: {  	[tilespmem:s29+$0x1C740] =	vst v0;
	v0 =	vld [tilespmem:s29+$0x19760]  }
0x139: {  	v1 =	vld.idx.msk [tilespmem:v1+s5+$0x0], $0xffff;
	_ =	sdelay $0x5  }
0x13a: {  	[tilespmem:s29+$0x1C750] =	vst v1;
	v1 =	vld [tilespmem:s29+$0x19770]  }
0x13b: {  	v0 =	vld.idx.msk [tilespmem:v0+s5+$0x0], $0xffff;
	_ =	sdelay $0x5  }
0x13c: {  	[tilespmem:s29+$0x1C760] =	vst v0;
	v0 =	vld [tilespmem:s29+$0x19780]  }
0x13d: {  	v1 =	vld.idx.msk [tilespmem:v1+s5+$0x0], $0xffff;
	_ =	sdelay $0x5  }
0x13e: {  	[tilespmem:s29+$0x1C770] =	vst v1;
	v1 =	vld [tilespmem:s29+$0x19790]  }
0x13f: {  	v0 =	vld.idx.msk [tilespmem:v0+s5+$0x0], $0xffff;
	_ =	sdelay $0x5  }
0x140: {  	[tilespmem:s29+$0x1C780] =	vst v0;
	v0 =	vld [tilespmem:s29+$0x197A0]  }
0x141: {  	v1 =	vld.idx.msk [tilespmem:v1+s5+$0x0], $0xffff;
	_ =	sdelay $0x5  }
0x142: {  	[tilespmem:s29+$0x1C790] =	vst v1;
	v1 =	vld [tilespmem:s29+$0x197B0]  }
0x143: {  	v0 =	vld.idx.msk [tilespmem:v0+s5+$0x0], $0xffff;
	_ =	sdelay $0x5  }
0x144: {  	[tilespmem:s29+$0x1C7A0] =	vst v0;
	v0 =	vld [tilespmem:s29+$0x197C0]  }
0x145: {  	v1 =	vld.idx.msk [tilespmem:v1+s5+$0x0], $0xffff;
	_ =	sdelay $0x5  }
0x146: {  	[tilespmem:s29+$0x1C7B0] =	vst v1;
	v1 =	vld [tilespmem:s29+$0x197D0]  }
0x147: {  	v0 =	vld.idx.msk [tilespmem:v0+s5+$0x0], $0xffff;
	_ =	sdelay $0x5  }
0x148: {  	[tilespmem:s29+$0x1C7C0] =	vst v0;
	v2 =	vld [tilespmem:s29+$0x197E0]  }
0x149: {  	v0 =	vld.idx.msk [tilespmem:v1+s5+$0x0], $0xffff;
	_ =	sdelay $0x5  }
0x14a: {  	[tilespmem:s29+$0x1C7D0] =	vst v0;
	v0 =	vld [tilespmem:s29+$0x197F0]  }
0x14b: {  	v1 =	vld.idx.msk [tilespmem:v2+s5+$0x0], $0xffff  }
.Ltmp5:
0x14c: {  	(pc) =	sbr.rel @p0 .LBB2_11-.Ltmp5, $2  }
0x14d: {  	_ =	sdelay $0x2  }
0x14e: {  	s31 =	sshra.s32 s30, $0x2;
	s30 =	sadd.s32 $0x400, s30  }
0x14f: {  	_ =	sdelay $0x1  }
0x150: {  	v2 =	vld [tilespmem:s31+$0x19700]  }
0x151: {  	[tilespmem:s29+$0x1C7E0] =	vst v1  }
0x152: {  	v0 =	vld.idx.msk [tilespmem:v0+s5+$0x0], $0xffff;
	_ =	sdelay $0x3  }
0x153: {  	v1 =	vld [tilespmem:s31+$0x19710]  }
0x154: {  	[tilespmem:s29+$0x1C7F0] =	vst v0  }
0x155: {  	v0 =	vld.idx.msk [tilespmem:v2+s5+$0x0], $0xffff;
	_ =	sdelay $0x4  }
0x156: {  	[tilespmem:s31+$0x1C700] =	vst v0;
	v0 =	vld [tilespmem:s31+$0x19720]  }
0x157: {  	v1 =	vld.idx.msk [tilespmem:v1+s5+$0x0], $0xffff;
	_ =	sdelay $0x4  }
0x158: {  	[tilespmem:s31+$0x1C710] =	vst v1;
	v1 =	vld [tilespmem:s31+$0x19730];
	_ =	sdelay $0x1  }
0x159: {  	v0 =	vld.idx.msk [tilespmem:v0+s5+$0x0], $0xffff;
	_ =	sdelay $0x4  }
0x15a: {  	[tilespmem:s31+$0x1C720] =	vst v0;
	v0 =	vld [tilespmem:s31+$0x19740]  }
0x15b: {  	v1 =	vld.idx.msk [tilespmem:v1+s5+$0x0], $0xffff;
	_ =	sdelay $0x4  }
0x15c: {  	[tilespmem:s31+$0x1C730] =	vst v1;
	v1 =	vld [tilespmem:s31+$0x19750];
	_ =	sdelay $0x1  }
0x15d: {  	v0 =	vld.idx.msk [tilespmem:v0+s5+$0x0], $0xffff;
	_ =	sdelay $0x4  }
0x15e: {  	[tilespmem:s31+$0x1C740] =	vst v0;
	v0 =	vld [tilespmem:s31+$0x19760]  }
0x15f: {  	v1 =	vld.idx.msk [tilespmem:v1+s5+$0x0], $0xffff;
	_ =	sdelay $0x4  }
0x160: {  	[tilespmem:s31+$0x1C750] =	vst v1;
	v1 =	vld [tilespmem:s31+$0x19770];
	_ =	sdelay $0x1  }
0x161: {  	v0 =	vld.idx.msk [tilespmem:v0+s5+$0x0], $0xffff;
	_ =	sdelay $0x4  }
0x162: {  	[tilespmem:s31+$0x1C760] =	vst v0;
	v0 =	vld [tilespmem:s31+$0x19780]  }
0x163: {  	v1 =	vld.idx.msk [tilespmem:v1+s5+$0x0], $0xffff;
	_ =	sdelay $0x4  }
0x164: {  	[tilespmem:s31+$0x1C770] =	vst v1;
	v1 =	vld [tilespmem:s31+$0x19790];
	_ =	sdelay $0x1  }
0x165: {  	v0 =	vld.idx.msk [tilespmem:v0+s5+$0x0], $0xffff;
	_ =	sdelay $0x4  }
0x166: {  	[tilespmem:s31+$0x1C780] =	vst v0;
	v0 =	vld [tilespmem:s31+$0x197A0]  }
0x167: {  	v1 =	vld.idx.msk [tilespmem:v1+s5+$0x0], $0xffff;
	_ =	sdelay $0x4  }
0x168: {  	[tilespmem:s31+$0x1C790] =	vst v1;
	v1 =	vld [tilespmem:s31+$0x197B0];
	_ =	sdelay $0x1  }
0x169: {  	v0 =	vld.idx.msk [tilespmem:v0+s5+$0x0], $0xffff;
	_ =	sdelay $0x4  }
0x16a: {  	[tilespmem:s31+$0x1C7A0] =	vst v0;
	v0 =	vld [tilespmem:s31+$0x197C0]  }
0x16b: {  	v1 =	vld.idx.msk [tilespmem:v1+s5+$0x0], $0xffff;
	_ =	sdelay $0x4  }
0x16c: {  	[tilespmem:s31+$0x1C7B0] =	vst v1;
	v1 =	vld [tilespmem:s31+$0x197D0];
	_ =	sdelay $0x1  }
0x16d: {  	v0 =	vld.idx.msk [tilespmem:v0+s5+$0x0], $0xffff;
	_ =	sdelay $0x4  }
0x16e: {  	[tilespmem:s31+$0x1C7C0] =	vst v0;
	v0 =	vld [tilespmem:s31+$0x197E0]  }
0x16f: {  	v1 =	vld.idx.msk [tilespmem:v1+s5+$0x0], $0xffff;
	_ =	sdelay $0x4  }
0x170: {  	[tilespmem:s31+$0x1C7D0] =	vst v1;
	v1 =	vld [tilespmem:s31+$0x197F0];
	_ =	sdelay $0x1  }
0x171: {  	v0 =	vld.idx.msk [tilespmem:v0+s5+$0x0], $0xffff;
	_ =	sdelay $0x4  }
0x172: {  	[tilespmem:s31+$0x1C7E0] =	vst v0  }
0x173: {  	v0 =	vld.idx.msk [tilespmem:v1+s5+$0x0], $0xffff;
	_ =	sdelay $0x4  }
0x174: {  	s29 =	sadd.s32 s28, s8;
	[tilespmem:s31+$0x1C7F0] =	vst v0  }
0x175: {  	[hbm4b:s29+s14] =	stream.strided.scatter [tilespmem:s19], [sflag:$0x3], $0x800, s15, s14, $0x38;
	[tilespmem:$0x1D700] =	vst v63  }
0x176: {  	_ =	swait.ge [sflag:s22], $0x800  }
0x177: {  	[sflag:s22] =	ssyncset.done $0x0  }
0x178: {  	s29 =	simm.s32 $0x0;
	[sflag:s22] =	ssyncadd.s32 $0xFFFFF800  }
0x179: {  	v0 =	vld [tilespmem:s29+$0x19F00];
	_ =	sdelay $0x5  }
0x17a: {  	v1 =	vld [tilespmem:s29+$0x19F10];
	_ =	sdelay $0x1  }
0x17b: {  	v0 =	vld.idx.msk [tilespmem:v0+s5+$0x0], $0xffff;
	_ =	sdelay $0x4  }
0x17c: {  	[tilespmem:s29+$0x1CF00] =	vst v0;
	v0 =	vld [tilespmem:s29+$0x19F20]  }
0x17d: {  	v1 =	vld.idx.msk [tilespmem:v1+s5+$0x0], $0xffff;
	_ =	sdelay $0x4  }
0x17e: {  	[tilespmem:s29+$0x1CF10] =	vst v1;
	v1 =	vld [tilespmem:s29+$0x19F30];
	_ =	sdelay $0x1  }
0x17f: {  	v0 =	vld.idx.msk [tilespmem:v0+s5+$0x0], $0xffff;
	_ =	sdelay $0x4  }
0x180: {  	[tilespmem:s29+$0x1CF20] =	vst v0;
	v0 =	vld [tilespmem:s29+$0x19F40]  }
0x181: {  	v1 =	vld.idx.msk [tilespmem:v1+s5+$0x0], $0xffff;
	_ =	sdelay $0x4  }
0x182: {  	[tilespmem:s29+$0x1CF30] =	vst v1;
	v1 =	vld [tilespmem:s29+$0x19F50];
	_ =	sdelay $0x1  }
0x183: {  	v0 =	vld.idx.msk [tilespmem:v0+s5+$0x0], $0xffff;
	_ =	sdelay $0x4  }
0x184: {  	[tilespmem:s29+$0x1CF40] =	vst v0;
	v0 =	vld [tilespmem:s29+$0x19F60]  }
0x185: {  	v1 =	vld.idx.msk [tilespmem:v1+s5+$0x0], $0xffff;
	_ =	sdelay $0x4  }
0x186: {  	[tilespmem:s29+$0x1CF50] =	vst v1;
	v1 =	vld [tilespmem:s29+$0x19F70];
	_ =	sdelay $0x1  }
0x187: {  	v0 =	vld.idx.msk [tilespmem:v0+s5+$0x0], $0xffff;
	_ =	sdelay $0x4  }
0x188: {  	[tilespmem:s29+$0x1CF60] =	vst v0;
	v0 =	vld [tilespmem:s29+$0x19F80]  }
0x189: {  	v1 =	vld.idx.msk [tilespmem:v1+s5+$0x0], $0xffff;
	_ =	sdelay $0x4  }
0x18a: {  	[tilespmem:s29+$0x1CF70] =	vst v1;
	v1 =	vld [tilespmem:s29+$0x19F90];
	_ =	sdelay $0x1  }
0x18b: {  	v0 =	vld.idx.msk [tilespmem:v0+s5+$0x0], $0xffff;
	_ =	sdelay $0x4  }
0x18c: {  	[tilespmem:s29+$0x1CF80] =	vst v0;
	v0 =	vld [tilespmem:s29+$0x19FA0]  }
0x18d: {  	v1 =	vld.idx.msk [tilespmem:v1+s5+$0x0], $0xffff;
	_ =	sdelay $0x4  }
0x18e: {  	[tilespmem:s29+$0x1CF90] =	vst v1;
	v1 =	vld [tilespmem:s29+$0x19FB0];
	_ =	sdelay $0x1  }
0x18f: {  	v0 =	vld.idx.msk [tilespmem:v0+s5+$0x0], $0xffff;
	_ =	sdelay $0x4  }
0x190: {  	[tilespmem:s29+$0x1CFA0] =	vst v0;
	v0 =	vld [tilespmem:s29+$0x19FC0]  }
0x191: {  	v1 =	vld.idx.msk [tilespmem:v1+s5+$0x0], $0xffff;
	_ =	sdelay $0x4  }
0x192: {  	[tilespmem:s29+$0x1CFB0] =	vst v1;
	v1 =	vld [tilespmem:s29+$0x19FD0];
	_ =	sdelay $0x1  }
0x193: {  	v0 =	vld.idx.msk [tilespmem:v0+s5+$0x0], $0xffff;
	_ =	sdelay $0x4  }
0x194: {  	v2 =	vld [tilespmem:s29+$0x19FE0];
	[tilespmem:s29+$0x1CFC0] =	vst v0  }
0x195: {  	v0 =	vld.idx.msk [tilespmem:v1+s5+$0x0], $0xffff;
	_ =	sdelay $0x4  }
0x196: {  	[tilespmem:s29+$0x1CFD0] =	vst v0;
	v0 =	vld [tilespmem:s29+$0x19FF0];
	_ =	sdelay $0x1  }
0x197: {  	v1 =	vld.idx.msk [tilespmem:v2+s5+$0x0], $0xffff;
	_ =	sdelay $0x3  }
0x198: {  	s30 =	simm.s32 $0x800;
	s31 =	simm.s32 $0x100  }
.LBB2_13:
0x199: {  	p0 =	sne.s32 s30, $0x1C00;
	v2 =	vld [tilespmem:s31+$0x19F00];
	[tilespmem:s29+$0x1CFE0] =	vst v1  }
0x19a: {  	v0 =	vld.idx.msk [tilespmem:v0+s5+$0x0], $0xffff;
	_ =	sdelay $0x5  }
0x19b: {  	v1 =	vld [tilespmem:s31+$0x19F10];
	[tilespmem:s29+$0x1CFF0] =	vst v0;
	s29 =	smov.u32 s31  }
0x19c: {  	v0 =	vld.idx.msk [tilespmem:v2+s5+$0x0], $0xffff;
	_ =	sdelay $0x5  }
0x19d: {  	[tilespmem:s29+$0x1CF00] =	vst v0;
	v0 =	vld [tilespmem:s29+$0x19F20]  }
0x19e: {  	v1 =	vld.idx.msk [tilespmem:v1+s5+$0x0], $0xffff;
	_ =	sdelay $0x5  }
0x19f: {  	[tilespmem:s29+$0x1CF10] =	vst v1;
	v1 =	vld [tilespmem:s29+$0x19F30]  }
0x1a0: {  	v0 =	vld.idx.msk [tilespmem:v0+s5+$0x0], $0xffff;
	_ =	sdelay $0x5  }
0x1a1: {  	[tilespmem:s29+$0x1CF20] =	vst v0;
	v0 =	vld [tilespmem:s29+$0x19F40]  }
0x1a2: {  	v1 =	vld.idx.msk [tilespmem:v1+s5+$0x0], $0xffff;
	_ =	sdelay $0x5  }
0x1a3: {  	[tilespmem:s29+$0x1CF30] =	vst v1;
	v1 =	vld [tilespmem:s29+$0x19F50]  }
0x1a4: {  	v0 =	vld.idx.msk [tilespmem:v0+s5+$0x0], $0xffff;
	_ =	sdelay $0x5  }
0x1a5: {  	[tilespmem:s29+$0x1CF40] =	vst v0;
	v0 =	vld [tilespmem:s29+$0x19F60]  }
0x1a6: {  	v1 =	vld.idx.msk [tilespmem:v1+s5+$0x0], $0xffff;
	_ =	sdelay $0x5  }
0x1a7: {  	[tilespmem:s29+$0x1CF50] =	vst v1;
	v1 =	vld [tilespmem:s29+$0x19F70]  }
0x1a8: {  	v0 =	vld.idx.msk [tilespmem:v0+s5+$0x0], $0xffff;
	_ =	sdelay $0x5  }
0x1a9: {  	[tilespmem:s29+$0x1CF60] =	vst v0;
	v0 =	vld [tilespmem:s29+$0x19F80]  }
0x1aa: {  	v1 =	vld.idx.msk [tilespmem:v1+s5+$0x0], $0xffff;
	_ =	sdelay $0x5  }
0x1ab: {  	[tilespmem:s29+$0x1CF70] =	vst v1;
	v1 =	vld [tilespmem:s29+$0x19F90]  }
0x1ac: {  	v0 =	vld.idx.msk [tilespmem:v0+s5+$0x0], $0xffff;
	_ =	sdelay $0x5  }
0x1ad: {  	[tilespmem:s29+$0x1CF80] =	vst v0;
	v0 =	vld [tilespmem:s29+$0x19FA0]  }
0x1ae: {  	v1 =	vld.idx.msk [tilespmem:v1+s5+$0x0], $0xffff;
	_ =	sdelay $0x5  }
0x1af: {  	[tilespmem:s29+$0x1CF90] =	vst v1;
	v1 =	vld [tilespmem:s29+$0x19FB0]  }
0x1b0: {  	v0 =	vld.idx.msk [tilespmem:v0+s5+$0x0], $0xffff;
	_ =	sdelay $0x5  }
0x1b1: {  	[tilespmem:s29+$0x1CFA0] =	vst v0;
	v0 =	vld [tilespmem:s29+$0x19FC0]  }
0x1b2: {  	v1 =	vld.idx.msk [tilespmem:v1+s5+$0x0], $0xffff;
	_ =	sdelay $0x5  }
0x1b3: {  	[tilespmem:s29+$0x1CFB0] =	vst v1;
	v1 =	vld [tilespmem:s29+$0x19FD0]  }
0x1b4: {  	v0 =	vld.idx.msk [tilespmem:v0+s5+$0x0], $0xffff;
	_ =	sdelay $0x5  }
0x1b5: {  	[tilespmem:s29+$0x1CFC0] =	vst v0;
	v2 =	vld [tilespmem:s29+$0x19FE0]  }
0x1b6: {  	v0 =	vld.idx.msk [tilespmem:v1+s5+$0x0], $0xffff;
	_ =	sdelay $0x5  }
0x1b7: {  	[tilespmem:s29+$0x1CFD0] =	vst v0;
	v0 =	vld [tilespmem:s29+$0x19FF0]  }
0x1b8: {  	v1 =	vld.idx.msk [tilespmem:v2+s5+$0x0], $0xffff  }
.Ltmp6:
0x1b9: {  	(pc) =	sbr.rel @p0 .LBB2_13-.Ltmp6, $2  }
0x1ba: {  	_ =	sdelay $0x2  }
0x1bb: {  	s31 =	sshra.s32 s30, $0x2;
	s30 =	sadd.s32 $0x400, s30  }
0x1bc: {  	_ =	sdelay $0x1  }
0x1bd: {  	v2 =	vld [tilespmem:s31+$0x19F00]  }
0x1be: {  	[tilespmem:s29+$0x1CFE0] =	vst v1  }
0x1bf: {  	v0 =	vld.idx.msk [tilespmem:v0+s5+$0x0], $0xffff;
	_ =	sdelay $0x3  }
0x1c0: {  	v1 =	vld [tilespmem:s31+$0x19F10]  }
0x1c1: {  	[tilespmem:s29+$0x1CFF0] =	vst v0  }
0x1c2: {  	v0 =	vld.idx.msk [tilespmem:v2+s5+$0x0], $0xffff;
	_ =	sdelay $0x4  }
0x1c3: {  	[tilespmem:s31+$0x1CF00] =	vst v0;
	v0 =	vld [tilespmem:s31+$0x19F20]  }
0x1c4: {  	v1 =	vld.idx.msk [tilespmem:v1+s5+$0x0], $0xffff;
	_ =	sdelay $0x4  }
0x1c5: {  	[tilespmem:s31+$0x1CF10] =	vst v1;
	v1 =	vld [tilespmem:s31+$0x19F30];
	_ =	sdelay $0x1  }
0x1c6: {  	v0 =	vld.idx.msk [tilespmem:v0+s5+$0x0], $0xffff;
	_ =	sdelay $0x4  }
0x1c7: {  	[tilespmem:s31+$0x1CF20] =	vst v0;
	v0 =	vld [tilespmem:s31+$0x19F40]  }
0x1c8: {  	v1 =	vld.idx.msk [tilespmem:v1+s5+$0x0], $0xffff;
	_ =	sdelay $0x4  }
0x1c9: {  	[tilespmem:s31+$0x1CF30] =	vst v1;
	v1 =	vld [tilespmem:s31+$0x19F50];
	_ =	sdelay $0x1  }
0x1ca: {  	v0 =	vld.idx.msk [tilespmem:v0+s5+$0x0], $0xffff;
	_ =	sdelay $0x4  }
0x1cb: {  	[tilespmem:s31+$0x1CF40] =	vst v0;
	v0 =	vld [tilespmem:s31+$0x19F60]  }
0x1cc: {  	v1 =	vld.idx.msk [tilespmem:v1+s5+$0x0], $0xffff;
	_ =	sdelay $0x4  }
0x1cd: {  	[tilespmem:s31+$0x1CF50] =	vst v1;
	v1 =	vld [tilespmem:s31+$0x19F70];
	_ =	sdelay $0x1  }
0x1ce: {  	v0 =	vld.idx.msk [tilespmem:v0+s5+$0x0], $0xffff;
	_ =	sdelay $0x4  }
0x1cf: {  	[tilespmem:s31+$0x1CF60] =	vst v0;
	v0 =	vld [tilespmem:s31+$0x19F80]  }
0x1d0: {  	v1 =	vld.idx.msk [tilespmem:v1+s5+$0x0], $0xffff;
	_ =	sdelay $0x4  }
0x1d1: {  	[tilespmem:s31+$0x1CF70] =	vst v1;
	v1 =	vld [tilespmem:s31+$0x19F90];
	_ =	sdelay $0x1  }
0x1d2: {  	v0 =	vld.idx.msk [tilespmem:v0+s5+$0x0], $0xffff;
	_ =	sdelay $0x4  }
0x1d3: {  	[tilespmem:s31+$0x1CF80] =	vst v0;
	v0 =	vld [tilespmem:s31+$0x19FA0]  }
0x1d4: {  	v1 =	vld.idx.msk [tilespmem:v1+s5+$0x0], $0xffff;
	_ =	sdelay $0x4  }
0x1d5: {  	[tilespmem:s31+$0x1CF90] =	vst v1;
	v1 =	vld [tilespmem:s31+$0x19FB0];
	_ =	sdelay $0x1  }
0x1d6: {  	v0 =	vld.idx.msk [tilespmem:v0+s5+$0x0], $0xffff;
	_ =	sdelay $0x4  }
0x1d7: {  	[tilespmem:s31+$0x1CFA0] =	vst v0;
	v0 =	vld [tilespmem:s31+$0x19FC0]  }
0x1d8: {  	v1 =	vld.idx.msk [tilespmem:v1+s5+$0x0], $0xffff;
	_ =	sdelay $0x4  }
0x1d9: {  	[tilespmem:s31+$0x1CFB0] =	vst v1;
	v1 =	vld [tilespmem:s31+$0x19FD0];
	_ =	sdelay $0x1  }
0x1da: {  	v0 =	vld.idx.msk [tilespmem:v0+s5+$0x0], $0xffff;
	_ =	sdelay $0x4  }
0x1db: {  	[tilespmem:s31+$0x1CFC0] =	vst v0;
	v0 =	vld [tilespmem:s31+$0x19FE0]  }
0x1dc: {  	v1 =	vld.idx.msk [tilespmem:v1+s5+$0x0], $0xffff;
	_ =	sdelay $0x4  }
0x1dd: {  	[tilespmem:s31+$0x1CFD0] =	vst v1;
	v1 =	vld [tilespmem:s31+$0x19FF0];
	_ =	sdelay $0x1  }
0x1de: {  	v0 =	vld.idx.msk [tilespmem:v0+s5+$0x0], $0xffff;
	_ =	sdelay $0x4  }
0x1df: {  	[tilespmem:s31+$0x1CFE0] =	vst v0  }
0x1e0: {  	v0 =	vld.idx.msk [tilespmem:v1+s5+$0x0], $0xffff;
	_ =	sdelay $0x4  }
0x1e1: {  	s29 =	sadd.s32 s28, s9;
	[tilespmem:s31+$0x1CFF0] =	vst v0  }
0x1e2: {  	[hbm4b:s29+s14] =	stream.strided.scatter [tilespmem:s20], [sflag:$0x4], $0x800, s15, s14, $0x38;
	[tilespmem:$0x1D700] =	vst v63  }
0x1e3: {  	_ =	swait.ge [sflag:s21], $0x800  }
0x1e4: {  	[sflag:s21] =	ssyncset.done $0x0  }
0x1e5: {  	s29 =	simm.s32 $0x0;
	[sflag:s21] =	ssyncadd.s32 $0xFFFFF800  }
0x1e6: {  	v0 =	vld [tilespmem:s29+$0x1A700];
	_ =	sdelay $0x5  }
0x1e7: {  	v1 =	vld [tilespmem:s29+$0x1A710];
	_ =	sdelay $0x1  }
0x1e8: {  	v0 =	vld.idx.msk [tilespmem:v0+s5+$0x0], $0xffff;
	_ =	sdelay $0x4  }
0x1e9: {  	[tilespmem:s29+$0x1C700] =	vst v0;
	v0 =	vld [tilespmem:s29+$0x1A720]  }
0x1ea: {  	v1 =	vld.idx.msk [tilespmem:v1+s5+$0x0], $0xffff;
	_ =	sdelay $0x4  }
0x1eb: {  	[tilespmem:s29+$0x1C710] =	vst v1;
	v1 =	vld [tilespmem:s29+$0x1A730];
	_ =	sdelay $0x1  }
0x1ec: {  	v0 =	vld.idx.msk [tilespmem:v0+s5+$0x0], $0xffff;
	_ =	sdelay $0x4  }
0x1ed: {  	[tilespmem:s29+$0x1C720] =	vst v0;
	v0 =	vld [tilespmem:s29+$0x1A740]  }
0x1ee: {  	v1 =	vld.idx.msk [tilespmem:v1+s5+$0x0], $0xffff;
	_ =	sdelay $0x4  }
0x1ef: {  	[tilespmem:s29+$0x1C730] =	vst v1;
	v1 =	vld [tilespmem:s29+$0x1A750];
	_ =	sdelay $0x1  }
0x1f0: {  	v0 =	vld.idx.msk [tilespmem:v0+s5+$0x0], $0xffff;
	_ =	sdelay $0x4  }
0x1f1: {  	[tilespmem:s29+$0x1C740] =	vst v0;
	v0 =	vld [tilespmem:s29+$0x1A760]  }
0x1f2: {  	v1 =	vld.idx.msk [tilespmem:v1+s5+$0x0], $0xffff;
	_ =	sdelay $0x4  }
0x1f3: {  	[tilespmem:s29+$0x1C750] =	vst v1;
	v1 =	vld [tilespmem:s29+$0x1A770];
	_ =	sdelay $0x1  }
0x1f4: {  	v0 =	vld.idx.msk [tilespmem:v0+s5+$0x0], $0xffff;
	_ =	sdelay $0x4  }
0x1f5: {  	[tilespmem:s29+$0x1C760] =	vst v0;
	v0 =	vld [tilespmem:s29+$0x1A780]  }
0x1f6: {  	v1 =	vld.idx.msk [tilespmem:v1+s5+$0x0], $0xffff;
	_ =	sdelay $0x4  }
0x1f7: {  	[tilespmem:s29+$0x1C770] =	vst v1;
	v1 =	vld [tilespmem:s29+$0x1A790];
	_ =	sdelay $0x1  }
0x1f8: {  	v0 =	vld.idx.msk [tilespmem:v0+s5+$0x0], $0xffff;
	_ =	sdelay $0x4  }
0x1f9: {  	[tilespmem:s29+$0x1C780] =	vst v0;
	v0 =	vld [tilespmem:s29+$0x1A7A0]  }
0x1fa: {  	v1 =	vld.idx.msk [tilespmem:v1+s5+$0x0], $0xffff;
	_ =	sdelay $0x4  }
0x1fb: {  	[tilespmem:s29+$0x1C790] =	vst v1;
	v1 =	vld [tilespmem:s29+$0x1A7B0];
	_ =	sdelay $0x1  }
0x1fc: {  	v0 =	vld.idx.msk [tilespmem:v0+s5+$0x0], $0xffff;
	_ =	sdelay $0x4  }
0x1fd: {  	[tilespmem:s29+$0x1C7A0] =	vst v0;
	v0 =	vld [tilespmem:s29+$0x1A7C0]  }
0x1fe: {  	v1 =	vld.idx.msk [tilespmem:v1+s5+$0x0], $0xffff;
	_ =	sdelay $0x4  }
0x1ff: {  	[tilespmem:s29+$0x1C7B0] =	vst v1;
	v1 =	vld [tilespmem:s29+$0x1A7D0];
	_ =	sdelay $0x1  }
0x200: {  	v0 =	vld.idx.msk [tilespmem:v0+s5+$0x0], $0xffff;
	_ =	sdelay $0x4  }
0x201: {  	v2 =	vld [tilespmem:s29+$0x1A7E0];
	[tilespmem:s29+$0x1C7C0] =	vst v0  }
0x202: {  	v0 =	vld.idx.msk [tilespmem:v1+s5+$0x0], $0xffff;
	_ =	sdelay $0x4  }
0x203: {  	[tilespmem:s29+$0x1C7D0] =	vst v0;
	v0 =	vld [tilespmem:s29+$0x1A7F0];
	_ =	sdelay $0x1  }
0x204: {  	v1 =	vld.idx.msk [tilespmem:v2+s5+$0x0], $0xffff;
	_ =	sdelay $0x3  }
0x205: {  	s30 =	simm.s32 $0x800;
	s31 =	simm.s32 $0x100  }
.LBB2_15:
0x206: {  	p0 =	sne.s32 s30, $0x1C00;
	v2 =	vld [tilespmem:s31+$0x1A700];
	[tilespmem:s29+$0x1C7E0] =	vst v1  }
0x207: {  	v0 =	vld.idx.msk [tilespmem:v0+s5+$0x0], $0xffff;
	_ =	sdelay $0x5  }
0x208: {  	v1 =	vld [tilespmem:s31+$0x1A710];
	[tilespmem:s29+$0x1C7F0] =	vst v0;
	s29 =	smov.u32 s31  }
0x209: {  	v0 =	vld.idx.msk [tilespmem:v2+s5+$0x0], $0xffff;
	_ =	sdelay $0x5  }
0x20a: {  	[tilespmem:s29+$0x1C700] =	vst v0;
	v0 =	vld [tilespmem:s29+$0x1A720]  }
0x20b: {  	v1 =	vld.idx.msk [tilespmem:v1+s5+$0x0], $0xffff;
	_ =	sdelay $0x5  }
0x20c: {  	[tilespmem:s29+$0x1C710] =	vst v1;
	v1 =	vld [tilespmem:s29+$0x1A730]  }
0x20d: {  	v0 =	vld.idx.msk [tilespmem:v0+s5+$0x0], $0xffff;
	_ =	sdelay $0x5  }
0x20e: {  	[tilespmem:s29+$0x1C720] =	vst v0;
	v0 =	vld [tilespmem:s29+$0x1A740]  }
0x20f: {  	v1 =	vld.idx.msk [tilespmem:v1+s5+$0x0], $0xffff;
	_ =	sdelay $0x5  }
0x210: {  	[tilespmem:s29+$0x1C730] =	vst v1;
	v1 =	vld [tilespmem:s29+$0x1A750]  }
0x211: {  	v0 =	vld.idx.msk [tilespmem:v0+s5+$0x0], $0xffff;
	_ =	sdelay $0x5  }
0x212: {  	[tilespmem:s29+$0x1C740] =	vst v0;
	v0 =	vld [tilespmem:s29+$0x1A760]  }
0x213: {  	v1 =	vld.idx.msk [tilespmem:v1+s5+$0x0], $0xffff;
	_ =	sdelay $0x5  }
0x214: {  	[tilespmem:s29+$0x1C750] =	vst v1;
	v1 =	vld [tilespmem:s29+$0x1A770]  }
0x215: {  	v0 =	vld.idx.msk [tilespmem:v0+s5+$0x0], $0xffff;
	_ =	sdelay $0x5  }
0x216: {  	[tilespmem:s29+$0x1C760] =	vst v0;
	v0 =	vld [tilespmem:s29+$0x1A780]  }
0x217: {  	v1 =	vld.idx.msk [tilespmem:v1+s5+$0x0], $0xffff;
	_ =	sdelay $0x5  }
0x218: {  	[tilespmem:s29+$0x1C770] =	vst v1;
	v1 =	vld [tilespmem:s29+$0x1A790]  }
0x219: {  	v0 =	vld.idx.msk [tilespmem:v0+s5+$0x0], $0xffff;
	_ =	sdelay $0x5  }
0x21a: {  	[tilespmem:s29+$0x1C780] =	vst v0;
	v0 =	vld [tilespmem:s29+$0x1A7A0]  }
0x21b: {  	v1 =	vld.idx.msk [tilespmem:v1+s5+$0x0], $0xffff;
	_ =	sdelay $0x5  }
0x21c: {  	[tilespmem:s29+$0x1C790] =	vst v1;
	v1 =	vld [tilespmem:s29+$0x1A7B0]  }
0x21d: {  	v0 =	vld.idx.msk [tilespmem:v0+s5+$0x0], $0xffff;
	_ =	sdelay $0x5  }
0x21e: {  	[tilespmem:s29+$0x1C7A0] =	vst v0;
	v0 =	vld [tilespmem:s29+$0x1A7C0]  }
0x21f: {  	v1 =	vld.idx.msk [tilespmem:v1+s5+$0x0], $0xffff;
	_ =	sdelay $0x5  }
0x220: {  	[tilespmem:s29+$0x1C7B0] =	vst v1;
	v1 =	vld [tilespmem:s29+$0x1A7D0]  }
0x221: {  	v0 =	vld.idx.msk [tilespmem:v0+s5+$0x0], $0xffff;
	_ =	sdelay $0x5  }
0x222: {  	[tilespmem:s29+$0x1C7C0] =	vst v0;
	v2 =	vld [tilespmem:s29+$0x1A7E0]  }
0x223: {  	v0 =	vld.idx.msk [tilespmem:v1+s5+$0x0], $0xffff;
	_ =	sdelay $0x5  }
0x224: {  	[tilespmem:s29+$0x1C7D0] =	vst v0;
	v0 =	vld [tilespmem:s29+$0x1A7F0]  }
0x225: {  	v1 =	vld.idx.msk [tilespmem:v2+s5+$0x0], $0xffff  }
.Ltmp7:
0x226: {  	(pc) =	sbr.rel @p0 .LBB2_15-.Ltmp7, $2  }
0x227: {  	_ =	sdelay $0x2  }
0x228: {  	s31 =	sshra.s32 s30, $0x2;
	s30 =	sadd.s32 $0x400, s30  }
0x229: {  	_ =	sdelay $0x1  }
0x22a: {  	v2 =	vld [tilespmem:s31+$0x1A700]  }
0x22b: {  	[tilespmem:s29+$0x1C7E0] =	vst v1  }
0x22c: {  	v0 =	vld.idx.msk [tilespmem:v0+s5+$0x0], $0xffff;
	_ =	sdelay $0x3  }
0x22d: {  	v1 =	vld [tilespmem:s31+$0x1A710]  }
0x22e: {  	[tilespmem:s29+$0x1C7F0] =	vst v0  }
0x22f: {  	v0 =	vld.idx.msk [tilespmem:v2+s5+$0x0], $0xffff;
	_ =	sdelay $0x4  }
0x230: {  	[tilespmem:s31+$0x1C700] =	vst v0;
	v0 =	vld [tilespmem:s31+$0x1A720]  }
0x231: {  	v1 =	vld.idx.msk [tilespmem:v1+s5+$0x0], $0xffff;
	_ =	sdelay $0x4  }
0x232: {  	[tilespmem:s31+$0x1C710] =	vst v1;
	v1 =	vld [tilespmem:s31+$0x1A730];
	_ =	sdelay $0x1  }
0x233: {  	v0 =	vld.idx.msk [tilespmem:v0+s5+$0x0], $0xffff;
	_ =	sdelay $0x4  }
0x234: {  	[tilespmem:s31+$0x1C720] =	vst v0;
	v0 =	vld [tilespmem:s31+$0x1A740]  }
0x235: {  	v1 =	vld.idx.msk [tilespmem:v1+s5+$0x0], $0xffff;
	_ =	sdelay $0x4  }
0x236: {  	[tilespmem:s31+$0x1C730] =	vst v1;
	v1 =	vld [tilespmem:s31+$0x1A750];
	_ =	sdelay $0x1  }
0x237: {  	v0 =	vld.idx.msk [tilespmem:v0+s5+$0x0], $0xffff;
	_ =	sdelay $0x4  }
0x238: {  	[tilespmem:s31+$0x1C740] =	vst v0;
	v0 =	vld [tilespmem:s31+$0x1A760]  }
0x239: {  	v1 =	vld.idx.msk [tilespmem:v1+s5+$0x0], $0xffff;
	_ =	sdelay $0x4  }
0x23a: {  	[tilespmem:s31+$0x1C750] =	vst v1;
	v1 =	vld [tilespmem:s31+$0x1A770];
	_ =	sdelay $0x1  }
0x23b: {  	v0 =	vld.idx.msk [tilespmem:v0+s5+$0x0], $0xffff;
	_ =	sdelay $0x4  }
0x23c: {  	[tilespmem:s31+$0x1C760] =	vst v0;
	v0 =	vld [tilespmem:s31+$0x1A780]  }
0x23d: {  	v1 =	vld.idx.msk [tilespmem:v1+s5+$0x0], $0xffff;
	_ =	sdelay $0x4  }
0x23e: {  	[tilespmem:s31+$0x1C770] =	vst v1;
	v1 =	vld [tilespmem:s31+$0x1A790];
	_ =	sdelay $0x1  }
0x23f: {  	v0 =	vld.idx.msk [tilespmem:v0+s5+$0x0], $0xffff;
	_ =	sdelay $0x4  }
0x240: {  	[tilespmem:s31+$0x1C780] =	vst v0;
	v0 =	vld [tilespmem:s31+$0x1A7A0]  }
0x241: {  	v1 =	vld.idx.msk [tilespmem:v1+s5+$0x0], $0xffff;
	_ =	sdelay $0x4  }
0x242: {  	[tilespmem:s31+$0x1C790] =	vst v1;
	v1 =	vld [tilespmem:s31+$0x1A7B0];
	_ =	sdelay $0x1  }
0x243: {  	v0 =	vld.idx.msk [tilespmem:v0+s5+$0x0], $0xffff;
	_ =	sdelay $0x4  }
0x244: {  	[tilespmem:s31+$0x1C7A0] =	vst v0;
	v0 =	vld [tilespmem:s31+$0x1A7C0]  }
0x245: {  	v1 =	vld.idx.msk [tilespmem:v1+s5+$0x0], $0xffff;
	_ =	sdelay $0x4  }
0x246: {  	[tilespmem:s31+$0x1C7B0] =	vst v1;
	v1 =	vld [tilespmem:s31+$0x1A7D0];
	_ =	sdelay $0x1  }
0x247: {  	v0 =	vld.idx.msk [tilespmem:v0+s5+$0x0], $0xffff;
	_ =	sdelay $0x4  }
0x248: {  	[tilespmem:s31+$0x1C7C0] =	vst v0;
	v0 =	vld [tilespmem:s31+$0x1A7E0]  }
0x249: {  	v1 =	vld.idx.msk [tilespmem:v1+s5+$0x0], $0xffff;
	_ =	sdelay $0x4  }
0x24a: {  	[tilespmem:s31+$0x1C7D0] =	vst v1;
	v1 =	vld [tilespmem:s31+$0x1A7F0];
	_ =	sdelay $0x1  }
0x24b: {  	v0 =	vld.idx.msk [tilespmem:v0+s5+$0x0], $0xffff;
	_ =	sdelay $0x4  }
0x24c: {  	[tilespmem:s31+$0x1C7E0] =	vst v0  }
0x24d: {  	v0 =	vld.idx.msk [tilespmem:v1+s5+$0x0], $0xffff;
	_ =	sdelay $0x4  }
0x24e: {  	s29 =	sadd.s32 s28, s10;
	[tilespmem:s31+$0x1C7F0] =	vst v0  }
0x24f: {  	[hbm4b:s29+s14] =	stream.strided.scatter [tilespmem:s19], [sflag:$0x3], $0x800, s15, s14, $0x38;
	[tilespmem:$0x1D700] =	vst v63  }
0x250: {  	_ =	swait.ge [sflag:s22], $0x800  }
0x251: {  	[sflag:s22] =	ssyncset.done $0x0  }
0x252: {  	s29 =	simm.s32 $0x0;
	[sflag:s22] =	ssyncadd.s32 $0xFFFFF800  }
0x253: {  	v0 =	vld [tilespmem:s29+$0x1AF00];
	_ =	sdelay $0x5  }
0x254: {  	v1 =	vld [tilespmem:s29+$0x1AF10];
	_ =	sdelay $0x1  }
0x255: {  	v0 =	vld.idx.msk [tilespmem:v0+s5+$0x0], $0xffff;
	_ =	sdelay $0x4  }
0x256: {  	[tilespmem:s29+$0x1CF00] =	vst v0;
	v0 =	vld [tilespmem:s29+$0x1AF20]  }
0x257: {  	v1 =	vld.idx.msk [tilespmem:v1+s5+$0x0], $0xffff;
	_ =	sdelay $0x4  }
0x258: {  	[tilespmem:s29+$0x1CF10] =	vst v1;
	v1 =	vld [tilespmem:s29+$0x1AF30];
	_ =	sdelay $0x1  }
0x259: {  	v0 =	vld.idx.msk [tilespmem:v0+s5+$0x0], $0xffff;
	_ =	sdelay $0x4  }
0x25a: {  	[tilespmem:s29+$0x1CF20] =	vst v0;
	v0 =	vld [tilespmem:s29+$0x1AF40]  }
0x25b: {  	v1 =	vld.idx.msk [tilespmem:v1+s5+$0x0], $0xffff;
	_ =	sdelay $0x4  }
0x25c: {  	[tilespmem:s29+$0x1CF30] =	vst v1;
	v1 =	vld [tilespmem:s29+$0x1AF50];
	_ =	sdelay $0x1  }
0x25d: {  	v0 =	vld.idx.msk [tilespmem:v0+s5+$0x0], $0xffff;
	_ =	sdelay $0x4  }
0x25e: {  	[tilespmem:s29+$0x1CF40] =	vst v0;
	v0 =	vld [tilespmem:s29+$0x1AF60]  }
0x25f: {  	v1 =	vld.idx.msk [tilespmem:v1+s5+$0x0], $0xffff;
	_ =	sdelay $0x4  }
0x260: {  	[tilespmem:s29+$0x1CF50] =	vst v1;
	v1 =	vld [tilespmem:s29+$0x1AF70];
	_ =	sdelay $0x1  }
0x261: {  	v0 =	vld.idx.msk [tilespmem:v0+s5+$0x0], $0xffff;
	_ =	sdelay $0x4  }
0x262: {  	[tilespmem:s29+$0x1CF60] =	vst v0;
	v0 =	vld [tilespmem:s29+$0x1AF80]  }
0x263: {  	v1 =	vld.idx.msk [tilespmem:v1+s5+$0x0], $0xffff;
	_ =	sdelay $0x4  }
0x264: {  	[tilespmem:s29+$0x1CF70] =	vst v1;
	v1 =	vld [tilespmem:s29+$0x1AF90];
	_ =	sdelay $0x1  }
0x265: {  	v0 =	vld.idx.msk [tilespmem:v0+s5+$0x0], $0xffff;
	_ =	sdelay $0x4  }
0x266: {  	[tilespmem:s29+$0x1CF80] =	vst v0;
	v0 =	vld [tilespmem:s29+$0x1AFA0]  }
0x267: {  	v1 =	vld.idx.msk [tilespmem:v1+s5+$0x0], $0xffff;
	_ =	sdelay $0x4  }
0x268: {  	[tilespmem:s29+$0x1CF90] =	vst v1;
	v1 =	vld [tilespmem:s29+$0x1AFB0];
	_ =	sdelay $0x1  }
0x269: {  	v0 =	vld.idx.msk [tilespmem:v0+s5+$0x0], $0xffff;
	_ =	sdelay $0x4  }
0x26a: {  	[tilespmem:s29+$0x1CFA0] =	vst v0;
	v0 =	vld [tilespmem:s29+$0x1AFC0]  }
0x26b: {  	v1 =	vld.idx.msk [tilespmem:v1+s5+$0x0], $0xffff;
	_ =	sdelay $0x4  }
0x26c: {  	[tilespmem:s29+$0x1CFB0] =	vst v1;
	v1 =	vld [tilespmem:s29+$0x1AFD0];
	_ =	sdelay $0x1  }
0x26d: {  	v0 =	vld.idx.msk [tilespmem:v0+s5+$0x0], $0xffff;
	_ =	sdelay $0x4  }
0x26e: {  	v2 =	vld [tilespmem:s29+$0x1AFE0];
	[tilespmem:s29+$0x1CFC0] =	vst v0  }
0x26f: {  	v0 =	vld.idx.msk [tilespmem:v1+s5+$0x0], $0xffff;
	_ =	sdelay $0x4  }
0x270: {  	[tilespmem:s29+$0x1CFD0] =	vst v0;
	v0 =	vld [tilespmem:s29+$0x1AFF0];
	_ =	sdelay $0x1  }
0x271: {  	v1 =	vld.idx.msk [tilespmem:v2+s5+$0x0], $0xffff;
	_ =	sdelay $0x3  }
0x272: {  	s30 =	simm.s32 $0x800;
	s31 =	simm.s32 $0x100  }
.LBB2_17:
0x273: {  	p0 =	sne.s32 s30, $0x1C00;
	v2 =	vld [tilespmem:s31+$0x1AF00];
	[tilespmem:s29+$0x1CFE0] =	vst v1  }
0x274: {  	v0 =	vld.idx.msk [tilespmem:v0+s5+$0x0], $0xffff;
	_ =	sdelay $0x5  }
0x275: {  	v1 =	vld [tilespmem:s31+$0x1AF10];
	[tilespmem:s29+$0x1CFF0] =	vst v0;
	s29 =	smov.u32 s31  }
0x276: {  	v0 =	vld.idx.msk [tilespmem:v2+s5+$0x0], $0xffff;
	_ =	sdelay $0x5  }
0x277: {  	[tilespmem:s29+$0x1CF00] =	vst v0;
	v0 =	vld [tilespmem:s29+$0x1AF20]  }
0x278: {  	v1 =	vld.idx.msk [tilespmem:v1+s5+$0x0], $0xffff;
	_ =	sdelay $0x5  }
0x279: {  	[tilespmem:s29+$0x1CF10] =	vst v1;
	v1 =	vld [tilespmem:s29+$0x1AF30]  }
0x27a: {  	v0 =	vld.idx.msk [tilespmem:v0+s5+$0x0], $0xffff;
	_ =	sdelay $0x5  }
0x27b: {  	[tilespmem:s29+$0x1CF20] =	vst v0;
	v0 =	vld [tilespmem:s29+$0x1AF40]  }
0x27c: {  	v1 =	vld.idx.msk [tilespmem:v1+s5+$0x0], $0xffff;
	_ =	sdelay $0x5  }
0x27d: {  	[tilespmem:s29+$0x1CF30] =	vst v1;
	v1 =	vld [tilespmem:s29+$0x1AF50]  }
0x27e: {  	v0 =	vld.idx.msk [tilespmem:v0+s5+$0x0], $0xffff;
	_ =	sdelay $0x5  }
0x27f: {  	[tilespmem:s29+$0x1CF40] =	vst v0;
	v0 =	vld [tilespmem:s29+$0x1AF60]  }
0x280: {  	v1 =	vld.idx.msk [tilespmem:v1+s5+$0x0], $0xffff;
	_ =	sdelay $0x5  }
0x281: {  	[tilespmem:s29+$0x1CF50] =	vst v1;
	v1 =	vld [tilespmem:s29+$0x1AF70]  }
0x282: {  	v0 =	vld.idx.msk [tilespmem:v0+s5+$0x0], $0xffff;
	_ =	sdelay $0x5  }
0x283: {  	[tilespmem:s29+$0x1CF60] =	vst v0;
	v0 =	vld [tilespmem:s29+$0x1AF80]  }
0x284: {  	v1 =	vld.idx.msk [tilespmem:v1+s5+$0x0], $0xffff;
	_ =	sdelay $0x5  }
0x285: {  	[tilespmem:s29+$0x1CF70] =	vst v1;
	v1 =	vld [tilespmem:s29+$0x1AF90]  }
0x286: {  	v0 =	vld.idx.msk [tilespmem:v0+s5+$0x0], $0xffff;
	_ =	sdelay $0x5  }
0x287: {  	[tilespmem:s29+$0x1CF80] =	vst v0;
	v0 =	vld [tilespmem:s29+$0x1AFA0]  }
0x288: {  	v1 =	vld.idx.msk [tilespmem:v1+s5+$0x0], $0xffff;
	_ =	sdelay $0x5  }
0x289: {  	[tilespmem:s29+$0x1CF90] =	vst v1;
	v1 =	vld [tilespmem:s29+$0x1AFB0]  }
0x28a: {  	v0 =	vld.idx.msk [tilespmem:v0+s5+$0x0], $0xffff;
	_ =	sdelay $0x5  }
0x28b: {  	[tilespmem:s29+$0x1CFA0] =	vst v0;
	v0 =	vld [tilespmem:s29+$0x1AFC0]  }
0x28c: {  	v1 =	vld.idx.msk [tilespmem:v1+s5+$0x0], $0xffff;
	_ =	sdelay $0x5  }
0x28d: {  	[tilespmem:s29+$0x1CFB0] =	vst v1;
	v1 =	vld [tilespmem:s29+$0x1AFD0]  }
0x28e: {  	v0 =	vld.idx.msk [tilespmem:v0+s5+$0x0], $0xffff;
	_ =	sdelay $0x5  }
0x28f: {  	[tilespmem:s29+$0x1CFC0] =	vst v0;
	v2 =	vld [tilespmem:s29+$0x1AFE0]  }
0x290: {  	v0 =	vld.idx.msk [tilespmem:v1+s5+$0x0], $0xffff;
	_ =	sdelay $0x5  }
0x291: {  	[tilespmem:s29+$0x1CFD0] =	vst v0;
	v0 =	vld [tilespmem:s29+$0x1AFF0]  }
0x292: {  	v1 =	vld.idx.msk [tilespmem:v2+s5+$0x0], $0xffff  }
.Ltmp8:
0x293: {  	(pc) =	sbr.rel @p0 .LBB2_17-.Ltmp8, $2  }
0x294: {  	_ =	sdelay $0x2  }
0x295: {  	s31 =	sshra.s32 s30, $0x2;
	s30 =	sadd.s32 $0x400, s30  }
0x296: {  	_ =	sdelay $0x1  }
0x297: {  	v2 =	vld [tilespmem:s31+$0x1AF00]  }
0x298: {  	[tilespmem:s29+$0x1CFE0] =	vst v1  }
0x299: {  	v0 =	vld.idx.msk [tilespmem:v0+s5+$0x0], $0xffff;
	_ =	sdelay $0x3  }
0x29a: {  	v1 =	vld [tilespmem:s31+$0x1AF10]  }
0x29b: {  	[tilespmem:s29+$0x1CFF0] =	vst v0  }
0x29c: {  	v0 =	vld.idx.msk [tilespmem:v2+s5+$0x0], $0xffff;
	_ =	sdelay $0x4  }
0x29d: {  	[tilespmem:s31+$0x1CF00] =	vst v0;
	v0 =	vld [tilespmem:s31+$0x1AF20]  }
0x29e: {  	v1 =	vld.idx.msk [tilespmem:v1+s5+$0x0], $0xffff;
	_ =	sdelay $0x4  }
0x29f: {  	[tilespmem:s31+$0x1CF10] =	vst v1;
	v1 =	vld [tilespmem:s31+$0x1AF30];
	_ =	sdelay $0x1  }
0x2a0: {  	v0 =	vld.idx.msk [tilespmem:v0+s5+$0x0], $0xffff;
	_ =	sdelay $0x4  }
0x2a1: {  	[tilespmem:s31+$0x1CF20] =	vst v0;
	v0 =	vld [tilespmem:s31+$0x1AF40]  }
0x2a2: {  	v1 =	vld.idx.msk [tilespmem:v1+s5+$0x0], $0xffff;
	_ =	sdelay $0x4  }
0x2a3: {  	[tilespmem:s31+$0x1CF30] =	vst v1;
	v1 =	vld [tilespmem:s31+$0x1AF50];
	_ =	sdelay $0x1  }
0x2a4: {  	v0 =	vld.idx.msk [tilespmem:v0+s5+$0x0], $0xffff;
	_ =	sdelay $0x4  }
0x2a5: {  	[tilespmem:s31+$0x1CF40] =	vst v0;
	v0 =	vld [tilespmem:s31+$0x1AF60]  }
0x2a6: {  	v1 =	vld.idx.msk [tilespmem:v1+s5+$0x0], $0xffff;
	_ =	sdelay $0x4  }
0x2a7: {  	[tilespmem:s31+$0x1CF50] =	vst v1;
	v1 =	vld [tilespmem:s31+$0x1AF70];
	_ =	sdelay $0x1  }
0x2a8: {  	v0 =	vld.idx.msk [tilespmem:v0+s5+$0x0], $0xffff;
	_ =	sdelay $0x4  }
0x2a9: {  	[tilespmem:s31+$0x1CF60] =	vst v0;
	v0 =	vld [tilespmem:s31+$0x1AF80]  }
0x2aa: {  	v1 =	vld.idx.msk [tilespmem:v1+s5+$0x0], $0xffff;
	_ =	sdelay $0x4  }
0x2ab: {  	[tilespmem:s31+$0x1CF70] =	vst v1;
	v1 =	vld [tilespmem:s31+$0x1AF90];
	_ =	sdelay $0x1  }
0x2ac: {  	v0 =	vld.idx.msk [tilespmem:v0+s5+$0x0], $0xffff;
	_ =	sdelay $0x4  }
0x2ad: {  	[tilespmem:s31+$0x1CF80] =	vst v0;
	v0 =	vld [tilespmem:s31+$0x1AFA0]  }
0x2ae: {  	v1 =	vld.idx.msk [tilespmem:v1+s5+$0x0], $0xffff;
	_ =	sdelay $0x4  }
0x2af: {  	[tilespmem:s31+$0x1CF90] =	vst v1;
	v1 =	vld [tilespmem:s31+$0x1AFB0];
	_ =	sdelay $0x1  }
0x2b0: {  	v0 =	vld.idx.msk [tilespmem:v0+s5+$0x0], $0xffff;
	_ =	sdelay $0x4  }
0x2b1: {  	[tilespmem:s31+$0x1CFA0] =	vst v0;
	v0 =	vld [tilespmem:s31+$0x1AFC0]  }
0x2b2: {  	v1 =	vld.idx.msk [tilespmem:v1+s5+$0x0], $0xffff;
	_ =	sdelay $0x4  }
0x2b3: {  	[tilespmem:s31+$0x1CFB0] =	vst v1;
	v1 =	vld [tilespmem:s31+$0x1AFD0];
	_ =	sdelay $0x1  }
0x2b4: {  	v0 =	vld.idx.msk [tilespmem:v0+s5+$0x0], $0xffff;
	_ =	sdelay $0x4  }
0x2b5: {  	[tilespmem:s31+$0x1CFC0] =	vst v0;
	v0 =	vld [tilespmem:s31+$0x1AFE0]  }
0x2b6: {  	v1 =	vld.idx.msk [tilespmem:v1+s5+$0x0], $0xffff;
	_ =	sdelay $0x4  }
0x2b7: {  	[tilespmem:s31+$0x1CFD0] =	vst v1;
	v1 =	vld [tilespmem:s31+$0x1AFF0];
	_ =	sdelay $0x1  }
0x2b8: {  	v0 =	vld.idx.msk [tilespmem:v0+s5+$0x0], $0xffff;
	_ =	sdelay $0x4  }
0x2b9: {  	[tilespmem:s31+$0x1CFE0] =	vst v0  }
0x2ba: {  	v0 =	vld.idx.msk [tilespmem:v1+s5+$0x0], $0xffff;
	_ =	sdelay $0x4  }
0x2bb: {  	s29 =	sadd.s32 s28, s11;
	[tilespmem:s31+$0x1CFF0] =	vst v0  }
0x2bc: {  	[hbm4b:s29+s14] =	stream.strided.scatter [tilespmem:s20], [sflag:$0x4], $0x800, s15, s14, $0x38;
	[tilespmem:$0x1D700] =	vst v63  }
0x2bd: {  	_ =	swait.ge [sflag:s21], $0x800  }
0x2be: {  	[sflag:s21] =	ssyncset.done $0x0  }
0x2bf: {  	s29 =	simm.s32 $0x0;
	[sflag:s21] =	ssyncadd.s32 $0xFFFFF800  }
0x2c0: {  	v0 =	vld [tilespmem:s29+$0x1B700];
	_ =	sdelay $0x5  }
0x2c1: {  	v1 =	vld [tilespmem:s29+$0x1B710];
	_ =	sdelay $0x1  }
0x2c2: {  	v0 =	vld.idx.msk [tilespmem:v0+s5+$0x0], $0xffff;
	_ =	sdelay $0x4  }
0x2c3: {  	[tilespmem:s29+$0x1C700] =	vst v0;
	v0 =	vld [tilespmem:s29+$0x1B720]  }
0x2c4: {  	v1 =	vld.idx.msk [tilespmem:v1+s5+$0x0], $0xffff;
	_ =	sdelay $0x4  }
0x2c5: {  	[tilespmem:s29+$0x1C710] =	vst v1;
	v1 =	vld [tilespmem:s29+$0x1B730];
	_ =	sdelay $0x1  }
0x2c6: {  	v0 =	vld.idx.msk [tilespmem:v0+s5+$0x0], $0xffff;
	_ =	sdelay $0x4  }
0x2c7: {  	[tilespmem:s29+$0x1C720] =	vst v0;
	v0 =	vld [tilespmem:s29+$0x1B740]  }
0x2c8: {  	v1 =	vld.idx.msk [tilespmem:v1+s5+$0x0], $0xffff;
	_ =	sdelay $0x4  }
0x2c9: {  	[tilespmem:s29+$0x1C730] =	vst v1;
	v1 =	vld [tilespmem:s29+$0x1B750];
	_ =	sdelay $0x1  }
0x2ca: {  	v0 =	vld.idx.msk [tilespmem:v0+s5+$0x0], $0xffff;
	_ =	sdelay $0x4  }
0x2cb: {  	[tilespmem:s29+$0x1C740] =	vst v0;
	v0 =	vld [tilespmem:s29+$0x1B760]  }
0x2cc: {  	v1 =	vld.idx.msk [tilespmem:v1+s5+$0x0], $0xffff;
	_ =	sdelay $0x4  }
0x2cd: {  	[tilespmem:s29+$0x1C750] =	vst v1;
	v1 =	vld [tilespmem:s29+$0x1B770];
	_ =	sdelay $0x1  }
0x2ce: {  	v0 =	vld.idx.msk [tilespmem:v0+s5+$0x0], $0xffff;
	_ =	sdelay $0x4  }
0x2cf: {  	[tilespmem:s29+$0x1C760] =	vst v0;
	v0 =	vld [tilespmem:s29+$0x1B780]  }
0x2d0: {  	v1 =	vld.idx.msk [tilespmem:v1+s5+$0x0], $0xffff;
	_ =	sdelay $0x4  }
0x2d1: {  	[tilespmem:s29+$0x1C770] =	vst v1;
	v1 =	vld [tilespmem:s29+$0x1B790];
	_ =	sdelay $0x1  }
0x2d2: {  	v0 =	vld.idx.msk [tilespmem:v0+s5+$0x0], $0xffff;
	_ =	sdelay $0x4  }
0x2d3: {  	[tilespmem:s29+$0x1C780] =	vst v0;
	v0 =	vld [tilespmem:s29+$0x1B7A0]  }
0x2d4: {  	v1 =	vld.idx.msk [tilespmem:v1+s5+$0x0], $0xffff;
	_ =	sdelay $0x4  }
0x2d5: {  	[tilespmem:s29+$0x1C790] =	vst v1;
	v1 =	vld [tilespmem:s29+$0x1B7B0];
	_ =	sdelay $0x1  }
0x2d6: {  	v0 =	vld.idx.msk [tilespmem:v0+s5+$0x0], $0xffff;
	_ =	sdelay $0x4  }
0x2d7: {  	[tilespmem:s29+$0x1C7A0] =	vst v0;
	v0 =	vld [tilespmem:s29+$0x1B7C0]  }
0x2d8: {  	v1 =	vld.idx.msk [tilespmem:v1+s5+$0x0], $0xffff;
	_ =	sdelay $0x4  }
0x2d9: {  	[tilespmem:s29+$0x1C7B0] =	vst v1;
	v1 =	vld [tilespmem:s29+$0x1B7D0];
	_ =	sdelay $0x1  }
0x2da: {  	v0 =	vld.idx.msk [tilespmem:v0+s5+$0x0], $0xffff;
	_ =	sdelay $0x4  }
0x2db: {  	v2 =	vld [tilespmem:s29+$0x1B7E0];
	[tilespmem:s29+$0x1C7C0] =	vst v0  }
0x2dc: {  	v0 =	vld.idx.msk [tilespmem:v1+s5+$0x0], $0xffff;
	_ =	sdelay $0x4  }
0x2dd: {  	[tilespmem:s29+$0x1C7D0] =	vst v0;
	v0 =	vld [tilespmem:s29+$0x1B7F0];
	_ =	sdelay $0x1  }
0x2de: {  	v1 =	vld.idx.msk [tilespmem:v2+s5+$0x0], $0xffff;
	_ =	sdelay $0x3  }
0x2df: {  	s30 =	simm.s32 $0x800;
	s31 =	simm.s32 $0x100  }
.LBB2_19:
0x2e0: {  	p0 =	sne.s32 s30, $0x1C00;
	v2 =	vld [tilespmem:s31+$0x1B700];
	[tilespmem:s29+$0x1C7E0] =	vst v1  }
0x2e1: {  	v0 =	vld.idx.msk [tilespmem:v0+s5+$0x0], $0xffff;
	_ =	sdelay $0x5  }
0x2e2: {  	v1 =	vld [tilespmem:s31+$0x1B710];
	[tilespmem:s29+$0x1C7F0] =	vst v0;
	s29 =	smov.u32 s31  }
0x2e3: {  	v0 =	vld.idx.msk [tilespmem:v2+s5+$0x0], $0xffff;
	_ =	sdelay $0x5  }
0x2e4: {  	[tilespmem:s29+$0x1C700] =	vst v0;
	v0 =	vld [tilespmem:s29+$0x1B720]  }
0x2e5: {  	v1 =	vld.idx.msk [tilespmem:v1+s5+$0x0], $0xffff;
	_ =	sdelay $0x5  }
0x2e6: {  	[tilespmem:s29+$0x1C710] =	vst v1;
	v1 =	vld [tilespmem:s29+$0x1B730]  }
0x2e7: {  	v0 =	vld.idx.msk [tilespmem:v0+s5+$0x0], $0xffff;
	_ =	sdelay $0x5  }
0x2e8: {  	[tilespmem:s29+$0x1C720] =	vst v0;
	v0 =	vld [tilespmem:s29+$0x1B740]  }
0x2e9: {  	v1 =	vld.idx.msk [tilespmem:v1+s5+$0x0], $0xffff;
	_ =	sdelay $0x5  }
0x2ea: {  	[tilespmem:s29+$0x1C730] =	vst v1;
	v1 =	vld [tilespmem:s29+$0x1B750]  }
0x2eb: {  	v0 =	vld.idx.msk [tilespmem:v0+s5+$0x0], $0xffff;
	_ =	sdelay $0x5  }
0x2ec: {  	[tilespmem:s29+$0x1C740] =	vst v0;
	v0 =	vld [tilespmem:s29+$0x1B760]  }
0x2ed: {  	v1 =	vld.idx.msk [tilespmem:v1+s5+$0x0], $0xffff;
	_ =	sdelay $0x5  }
0x2ee: {  	[tilespmem:s29+$0x1C750] =	vst v1;
	v1 =	vld [tilespmem:s29+$0x1B770]  }
0x2ef: {  	v0 =	vld.idx.msk [tilespmem:v0+s5+$0x0], $0xffff;
	_ =	sdelay $0x5  }
0x2f0: {  	[tilespmem:s29+$0x1C760] =	vst v0;
	v0 =	vld [tilespmem:s29+$0x1B780]  }
0x2f1: {  	v1 =	vld.idx.msk [tilespmem:v1+s5+$0x0], $0xffff;
	_ =	sdelay $0x5  }
0x2f2: {  	[tilespmem:s29+$0x1C770] =	vst v1;
	v1 =	vld [tilespmem:s29+$0x1B790]  }
0x2f3: {  	v0 =	vld.idx.msk [tilespmem:v0+s5+$0x0], $0xffff;
	_ =	sdelay $0x5  }
0x2f4: {  	[tilespmem:s29+$0x1C780] =	vst v0;
	v0 =	vld [tilespmem:s29+$0x1B7A0]  }
0x2f5: {  	v1 =	vld.idx.msk [tilespmem:v1+s5+$0x0], $0xffff;
	_ =	sdelay $0x5  }
0x2f6: {  	[tilespmem:s29+$0x1C790] =	vst v1;
	v1 =	vld [tilespmem:s29+$0x1B7B0]  }
0x2f7: {  	v0 =	vld.idx.msk [tilespmem:v0+s5+$0x0], $0xffff;
	_ =	sdelay $0x5  }
0x2f8: {  	[tilespmem:s29+$0x1C7A0] =	vst v0;
	v0 =	vld [tilespmem:s29+$0x1B7C0]  }
0x2f9: {  	v1 =	vld.idx.msk [tilespmem:v1+s5+$0x0], $0xffff;
	_ =	sdelay $0x5  }
0x2fa: {  	[tilespmem:s29+$0x1C7B0] =	vst v1;
	v1 =	vld [tilespmem:s29+$0x1B7D0]  }
0x2fb: {  	v0 =	vld.idx.msk [tilespmem:v0+s5+$0x0], $0xffff;
	_ =	sdelay $0x5  }
0x2fc: {  	[tilespmem:s29+$0x1C7C0] =	vst v0;
	v2 =	vld [tilespmem:s29+$0x1B7E0]  }
0x2fd: {  	v0 =	vld.idx.msk [tilespmem:v1+s5+$0x0], $0xffff;
	_ =	sdelay $0x5  }
0x2fe: {  	[tilespmem:s29+$0x1C7D0] =	vst v0;
	v0 =	vld [tilespmem:s29+$0x1B7F0]  }
0x2ff: {  	v1 =	vld.idx.msk [tilespmem:v2+s5+$0x0], $0xffff  }
.Ltmp9:
0x300: {  	(pc) =	sbr.rel @p0 .LBB2_19-.Ltmp9, $2  }
0x301: {  	_ =	sdelay $0x2  }
0x302: {  	s31 =	sshra.s32 s30, $0x2;
	s30 =	sadd.s32 $0x400, s30  }
0x303: {  	_ =	sdelay $0x1  }
0x304: {  	v2 =	vld [tilespmem:s31+$0x1B700]  }
0x305: {  	[tilespmem:s29+$0x1C7E0] =	vst v1  }
0x306: {  	v0 =	vld.idx.msk [tilespmem:v0+s5+$0x0], $0xffff;
	_ =	sdelay $0x3  }
0x307: {  	v1 =	vld [tilespmem:s31+$0x1B710]  }
0x308: {  	[tilespmem:s29+$0x1C7F0] =	vst v0  }
0x309: {  	v0 =	vld.idx.msk [tilespmem:v2+s5+$0x0], $0xffff;
	_ =	sdelay $0x4  }
0x30a: {  	[tilespmem:s31+$0x1C700] =	vst v0;
	v0 =	vld [tilespmem:s31+$0x1B720]  }
0x30b: {  	v1 =	vld.idx.msk [tilespmem:v1+s5+$0x0], $0xffff;
	_ =	sdelay $0x4  }
0x30c: {  	[tilespmem:s31+$0x1C710] =	vst v1;
	v1 =	vld [tilespmem:s31+$0x1B730];
	_ =	sdelay $0x1  }
0x30d: {  	v0 =	vld.idx.msk [tilespmem:v0+s5+$0x0], $0xffff;
	_ =	sdelay $0x4  }
0x30e: {  	[tilespmem:s31+$0x1C720] =	vst v0;
	v0 =	vld [tilespmem:s31+$0x1B740]  }
0x30f: {  	v1 =	vld.idx.msk [tilespmem:v1+s5+$0x0], $0xffff;
	_ =	sdelay $0x4  }
0x310: {  	[tilespmem:s31+$0x1C730] =	vst v1;
	v1 =	vld [tilespmem:s31+$0x1B750];
	_ =	sdelay $0x1  }
0x311: {  	v0 =	vld.idx.msk [tilespmem:v0+s5+$0x0], $0xffff;
	_ =	sdelay $0x4  }
0x312: {  	[tilespmem:s31+$0x1C740] =	vst v0;
	v0 =	vld [tilespmem:s31+$0x1B760]  }
0x313: {  	v1 =	vld.idx.msk [tilespmem:v1+s5+$0x0], $0xffff;
	_ =	sdelay $0x4  }
0x314: {  	[tilespmem:s31+$0x1C750] =	vst v1;
	v1 =	vld [tilespmem:s31+$0x1B770];
	_ =	sdelay $0x1  }
0x315: {  	v0 =	vld.idx.msk [tilespmem:v0+s5+$0x0], $0xffff;
	_ =	sdelay $0x4  }
0x316: {  	[tilespmem:s31+$0x1C760] =	vst v0;
	v0 =	vld [tilespmem:s31+$0x1B780]  }
0x317: {  	v1 =	vld.idx.msk [tilespmem:v1+s5+$0x0], $0xffff;
	_ =	sdelay $0x4  }
0x318: {  	[tilespmem:s31+$0x1C770] =	vst v1;
	v1 =	vld [tilespmem:s31+$0x1B790];
	_ =	sdelay $0x1  }
0x319: {  	v0 =	vld.idx.msk [tilespmem:v0+s5+$0x0], $0xffff;
	_ =	sdelay $0x4  }
0x31a: {  	[tilespmem:s31+$0x1C780] =	vst v0;
	v0 =	vld [tilespmem:s31+$0x1B7A0]  }
0x31b: {  	v1 =	vld.idx.msk [tilespmem:v1+s5+$0x0], $0xffff;
	_ =	sdelay $0x4  }
0x31c: {  	[tilespmem:s31+$0x1C790] =	vst v1;
	v1 =	vld [tilespmem:s31+$0x1B7B0];
	_ =	sdelay $0x1  }
0x31d: {  	v0 =	vld.idx.msk [tilespmem:v0+s5+$0x0], $0xffff;
	_ =	sdelay $0x4  }
0x31e: {  	[tilespmem:s31+$0x1C7A0] =	vst v0;
	v0 =	vld [tilespmem:s31+$0x1B7C0]  }
0x31f: {  	v1 =	vld.idx.msk [tilespmem:v1+s5+$0x0], $0xffff;
	_ =	sdelay $0x4  }
0x320: {  	[tilespmem:s31+$0x1C7B0] =	vst v1;
	v1 =	vld [tilespmem:s31+$0x1B7D0];
	_ =	sdelay $0x1  }
0x321: {  	v0 =	vld.idx.msk [tilespmem:v0+s5+$0x0], $0xffff;
	_ =	sdelay $0x4  }
0x322: {  	[tilespmem:s31+$0x1C7C0] =	vst v0;
	v0 =	vld [tilespmem:s31+$0x1B7E0]  }
0x323: {  	v1 =	vld.idx.msk [tilespmem:v1+s5+$0x0], $0xffff;
	_ =	sdelay $0x4  }
0x324: {  	[tilespmem:s31+$0x1C7D0] =	vst v1;
	v1 =	vld [tilespmem:s31+$0x1B7F0];
	_ =	sdelay $0x1  }
0x325: {  	v0 =	vld.idx.msk [tilespmem:v0+s5+$0x0], $0xffff;
	_ =	sdelay $0x4  }
0x326: {  	[tilespmem:s31+$0x1C7E0] =	vst v0  }
0x327: {  	v0 =	vld.idx.msk [tilespmem:v1+s5+$0x0], $0xffff;
	_ =	sdelay $0x4  }
0x328: {  	s28 =	sadd.s32 s28, s12;
	[tilespmem:s31+$0x1C7F0] =	vst v0  }
0x329: {  	[hbm4b:s28+s14] =	stream.strided.scatter [tilespmem:s19], [sflag:$0x3], $0x800, s15, s14, $0x38;
	[tilespmem:$0x1D700] =	vst v63  }
0x32a: {  	_ =	swait.ge [sflag:s22], $0x800  }
0x32b: {  	[sflag:s22] =	ssyncset.done $0x0  }
0x32c: {  	s28 =	simm.s32 $0x0;
	[sflag:s22] =	ssyncadd.s32 $0xFFFFF800  }
0x32d: {  	v0 =	vld [tilespmem:s28+$0x1BF00];
	_ =	sdelay $0x5  }
0x32e: {  	v1 =	vld [tilespmem:s28+$0x1BF10];
	_ =	sdelay $0x1  }
0x32f: {  	v0 =	vld.idx.msk [tilespmem:v0+s5+$0x0], $0xffff;
	_ =	sdelay $0x4  }
0x330: {  	[tilespmem:s28+$0x1CF00] =	vst v0;
	v0 =	vld [tilespmem:s28+$0x1BF20]  }
0x331: {  	v1 =	vld.idx.msk [tilespmem:v1+s5+$0x0], $0xffff;
	_ =	sdelay $0x4  }
0x332: {  	[tilespmem:s28+$0x1CF10] =	vst v1;
	v1 =	vld [tilespmem:s28+$0x1BF30];
	_ =	sdelay $0x1  }
0x333: {  	v0 =	vld.idx.msk [tilespmem:v0+s5+$0x0], $0xffff;
	_ =	sdelay $0x4  }
0x334: {  	[tilespmem:s28+$0x1CF20] =	vst v0;
	v0 =	vld [tilespmem:s28+$0x1BF40]  }
0x335: {  	v1 =	vld.idx.msk [tilespmem:v1+s5+$0x0], $0xffff;
	_ =	sdelay $0x4  }
0x336: {  	[tilespmem:s28+$0x1CF30] =	vst v1;
	v1 =	vld [tilespmem:s28+$0x1BF50];
	_ =	sdelay $0x1  }
0x337: {  	v0 =	vld.idx.msk [tilespmem:v0+s5+$0x0], $0xffff;
	_ =	sdelay $0x4  }
0x338: {  	[tilespmem:s28+$0x1CF40] =	vst v0;
	v0 =	vld [tilespmem:s28+$0x1BF60]  }
0x339: {  	v1 =	vld.idx.msk [tilespmem:v1+s5+$0x0], $0xffff;
	_ =	sdelay $0x4  }
0x33a: {  	[tilespmem:s28+$0x1CF50] =	vst v1;
	v1 =	vld [tilespmem:s28+$0x1BF70];
	_ =	sdelay $0x1  }
0x33b: {  	v0 =	vld.idx.msk [tilespmem:v0+s5+$0x0], $0xffff;
	_ =	sdelay $0x4  }
0x33c: {  	[tilespmem:s28+$0x1CF60] =	vst v0;
	v0 =	vld [tilespmem:s28+$0x1BF80]  }
0x33d: {  	v1 =	vld.idx.msk [tilespmem:v1+s5+$0x0], $0xffff;
	_ =	sdelay $0x4  }
0x33e: {  	[tilespmem:s28+$0x1CF70] =	vst v1;
	v1 =	vld [tilespmem:s28+$0x1BF90];
	_ =	sdelay $0x1  }
0x33f: {  	v0 =	vld.idx.msk [tilespmem:v0+s5+$0x0], $0xffff;
	_ =	sdelay $0x4  }
0x340: {  	[tilespmem:s28+$0x1CF80] =	vst v0;
	v0 =	vld [tilespmem:s28+$0x1BFA0]  }
0x341: {  	v1 =	vld.idx.msk [tilespmem:v1+s5+$0x0], $0xffff;
	_ =	sdelay $0x4  }
0x342: {  	[tilespmem:s28+$0x1CF90] =	vst v1;
	v1 =	vld [tilespmem:s28+$0x1BFB0];
	_ =	sdelay $0x1  }
0x343: {  	v0 =	vld.idx.msk [tilespmem:v0+s5+$0x0], $0xffff;
	_ =	sdelay $0x4  }
0x344: {  	[tilespmem:s28+$0x1CFA0] =	vst v0;
	v0 =	vld [tilespmem:s28+$0x1BFC0]  }
0x345: {  	v1 =	vld.idx.msk [tilespmem:v1+s5+$0x0], $0xffff;
	_ =	sdelay $0x4  }
0x346: {  	[tilespmem:s28+$0x1CFB0] =	vst v1;
	v1 =	vld [tilespmem:s28+$0x1BFD0];
	_ =	sdelay $0x1  }
0x347: {  	v0 =	vld.idx.msk [tilespmem:v0+s5+$0x0], $0xffff;
	_ =	sdelay $0x4  }
0x348: {  	v2 =	vld [tilespmem:s28+$0x1BFE0];
	[tilespmem:s28+$0x1CFC0] =	vst v0  }
0x349: {  	v0 =	vld.idx.msk [tilespmem:v1+s5+$0x0], $0xffff;
	_ =	sdelay $0x4  }
0x34a: {  	[tilespmem:s28+$0x1CFD0] =	vst v0;
	v0 =	vld [tilespmem:s28+$0x1BFF0];
	_ =	sdelay $0x1  }
0x34b: {  	v1 =	vld.idx.msk [tilespmem:v2+s5+$0x0], $0xffff;
	_ =	sdelay $0x3  }
0x34c: {  	s30 =	simm.s32 $0x100;
	s29 =	simm.s32 $0x800  }
.LBB2_21:
0x34d: {  	p0 =	sne.s32 s29, $0x1C00;
	v2 =	vld [tilespmem:s30+$0x1BF00];
	[tilespmem:s28+$0x1CFE0] =	vst v1  }
0x34e: {  	v0 =	vld.idx.msk [tilespmem:v0+s5+$0x0], $0xffff;
	_ =	sdelay $0x5  }
0x34f: {  	v1 =	vld [tilespmem:s30+$0x1BF10];
	[tilespmem:s28+$0x1CFF0] =	vst v0;
	s28 =	smov.u32 s30  }
0x350: {  	v0 =	vld.idx.msk [tilespmem:v2+s5+$0x0], $0xffff;
	_ =	sdelay $0x5  }
0x351: {  	[tilespmem:s28+$0x1CF00] =	vst v0;
	v0 =	vld [tilespmem:s28+$0x1BF20]  }
0x352: {  	v1 =	vld.idx.msk [tilespmem:v1+s5+$0x0], $0xffff;
	_ =	sdelay $0x5  }
0x353: {  	[tilespmem:s28+$0x1CF10] =	vst v1;
	v1 =	vld [tilespmem:s28+$0x1BF30]  }
0x354: {  	v0 =	vld.idx.msk [tilespmem:v0+s5+$0x0], $0xffff;
	_ =	sdelay $0x5  }
0x355: {  	[tilespmem:s28+$0x1CF20] =	vst v0;
	v0 =	vld [tilespmem:s28+$0x1BF40]  }
0x356: {  	v1 =	vld.idx.msk [tilespmem:v1+s5+$0x0], $0xffff;
	_ =	sdelay $0x5  }
0x357: {  	[tilespmem:s28+$0x1CF30] =	vst v1;
	v1 =	vld [tilespmem:s28+$0x1BF50]  }
0x358: {  	v0 =	vld.idx.msk [tilespmem:v0+s5+$0x0], $0xffff;
	_ =	sdelay $0x5  }
0x359: {  	[tilespmem:s28+$0x1CF40] =	vst v0;
	v0 =	vld [tilespmem:s28+$0x1BF60]  }
0x35a: {  	v1 =	vld.idx.msk [tilespmem:v1+s5+$0x0], $0xffff;
	_ =	sdelay $0x5  }
0x35b: {  	[tilespmem:s28+$0x1CF50] =	vst v1;
	v1 =	vld [tilespmem:s28+$0x1BF70]  }
0x35c: {  	v0 =	vld.idx.msk [tilespmem:v0+s5+$0x0], $0xffff;
	_ =	sdelay $0x5  }
0x35d: {  	[tilespmem:s28+$0x1CF60] =	vst v0;
	v0 =	vld [tilespmem:s28+$0x1BF80]  }
0x35e: {  	v1 =	vld.idx.msk [tilespmem:v1+s5+$0x0], $0xffff;
	_ =	sdelay $0x5  }
0x35f: {  	[tilespmem:s28+$0x1CF70] =	vst v1;
	v1 =	vld [tilespmem:s28+$0x1BF90]  }
0x360: {  	v0 =	vld.idx.msk [tilespmem:v0+s5+$0x0], $0xffff;
	_ =	sdelay $0x5  }
0x361: {  	[tilespmem:s28+$0x1CF80] =	vst v0;
	v0 =	vld [tilespmem:s28+$0x1BFA0]  }
0x362: {  	v1 =	vld.idx.msk [tilespmem:v1+s5+$0x0], $0xffff;
	_ =	sdelay $0x5  }
0x363: {  	[tilespmem:s28+$0x1CF90] =	vst v1;
	v1 =	vld [tilespmem:s28+$0x1BFB0]  }
0x364: {  	v0 =	vld.idx.msk [tilespmem:v0+s5+$0x0], $0xffff;
	_ =	sdelay $0x5  }
0x365: {  	[tilespmem:s28+$0x1CFA0] =	vst v0;
	v0 =	vld [tilespmem:s28+$0x1BFC0]  }
0x366: {  	v1 =	vld.idx.msk [tilespmem:v1+s5+$0x0], $0xffff;
	_ =	sdelay $0x5  }
0x367: {  	[tilespmem:s28+$0x1CFB0] =	vst v1;
	v1 =	vld [tilespmem:s28+$0x1BFD0]  }
0x368: {  	v0 =	vld.idx.msk [tilespmem:v0+s5+$0x0], $0xffff;
	_ =	sdelay $0x5  }
0x369: {  	[tilespmem:s28+$0x1CFC0] =	vst v0;
	v2 =	vld [tilespmem:s28+$0x1BFE0]  }
0x36a: {  	v0 =	vld.idx.msk [tilespmem:v1+s5+$0x0], $0xffff;
	_ =	sdelay $0x5  }
0x36b: {  	[tilespmem:s28+$0x1CFD0] =	vst v0;
	v0 =	vld [tilespmem:s28+$0x1BFF0]  }
0x36c: {  	v1 =	vld.idx.msk [tilespmem:v2+s5+$0x0], $0xffff  }
.Ltmp10:
0x36d: {  	(pc) =	sbr.rel @p0 .LBB2_21-.Ltmp10, $2  }
0x36e: {  	_ =	sdelay $0x2  }
0x36f: {  	s30 =	sshra.s32 s29, $0x2;
	s29 =	sadd.s32 $0x400, s29  }
0x370: {  	_ =	sdelay $0x1  }
0x371: {  	v2 =	vld [tilespmem:s30+$0x1BF00]  }
0x372: {  	[tilespmem:s28+$0x1CFE0] =	vst v1  }
0x373: {  	v0 =	vld.idx.msk [tilespmem:v0+s5+$0x0], $0xffff;
	_ =	sdelay $0x3  }
0x374: {  	v1 =	vld [tilespmem:s30+$0x1BF10]  }
0x375: {  	[tilespmem:s28+$0x1CFF0] =	vst v0  }
0x376: {  	v0 =	vld.idx.msk [tilespmem:v2+s5+$0x0], $0xffff;
	_ =	sdelay $0x3  }
0x377: {  	v50 =	vld [tilespmem:s30+$0x1BF20]  }
0x378: {  	[tilespmem:s30+$0x1CF00] =	vst v0  }
0x379: {  	v1 =	vld.idx.msk [tilespmem:v1+s5+$0x0], $0xffff;
	_ =	sdelay $0x3  }
0x37a: {  	v51 =	vld [tilespmem:s30+$0x1BF30]  }
0x37b: {  	[tilespmem:s30+$0x1CF10] =	vst v1  }
0x37c: {  	v0 =	vld.idx.msk [tilespmem:v50+s5+$0x0], $0xffff;
	_ =	sdelay $0x3  }
0x37d: {  	v52 =	vld [tilespmem:s30+$0x1BF40]  }
0x37e: {  	[tilespmem:s30+$0x1CF20] =	vst v0  }
0x37f: {  	v1 =	vld.idx.msk [tilespmem:v51+s5+$0x0], $0xffff;
	_ =	sdelay $0x3  }
0x380: {  	v53 =	vld [tilespmem:s30+$0x1BF50]  }
0x381: {  	[tilespmem:s30+$0x1CF30] =	vst v1  }
0x382: {  	v0 =	vld.idx.msk [tilespmem:v52+s5+$0x0], $0xffff;
	_ =	sdelay $0x3  }
0x383: {  	v54 =	vld [tilespmem:s30+$0x1BF60]  }
0x384: {  	[tilespmem:s30+$0x1CF40] =	vst v0  }
0x385: {  	v1 =	vld.idx.msk [tilespmem:v53+s5+$0x0], $0xffff;
	_ =	sdelay $0x3  }
0x386: {  	v55 =	vld [tilespmem:s30+$0x1BF70]  }
0x387: {  	[tilespmem:s30+$0x1CF50] =	vst v1  }
0x388: {  	v0 =	vld.idx.msk [tilespmem:v54+s5+$0x0], $0xffff;
	_ =	sdelay $0x3  }
0x389: {  	v56 =	vld [tilespmem:s30+$0x1BF80]  }
0x38a: {  	[tilespmem:s30+$0x1CF60] =	vst v0  }
0x38b: {  	v1 =	vld.idx.msk [tilespmem:v55+s5+$0x0], $0xffff;
	_ =	sdelay $0x3  }
0x38c: {  	v57 =	vld [tilespmem:s30+$0x1BF90]  }
0x38d: {  	[tilespmem:s30+$0x1CF70] =	vst v1  }
0x38e: {  	v0 =	vld.idx.msk [tilespmem:v56+s5+$0x0], $0xffff;
	_ =	sdelay $0x3  }
0x38f: {  	v58 =	vld [tilespmem:s30+$0x1BFA0]  }
0x390: {  	[tilespmem:s30+$0x1CF80] =	vst v0  }
0x391: {  	v1 =	vld.idx.msk [tilespmem:v57+s5+$0x0], $0xffff;
	_ =	sdelay $0x3  }
0x392: {  	v59 =	vld [tilespmem:s30+$0x1BFB0]  }
0x393: {  	[tilespmem:s30+$0x1CF90] =	vst v1  }
0x394: {  	v0 =	vld.idx.msk [tilespmem:v58+s5+$0x0], $0xffff;
	_ =	sdelay $0x3  }
0x395: {  	v60 =	vld [tilespmem:s30+$0x1BFC0]  }
0x396: {  	[tilespmem:s30+$0x1CFA0] =	vst v0  }
0x397: {  	v1 =	vld.idx.msk [tilespmem:v59+s5+$0x0], $0xffff;
	_ =	sdelay $0x3  }
0x398: {  	v61 =	vld [tilespmem:s30+$0x1BFD0]  }
0x399: {  	[tilespmem:s30+$0x1CFB0] =	vst v1  }
0x39a: {  	v0 =	vld.idx.msk [tilespmem:v60+s5+$0x0], $0xffff;
	_ =	sdelay $0x3  }
0x39b: {  	v62 =	vld [tilespmem:s30+$0x1BFE0]  }
0x39c: {  	[tilespmem:s30+$0x1CFC0] =	vst v0  }
0x39d: {  	v1 =	vld.idx.msk [tilespmem:v61+s5+$0x0], $0xffff;
	_ =	sdelay $0x3  }
0x39e: {  	v63 =	vld [tilespmem:s30+$0x1BFF0]  }
0x39f: {  	[tilespmem:s30+$0x1CFD0] =	vst v1  }
0x3a0: {  	v0 =	vld.idx.msk [tilespmem:v62+s5+$0x0], $0xffff;
	_ =	sdelay $0x4  }
0x3a1: {  	[tilespmem:s30+$0x1CFE0] =	vst v0  }
0x3a2: {  	s24 =	sadd.s32 $0x1, s24;
	v0 =	vld.idx.msk [tilespmem:v63+s5+$0x0], $0xffff  }
0x3a3: {  	p0 =	sne.s32 s24, $0x1A  }
.Ltmp11:
0x3a4: {  	s25 =	sor.u32 s26, s25;
	(pc) =	sbr.rel @p0 .LBB2_2-.Ltmp11, $4  }
0x3a5: {  	s25 =	sshrl.u32 s25, $0x3  }
0x3a6: {  	s25 =	sor.u32 $0x3800, s25  }
0x3a7: {  	s25 =	sadd.s32 s3, s25;
	[tilespmem:s30+$0x1CFF0] =	vst v0  }
0x3a8: {  	[hbm4b:s25+s14] =	stream.strided.scatter [tilespmem:s20], [sflag:$0x4], $0x800, s15, s14, $0x38;
	[tilespmem:$0x1D700] =	vst v63  }
0x3a9: {  	s23 =	sadd.s32 $0x1, s23  }
0x3aa: {  	_ =	swait.ge [sflag:s21], $0x800;
	p0 =	sne.s32 s23, s13  }
.Ltmp12:
0x3ab: {  	[sflag:s21] =	ssyncset.done $0x0;
	(pc) =	sbr.rel @p0 .LBB2_1-.Ltmp12, $4  }
0x3ac: {  	[sflag:s21] =	ssyncadd.s32 $0xFFFFF800  }
0x3ad: {  	_ =	swait.ge [sflag:s22], $0x800  }
0x3ae: {  	[sflag:s22] =	ssyncset.done $0x0  }
0x3af: {  	[sflag:s22] =	ssyncadd.s32 $0xFFFFF800  }
0x3b0: {  	_ =	sfence.sel $0x180000  }
0x3b1: {  	[bflag:$0x0] =	sbarrier.arrive $0xFFFF  }
0x3b2: {  	p0 =	sne.s32 s4, $0x0;
	_ =	strace $0x90000047  }
0x3b3: {  	s0 =	sadd.s32 @!p0 $0x100000, s0;
	[bflag:$0x2] =	sbarrier.arrive $0xFFFF  }
0x3b4: {  	[sflag:s0] =	ssyncadd.tile.s32 @!p0 $0x1;
	_ =	shalt  }
.Lfunc_end2:
_tile_overlayer_lowered:
.L_overlay_start_2:
0x3b5: {  	(tag) =	ssettag $0x2  }
0x3b6: {  	s0 =	rddreg [dreg:$0x0];
	s2 =	stileid.u32  }
0x3b7: {  	s1 =	rddreg [dreg:$0x1];
	p0 =	sne.s32 s2, $0x0  }
0x3b8: {  	s3 =	rddreg [dreg:$0x2];
	[bflag:$0x3] =	sbarrier.arrive $0xFFFF;
	s2 =	simm.s32 @!p0 $0x1C05  }
0x3b9: {  	[timem:s3], [sflag:s2] =	dma.local @!p0 [hbm:s0], s1  }
0x3ba: {  	s0 =	simm.s32 @!p0 $0x5  }
0x3bb: {  	_ =	swait.ge @!p0 [sflag:s0], s1  }
0x3bc: {  	s1 =	ssub.s32 @!p0 $0x0, s1;
	[sflag:s0] =	ssyncset.done @!p0 $0x0  }
0x3bd: {  	[sflag:s0] =	ssyncadd.s32 @!p0 s1  }
0x3be: {  	[bflag:$0x3] =	sbarrier.arrive $0xFFFF  }
0x3bf: {  	_ =	shalt  }

</sc_bundles>
